<compile_context>
chip_gen: v7x
topology: tpu7x:2x2x1
jax: 0.10.2.dev20260603
libtpu: 0.0.44.dev20260713+nightly
codegen_flags: <defaults>
</compile_context>

<pallas_src>
import functools
import jax
import jax.numpy as jnp
from jax import lax
from jax.experimental import pallas as pl
from jax.experimental.pallas import tpu as pltpu
from jax.experimental.pallas import tpu_sc as plsc

N = 10000
E = 160000
D = 256
H = 128
NP = 10240
RT = 512
NRT = NP // RT
K = 128
NCHUNK = E // K
NTILES = 16
NW = 32
EPW = E // NW

_mesh = lambda: plsc.VectorSubcoreMesh(core_axis_name="c", subcore_axis_name="s")


def _deg_body(dst_hbm, out_hbm, dbuf, acc):
    c = lax.axis_index("c")
    s = lax.axis_index("s")
    w = s * 2 + c

    def zero(i, _):
        acc[pl.ds(i * 16, 16)] = jnp.zeros((16,), jnp.float32)
        return 0
    lax.fori_loop(0, NP // 16, zero, 0)

    dbuf[pl.ds(EPW - 16, 16)] = jnp.zeros((16,), jnp.int32)
    dbuf[pl.ds(EPW, 16)] = jnp.zeros((16,), jnp.int32)
    pltpu.sync_copy(dst_hbm.at[pl.ds(w * EPW, EPW)], dbuf.at[pl.ds(0, EPW)])

    ones = jnp.full((16,), 1.0, jnp.float32)

    def body(i, _):
        idx = dbuf[pl.ds(i * 16, 16)]
        plsc.addupdate_scatter(acc, [idx], ones)
        return 0
    lax.fori_loop(0, EPW // 16, body, 0)
    idx = dbuf[pl.ds((EPW // 16) * 16, 16)]
    mask = lax.broadcasted_iota(jnp.int32, (16,), 0) < (EPW % 16)
    plsc.addupdate_scatter(acc, [idx], ones, mask=mask)

    pltpu.sync_copy(acc, out_hbm.at[w])


@functools.partial(
    pl.kernel,
    out_type=jax.ShapeDtypeStruct((NW, NP), jnp.float32),
    mesh=_mesh(),
    scratch_types=[
        pltpu.VMEM((EPW + 16,), jnp.int32),
        pltpu.VMEM((NP,), jnp.float32),
    ],
    compiler_params=pltpu.CompilerParams(needs_layout_passes=False),
)
def _deg_kernel(dst_hbm, out_hbm, dbuf, acc):
    _deg_body(dst_hbm, out_hbm, dbuf, acc)


K = 128
NCHUNK = E // K


def _agg_init(tbl, acc, s):
    base = s * (NP // NTILES)
    pltpu.sync_copy(tbl.at[pl.ds(base, NP // NTILES)],
                    acc.at[pl.ds(base, NP // NTILES)])


def _agg_edges(tbl, acc, s, sd_hbm, sdA, sdB, rowsA, rowsB,
               ixa, ixb, ga, gb):
    n = 78 + jnp.where(s < NCHUNK - 78 * NTILES, 1, 0)

    def load(i, buf, sem):
        pltpu.async_copy(sd_hbm.at[s + NTILES * i], buf, sem)

    def wait_ix(buf, sem):
        pltpu.make_async_copy(sd_hbm.at[0], buf, sem).wait()

    def gather(idx, rows, sem):
        pltpu.async_copy(tbl.at[idx.at[0]], rows, sem)

    def wait_g(rows, sem):
        pltpu.make_async_copy(tbl.at[sdA.at[0]], rows, sem).wait()

    def scatter(idx, rows):
        pltpu.sync_copy(rows, acc.at[idx.at[1]], add=True)

    load(0, sdA, ixa)
    load(1, sdB, ixb)
    wait_ix(sdA, ixa)
    gather(sdA, rowsA, ga)

    def body(j, _):
        wait_g(rowsA, ga)
        wait_ix(sdB, ixb)
        gather(sdB, rowsB, gb)
        scatter(sdA, rowsA)

        @pl.when(2 * j + 2 < n)
        def _():
            load(2 * j + 2, sdA, ixa)

        wait_g(rowsB, gb)

        @pl.when(2 * j + 2 < n)
        def _():
            wait_ix(sdA, ixa)
            gather(sdA, rowsA, ga)
        scatter(sdB, rowsB)

        @pl.when(2 * j + 3 < n)
        def _():
            load(2 * j + 3, sdB, ixb)
        return 0
    lax.fori_loop(0, n // 2, body, 0)

    @pl.when(n % 2 == 1)
    def _():
        wait_g(rowsA, ga)
        scatter(sdA, rowsA)


def _agg_writeout(out, acc, s):
    base = s * (NP // NTILES)
    pltpu.sync_copy(acc.at[pl.ds(base, NP // NTILES)],
                    out.at[pl.ds(base, NP // NTILES)])


@functools.partial(
    pl.kernel,
    out_type=(
        jax.ShapeDtypeStruct((NP, H), jnp.float32),
        jax.ShapeDtypeStruct((NP, H), jnp.float32),
    ),
    mesh=_mesh(),
    scratch_types=[
        pltpu.VMEM((2, K), jnp.int32),
        pltpu.VMEM((2, K), jnp.int32),
        pltpu.VMEM((K, H), jnp.float32),
        pltpu.VMEM((K, H), jnp.float32),
        pltpu.VMEM_SHARED((NP, H), jnp.float32),
        pltpu.SemaphoreType.DMA,
        pltpu.SemaphoreType.DMA,
        pltpu.SemaphoreType.DMA,
        pltpu.SemaphoreType.DMA,
    ],
    compiler_params=pltpu.CompilerParams(needs_layout_passes=False),
)
def _agg_kernel(h0, h1, sd_hbm, o0, o1, sdA, sdB, rowsA, rowsB, acc,
                ixa, ixb, ga, gb):
    c = lax.axis_index("c")
    s = lax.axis_index("s")

    @pl.when(c == 0)
    def _():
        _agg_init(h0, acc, s)

    @pl.when(c == 1)
    def _():
        _agg_init(h1, acc, s)

    plsc.subcore_barrier()

    @pl.when(c == 0)
    def _():
        _agg_edges(h0, acc, s, sd_hbm, sdA, sdB, rowsA, rowsB,
                   ixa, ixb, ga, gb)

    @pl.when(c == 1)
    def _():
        _agg_edges(h1, acc, s, sd_hbm, sdA, sdB, rowsA, rowsB,
                   ixa, ixb, ga, gb)

    plsc.subcore_barrier()

    @pl.when(c == 0)
    def _():
        _agg_writeout(o0, acc, s)

    @pl.when(c == 1)
    def _():
        _agg_writeout(o1, acc, s)


def _tc1_body(x_ref, w_ref, degp_ref, h0_ref, h1_ref, dis_ref):
    j = pl.program_id(0)
    deg = jnp.sum(degp_ref[...], axis=0) + 1.0
    dis = lax.rsqrt(deg)
    mm = jnp.dot(x_ref[...], w_ref[...], preferred_element_type=jnp.float32)
    row = j * RT + lax.broadcasted_iota(jnp.int32, (RT, 1), 0)
    hp = jnp.where(row < N, mm * dis[:, None], 0.0)
    h0_ref[...] = hp[:, :H]
    h1_ref[...] = hp[:, H:]
    dis_ref[...] = dis[:, None]


def _tc1(x, W1, degp):
    return pl.pallas_call(
        _tc1_body,
        grid=(NRT,),
        in_specs=[
            pl.BlockSpec((RT, D), lambda j: (j, 0)),
            pl.BlockSpec((D, D), lambda j: (0, 0)),
            pl.BlockSpec((NW, RT), lambda j: (0, j)),
        ],
        out_specs=[
            pl.BlockSpec((RT, H), lambda j: (j, 0)),
            pl.BlockSpec((RT, H), lambda j: (j, 0)),
            pl.BlockSpec((RT, 1), lambda j: (j, 0)),
        ],
        out_shape=[
            jax.ShapeDtypeStruct((NP, H), jnp.float32),
            jax.ShapeDtypeStruct((NP, H), jnp.float32),
            jax.ShapeDtypeStruct((NP, 1), jnp.float32),
        ],
    )(x, W1, degp)


def _bn_accum(j, z, scr):
    @pl.when(j == 0)
    def _():
        scr[...] = jnp.zeros_like(scr)

    @pl.when(j < NRT)
    def _():
        scr[...] += jnp.stack([jnp.sum(z, axis=0), jnp.sum(z * z, axis=0)])


def _bn_apply(z, scr, g_ref, be_ref):
    m = scr[0:1, :] * (1.0 / N)
    v = scr[1:2, :] * (1.0 / N) - m * m
    return jnp.maximum((z - m) * lax.rsqrt(v + 1e-5) * g_ref[...]
                       + be_ref[...], 0.0)


def _tcmid_body(a0_ref, a1_ref, dis_ref, g_ref, be_ref, w_ref,
                h0_ref, h1_ref, scr):
    j = pl.program_id(0)
    dis = dis_ref[...]
    z = jnp.concatenate([a0_ref[...] * dis, a1_ref[...] * dis], axis=1)
    _bn_accum(j, z, scr)

    @pl.when(j >= NRT)
    def _():
        y = _bn_apply(z, scr, g_ref, be_ref)
        mm = jnp.dot(y, w_ref[...], preferred_element_type=jnp.float32)
        row = (j - NRT) * RT + lax.broadcasted_iota(jnp.int32, (RT, 1), 0)
        hp = jnp.where(row < N, mm * dis, 0.0)
        h0_ref[...] = hp[:, :H]
        h1_ref[...] = hp[:, H:]


def _tcmid(a0, a1, dis2d, g, be, W2):
    blk = lambda j: (lax.rem(j, NRT), 0)
    out_blk = lambda j: (jnp.maximum(j - NRT, 0), 0)
    return pl.pallas_call(
        _tcmid_body,
        grid=(2 * NRT,),
        in_specs=[
            pl.BlockSpec((RT, H), blk),
            pl.BlockSpec((RT, H), blk),
            pl.BlockSpec((RT, 1), blk),
            pl.BlockSpec((1, D), lambda j: (0, 0)),
            pl.BlockSpec((1, D), lambda j: (0, 0)),
            pl.BlockSpec((D, D), lambda j: (0, 0)),
        ],
        out_specs=[
            pl.BlockSpec((RT, H), out_blk),
            pl.BlockSpec((RT, H), out_blk),
        ],
        out_shape=[
            jax.ShapeDtypeStruct((NP, H), jnp.float32),
            jax.ShapeDtypeStruct((NP, H), jnp.float32),
        ],
        scratch_shapes=[pltpu.VMEM((2, D), jnp.float32)],
    )(a0, a1, dis2d, g, be, W2)


def _tcfin_body(a0_ref, a1_ref, dis_ref, g_ref, be_ref, out_ref, scr):
    j = pl.program_id(0)
    dis = dis_ref[...]
    z = jnp.concatenate([a0_ref[...] * dis, a1_ref[...] * dis], axis=1)
    _bn_accum(j, z, scr)

    @pl.when(j >= NRT)
    def _():
        out_ref[...] = _bn_apply(z, scr, g_ref, be_ref)


def _tcfin(a0, a1, dis2d, g, be):
    blk = lambda j: (lax.rem(j, NRT), 0)
    out_blk = lambda j: (jnp.maximum(j - NRT, 0), 0)
    return pl.pallas_call(
        _tcfin_body,
        grid=(2 * NRT,),
        in_specs=[
            pl.BlockSpec((RT, H), blk),
            pl.BlockSpec((RT, H), blk),
            pl.BlockSpec((RT, 1), blk),
            pl.BlockSpec((1, D), lambda j: (0, 0)),
            pl.BlockSpec((1, D), lambda j: (0, 0)),
        ],
        out_specs=pl.BlockSpec((RT, D), out_blk),
        out_shape=jax.ShapeDtypeStruct((N, D), jnp.float32),
        scratch_shapes=[pltpu.VMEM((2, D), jnp.float32)],
    )(a0, a1, dis2d, g, be)


def kernel(x, support, W1, b1, g1, be1, W2, b2, g2, be2):
    del b1, b2
    src = support[0].astype(jnp.int32)
    dst = support[1].astype(jnp.int32)
    g1r = g1.reshape(1, D)
    be1r = be1.reshape(1, D)
    g2r = g2.reshape(1, D)
    be2r = be2.reshape(1, D)

    sd = jnp.stack([src.reshape(NCHUNK, K), dst.reshape(NCHUNK, K)], axis=1)

    degp = _deg_kernel(dst)
    h0, h1, dis2d = _tc1(x, W1, degp)
    a0, a1 = _agg_kernel(h0, h1, sd)
    h20, h21 = _tcmid(a0, a1, dis2d, g1r, be1r, W2)
    b0u, b1u = _agg_kernel(h20, h21, sd)
    return _tcfin(b0u, b1u, dis2d, g2r, be2r)

# --- scband reference (transcript-rebuilt; emitter-appended) ---
"""Pipeline reference for scband-gcn-52707838656704 (READ-ONLY COPY).

The authoritative reference and input builder live on the scoring server;
editing this copy changes nothing except your own understanding.
"""

import jax, jax.numpy as jnp
import numpy as np

N = 10000
E = 160000
D = 256


def setup_inputs(seed: int = 0) -> dict:
    key = jax.random.key(seed)
    ks = jax.random.split(key, 12)
    x = jax.random.normal(ks[0], (N, D), dtype=jnp.float32)
    support = jax.random.randint(ks[1], (2, E), 0, N)
    scale = 1.0 / np.sqrt(D)
    W1 = jax.random.normal(ks[2], (D, D), dtype=jnp.float32) * scale
    b1 = jnp.zeros((D,), dtype=jnp.float32)
    g1 = jnp.ones((D,), dtype=jnp.float32)
    be1 = jnp.zeros((D,), dtype=jnp.float32)
    W2 = jax.random.normal(ks[3], (D, D), dtype=jnp.float32) * scale
    b2 = jnp.zeros((D,), dtype=jnp.float32)
    g2 = jnp.ones((D,), dtype=jnp.float32)
    be2 = jnp.zeros((D,), dtype=jnp.float32)
    return {"x": x, "support": support, "W1": W1, "b1": b1, "g1": g1, "be1": be1, "W2": W2, "b2": b2, "g2": g2, "be2": be2}


def _gcn_conv(x, src, dst, W, b):
    # GCNConv: linear transform, add self loops, symmetric normalization, scatter-add aggregate
    n = x.shape[0]
    h = x @ W
    loop = jnp.arange(n, dtype=src.dtype)
    s = jnp.concatenate([src, loop])
    d = jnp.concatenate([dst, loop])
    deg = jnp.zeros((n,), dtype=h.dtype).at[d].add(1.0)
    dis = jax.lax.rsqrt(jnp.maximum(deg, 1.0))
    norm = dis[s] * dis[d]
    msg = h[s] * norm[:, None]
    out = jax.ops.segment_sum(msg, d, num_segments=n)
    return out + b


def _bn(x, g, be):
    m = jnp.mean(x, axis=0)
    v = jnp.var(x, axis=0)
    return (x - m) * jax.lax.rsqrt(v + 1e-5) * g + be


def reference(x, support, W1, b1, g1, be1, W2, b2, g2, be2):
    src = support[0]
    dst = support[1]
    # layer 1: GCNConv -> BatchNorm1d (batch stats) -> ReLU -> dropout (identity, eval)
    h = _gcn_conv(x, src, dst, W1, b1)
    h = _bn(h, g1, be1)
    h = jax.nn.relu(h)
    # layer 2: GCNConv -> BatchNorm1d -> ReLU -> dropout (identity, eval)
    h = _gcn_conv(h, src, dst, W2, b2)
    h = _bn(h, g2, be2)
    h = jax.nn.relu(h)
    return h

if __name__ == "__main__":
    import jax
    _d = setup_inputs()
    print(jax.jit(kernel)(*tuple(_d.values())))

</pallas_src>

<mosaic_0001>
#map = affine_map<(d0, d1) -> (0, 0)>
#map1 = affine_map<(d0, d1) -> (0, 0, 0)>
module attributes {stable_mosaic.version = 14 : i64} {
  func.func @_agg_kernel(%arg0: i32, %arg1: i32, %arg2: memref<10240x128xf32, #tpu.memory_space<hbm>>, %arg3: memref<10240x128xf32, #tpu.memory_space<hbm>>, %arg4: memref<1250x2x128xi32, #tpu.memory_space<hbm>>, %arg5: memref<10240x128xf32, #tpu.memory_space<hbm>>, %arg6: memref<10240x128xf32, #tpu.memory_space<hbm>>, %arg7: memref<2x128xi32, #tpu.memory_space<vmem>>, %arg8: memref<2x128xi32, #tpu.memory_space<vmem>>, %arg9: memref<128x128xf32, #tpu.memory_space<vmem>>, %arg10: memref<128x128xf32, #tpu.memory_space<vmem>>, %arg11: memref<10240x128xf32, #tpu.memory_space<vmem_shared>>, %arg12: memref<!tpu.dma_semaphore, #tpu.memory_space<semaphore_mem>>, %arg13: memref<!tpu.dma_semaphore, #tpu.memory_space<semaphore_mem>>, %arg14: memref<!tpu.dma_semaphore, #tpu.memory_space<semaphore_mem>>, %arg15: memref<!tpu.dma_semaphore, #tpu.memory_space<semaphore_mem>>) attributes {dimension_semantics = [#tpu.dimension_semantics<core_parallel>, #tpu.dimension_semantics<subcore_parallel>], iteration_bounds = array<i64: 2, 16>, scalar_prefetch = 0 : i64, scratch_operands = 9 : i64, tpu.core_type = #tpu.core_type<sc_vector_subcore>, window_params = [{transform_indices = #map}, {transform_indices = #map}, {transform_indices = #map1}, {transform_indices = #map}, {transform_indices = #map}]} {
    %eq3A = arith.constant 0 : i32
    %eq3A_0 = arith.cmpi eq, %arg0, %eq3A : i32
    %convert_element_type3A = arith.extui %eq3A_0 : i1 to i32
    %cond3A = arith.constant 0 : i32
    %cond3A_1 = arith.cmpi ne, %convert_element_type3A, %cond3A : i32
    scf.if %cond3A_1 {
      %mul3A = arith.constant 640 : i32
      %mul3A_28 = arith.muli %arg1, %mul3A : i32
      "tpu.region"() ({
        %run_scoped3A = tpu.sem_alloc : memref<!tpu.dma_semaphore, #tpu.memory_space<semaphore_mem>>
        %dma_start3A = arith.constant 0 : i32
        %dma_start3A_29 = tpu.memref_slice %arg11[%mul3A_28, %dma_start3A] : memref<10240x128xf32, #tpu.memory_space<vmem_shared>> -> memref<640x128xf32, #tpu.memory_space<vmem_shared>>
        %dma_start3A_30 = arith.constant 0 : i32
        %dma_start3A_31 = tpu.memref_slice %arg2[%mul3A_28, %dma_start3A_30] : memref<10240x128xf32, #tpu.memory_space<hbm>> -> memref<640x128xf32, #tpu.memory_space<hbm>>
        tpu.enqueue_dma source(%dma_start3A_31 : memref<640x128xf32, #tpu.memory_space<hbm>>) target(%dma_start3A_29 : memref<640x128xf32, #tpu.memory_space<vmem_shared>>) target_semaphore(%run_scoped3A : memref<!tpu.dma_semaphore, #tpu.memory_space<semaphore_mem>>)
        %dma_wait3A = arith.constant 0 : i32
        %dma_wait3A_32 = tpu.memref_slice %arg11[%mul3A_28, %dma_wait3A] : memref<10240x128xf32, #tpu.memory_space<vmem_shared>> -> memref<640x128xf32, #tpu.memory_space<vmem_shared>>
        %dma_wait3A_33 = arith.constant 0 : i32
        %dma_wait3A_34 = tpu.memref_slice %arg2[%mul3A_28, %dma_wait3A_33] : memref<10240x128xf32, #tpu.memory_space<hbm>> -> memref<640x128xf32, #tpu.memory_space<hbm>>
        tpu.wait_dma2 semaphore(%run_scoped3A : memref<!tpu.dma_semaphore, #tpu.memory_space<semaphore_mem>>) src(%dma_wait3A_34 : memref<640x128xf32, #tpu.memory_space<hbm>>) dst(%dma_wait3A_32 : memref<640x128xf32, #tpu.memory_space<vmem_shared>>)
        tpu.yield
      }) : () -> ()
    } else {
    }
    %eq3A_2 = arith.constant 1 : i32
    %eq3A_3 = arith.cmpi eq, %arg0, %eq3A_2 : i32
    %convert_element_type3A_4 = arith.extui %eq3A_3 : i1 to i32
    %cond3A_5 = arith.constant 0 : i32
    %cond3A_6 = arith.cmpi ne, %convert_element_type3A_4, %cond3A_5 : i32
    scf.if %cond3A_6 {
      %mul3A = arith.constant 640 : i32
      %mul3A_28 = arith.muli %arg1, %mul3A : i32
      "tpu.region"() ({
        %run_scoped3A = tpu.sem_alloc : memref<!tpu.dma_semaphore, #tpu.memory_space<semaphore_mem>>
        %dma_start3A = arith.constant 0 : i32
        %dma_start3A_29 = tpu.memref_slice %arg11[%mul3A_28, %dma_start3A] : memref<10240x128xf32, #tpu.memory_space<vmem_shared>> -> memref<640x128xf32, #tpu.memory_space<vmem_shared>>
        %dma_start3A_30 = arith.constant 0 : i32
        %dma_start3A_31 = tpu.memref_slice %arg3[%mul3A_28, %dma_start3A_30] : memref<10240x128xf32, #tpu.memory_space<hbm>> -> memref<640x128xf32, #tpu.memory_space<hbm>>
        tpu.enqueue_dma source(%dma_start3A_31 : memref<640x128xf32, #tpu.memory_space<hbm>>) target(%dma_start3A_29 : memref<640x128xf32, #tpu.memory_space<vmem_shared>>) target_semaphore(%run_scoped3A : memref<!tpu.dma_semaphore, #tpu.memory_space<semaphore_mem>>)
        %dma_wait3A = arith.constant 0 : i32
        %dma_wait3A_32 = tpu.memref_slice %arg11[%mul3A_28, %dma_wait3A] : memref<10240x128xf32, #tpu.memory_space<vmem_shared>> -> memref<640x128xf32, #tpu.memory_space<vmem_shared>>
        %dma_wait3A_33 = arith.constant 0 : i32
        %dma_wait3A_34 = tpu.memref_slice %arg3[%mul3A_28, %dma_wait3A_33] : memref<10240x128xf32, #tpu.memory_space<hbm>> -> memref<640x128xf32, #tpu.memory_space<hbm>>
        tpu.wait_dma2 semaphore(%run_scoped3A : memref<!tpu.dma_semaphore, #tpu.memory_space<semaphore_mem>>) src(%dma_wait3A_34 : memref<640x128xf32, #tpu.memory_space<hbm>>) dst(%dma_wait3A_32 : memref<640x128xf32, #tpu.memory_space<vmem_shared>>)
        tpu.yield
      }) : () -> ()
    } else {
    }
    %barrier3A = arith.constant 0 : index
    tpu.barrier barrier_id(%barrier3A)
    %eq3A_7 = arith.constant 0 : i32
    %eq3A_8 = arith.cmpi eq, %arg0, %eq3A_7 : i32
    %convert_element_type3A_9 = arith.extui %eq3A_8 : i1 to i32
    %cond3A_10 = arith.constant 0 : i32
    %cond3A_11 = arith.cmpi ne, %convert_element_type3A_9, %cond3A_10 : i32
    scf.if %cond3A_11 {
      %lt3A = arith.constant 2 : i32
      %lt3A_28 = arith.cmpi slt, %arg1, %lt3A : i32
      %jit3A = arith.constant 1 : i32
      %jit3A_29 = arith.constant 0 : i32
      %select_n3A = arith.select %lt3A_28, %jit3A, %jit3A_29 : i32
      %add3A = arith.constant 78 : i32
      %add3A_30 = arith.addi %add3A, %select_n3A : i32
      %add3A_31 = arith.constant 0 : i32
      %add3A_32 = arith.addi %arg1, %add3A_31 : i32
      %dma_start3A = arith.constant 0 : i32
      %dma_start3A_33 = arith.constant 0 : i32
      %dma_start3A_34 = tpu.memref_slice %arg4[%add3A_32, %dma_start3A, %dma_start3A_33] : memref<1250x2x128xi32, #tpu.memory_space<hbm>> -> memref<1x2x128xi32, #tpu.memory_space<hbm>>
      %dma_start3A_35 = tpu.memref_squeeze %dma_start3A_34 : memref<1x2x128xi32, #tpu.memory_space<hbm>> -> memref<2x128xi32, #tpu.memory_space<hbm>>
      %dma_start3A_36 = arith.constant 0 : i32
      %dma_start3A_37 = arith.constant 0 : i32
      %dma_start3A_38 = tpu.memref_slice %arg4[%add3A_32, %dma_start3A_36, %dma_start3A_37] : memref<1250x2x128xi32, #tpu.memory_space<hbm>> -> memref<1x2x128xi32, #tpu.memory_space<hbm>>
      %dma_start3A_39 = tpu.memref_squeeze %dma_start3A_38 : memref<1x2x128xi32, #tpu.memory_space<hbm>> -> memref<2x128xi32, #tpu.memory_space<hbm>>
      tpu.enqueue_dma source(%dma_start3A_39 : memref<2x128xi32, #tpu.memory_space<hbm>>) target(%arg7 : memref<2x128xi32, #tpu.memory_space<vmem>>) target_semaphore(%arg12 : memref<!tpu.dma_semaphore, #tpu.memory_space<semaphore_mem>>)
      %add3A_40 = arith.constant 16 : i32
      %add3A_41 = arith.addi %arg1, %add3A_40 : i32
      %dma_start3A_42 = arith.constant 0 : i32
      %dma_start3A_43 = arith.constant 0 : i32
      %dma_start3A_44 = tpu.memref_slice %arg4[%add3A_41, %dma_start3A_42, %dma_start3A_43] : memref<1250x2x128xi32, #tpu.memory_space<hbm>> -> memref<1x2x128xi32, #tpu.memory_space<hbm>>
      %dma_start3A_45 = tpu.memref_squeeze %dma_start3A_44 : memref<1x2x128xi32, #tpu.memory_space<hbm>> -> memref<2x128xi32, #tpu.memory_space<hbm>>
      %dma_start3A_46 = arith.constant 0 : i32
      %dma_start3A_47 = arith.constant 0 : i32
      %dma_start3A_48 = tpu.memref_slice %arg4[%add3A_41, %dma_start3A_46, %dma_start3A_47] : memref<1250x2x128xi32, #tpu.memory_space<hbm>> -> memref<1x2x128xi32, #tpu.memory_space<hbm>>
      %dma_start3A_49 = tpu.memref_squeeze %dma_start3A_48 : memref<1x2x128xi32, #tpu.memory_space<hbm>> -> memref<2x128xi32, #tpu.memory_space<hbm>>
      tpu.enqueue_dma source(%dma_start3A_49 : memref<2x128xi32, #tpu.memory_space<hbm>>) target(%arg8 : memref<2x128xi32, #tpu.memory_space<vmem>>) target_semaphore(%arg13 : memref<!tpu.dma_semaphore, #tpu.memory_space<semaphore_mem>>)
      %dma_wait3A = arith.constant 0 : i32
      %dma_wait3A_50 = arith.constant 0 : i32
      %dma_wait3A_51 = arith.constant 0 : i32
      %dma_wait3A_52 = tpu.memref_slice %arg4[%dma_wait3A, %dma_wait3A_50, %dma_wait3A_51] : memref<1250x2x128xi32, #tpu.memory_space<hbm>> -> memref<1x2x128xi32, #tpu.memory_space<hbm>>
      %dma_wait3A_53 = tpu.memref_squeeze %dma_wait3A_52 : memref<1x2x128xi32, #tpu.memory_space<hbm>> -> memref<2x128xi32, #tpu.memory_space<hbm>>
      %dma_wait3A_54 = arith.constant 0 : i32
      %dma_wait3A_55 = arith.constant 0 : i32
      %dma_wait3A_56 = tpu.memref_slice %arg4[%dma_wait3A, %dma_wait3A_54, %dma_wait3A_55] : memref<1250x2x128xi32, #tpu.memory_space<hbm>> -> memref<1x2x128xi32, #tpu.memory_space<hbm>>
      %dma_wait3A_57 = tpu.memref_squeeze %dma_wait3A_56 : memref<1x2x128xi32, #tpu.memory_space<hbm>> -> memref<2x128xi32, #tpu.memory_space<hbm>>
      tpu.wait_dma2 semaphore(%arg12 : memref<!tpu.dma_semaphore, #tpu.memory_space<semaphore_mem>>) src(%dma_wait3A_57 : memref<2x128xi32, #tpu.memory_space<hbm>>) dst(%arg7 : memref<2x128xi32, #tpu.memory_space<vmem>>)
      %dma_start3A_58 = arith.constant 0 : i32
      %dma_start3A_59 = arith.constant 0 : i32
      %dma_start3A_60 = tpu.memref_slice %arg7[%dma_start3A_58, %dma_start3A_59] : memref<2x128xi32, #tpu.memory_space<vmem>> -> memref<1x128xi32, #tpu.memory_space<vmem>>
      %dma_start3A_61 = tpu.memref_squeeze %dma_start3A_60 : memref<1x128xi32, #tpu.memory_space<vmem>> -> memref<128xi32, #tpu.memory_space<vmem>>
      %dma_start3A_62 = arith.constant 0 : i32
      %dma_start3A_63 = arith.constant 0 : i32
      %dma_start3A_64 = tpu.memref_slice %arg2[%dma_start3A_62, %dma_start3A_63] : memref<10240x128xf32, #tpu.memory_space<hbm>> -> memref<10240x128xf32, #tpu.memory_space<hbm>>
      tpu.enqueue_indirect_dma source(%dma_start3A_64 : memref<10240x128xf32, #tpu.memory_space<hbm>>) target(%arg9 : memref<128x128xf32, #tpu.memory_space<vmem>>) offsets(%dma_start3A_61 : memref<128xi32, #tpu.memory_space<vmem>>) semaphore(%arg14 : memref<!tpu.dma_semaphore, #tpu.memory_space<semaphore_mem>>)
      %jit3A_65 = arith.constant 2 : i32
      %div3A = arith.divsi %add3A_30, %jit3A_65 : i32
      %sign3A = arith.constant 0 : i32
      %sign3A_66 = arith.cmpi sgt, %add3A_30, %sign3A : i32
      %sign3A_67 = arith.extui %sign3A_66 : i1 to i32
      %sign3A_68 = arith.constant 0 : i32
      %sign3A_69 = arith.cmpi slt, %add3A_30, %sign3A_68 : i32
      %sign3A_70 = arith.extui %sign3A_69 : i1 to i32
      %sign3A_71 = arith.subi %sign3A_67, %sign3A_70 : i32
      %sign3A_72 = arith.constant 0 : i32
      %sign3A_73 = arith.cmpi sgt, %jit3A_65, %sign3A_72 : i32
      %sign3A_74 = arith.extui %sign3A_73 : i1 to i32
      %sign3A_75 = arith.constant 0 : i32
      %sign3A_76 = arith.cmpi slt, %jit3A_65, %sign3A_75 : i32
      %sign3A_77 = arith.extui %sign3A_76 : i1 to i32
      %sign3A_78 = arith.subi %sign3A_74, %sign3A_77 : i32
      %ne3A = arith.cmpi ne, %sign3A_71, %sign3A_78 : i32
      %rem3A = arith.remsi %add3A_30, %jit3A_65 : i32
      %ne3A_79 = arith.constant 0 : i32
      %ne3A_80 = arith.cmpi ne, %rem3A, %ne3A_79 : i32
      %and3A = arith.andi %ne3A, %ne3A_80 : i1
      %sub3A = arith.constant 1 : i32
      %sub3A_81 = arith.subi %div3A, %sub3A : i32
      %select_n3A_82 = arith.select %and3A, %sub3A_81, %div3A : i32
      %while3A = arith.constant 0 : i32
      %while3A_83 = arith.constant 0 : i32
      %while3A_84 = arith.subi %select_n3A_82, %while3A : i32
      %while3A_85 = arith.addi %while3A, %while3A_84 : i32
      %while3A_86 = arith.constant 1 : i32
      %while3A_87 = arith.divsi %while3A_84, %while3A_86 : i32
      %while3A_88 = arith.muli %while3A_87, %while3A_86 : i32
      %while3A_89 = arith.addi %while3A, %while3A_88 : i32
      %while3A_90 = arith.constant 1 : i32
      %while3A_91 = scf.for %while3A_115 = %while3A to %while3A_89 step %while3A_90 iter_args(%while3A_116 = %while3A_83) -> (i32)  : i32 {
        %dma_wait3A_117 = arith.constant 0 : i32
        %dma_wait3A_118 = arith.constant 0 : i32
        %dma_wait3A_119 = tpu.memref_slice %arg7[%dma_wait3A_117, %dma_wait3A_118] : memref<2x128xi32, #tpu.memory_space<vmem>> -> memref<1x128xi32, #tpu.memory_space<vmem>>
        %dma_wait3A_120 = tpu.memref_squeeze %dma_wait3A_119 : memref<1x128xi32, #tpu.memory_space<vmem>> -> memref<128xi32, #tpu.memory_space<vmem>>
        %dma_wait3A_121 = arith.constant 0 : i32
        %dma_wait3A_122 = arith.constant 0 : i32
        %dma_wait3A_123 = tpu.memref_slice %arg2[%dma_wait3A_121, %dma_wait3A_122] : memref<10240x128xf32, #tpu.memory_space<hbm>> -> memref<10240x128xf32, #tpu.memory_space<hbm>>
        tpu.wait_indirect_dma semaphore(%arg14 : memref<!tpu.dma_semaphore, #tpu.memory_space<semaphore_mem>>) src(%dma_wait3A_123 : memref<10240x128xf32, #tpu.memory_space<hbm>>) dst(%arg9 : memref<128x128xf32, #tpu.memory_space<vmem>>)
        %dma_wait3A_124 = arith.constant 0 : i32
        %dma_wait3A_125 = arith.constant 0 : i32
        %dma_wait3A_126 = arith.constant 0 : i32
        %dma_wait3A_127 = tpu.memref_slice %arg4[%dma_wait3A_124, %dma_wait3A_125, %dma_wait3A_126] : memref<1250x2x128xi32, #tpu.memory_space<hbm>> -> memref<1x2x128xi32, #tpu.memory_space<hbm>>
        %dma_wait3A_128 = tpu.memref_squeeze %dma_wait3A_127 : memref<1x2x128xi32, #tpu.memory_space<hbm>> -> memref<2x128xi32, #tpu.memory_space<hbm>>
        %dma_wait3A_129 = arith.constant 0 : i32
        %dma_wait3A_130 = arith.constant 0 : i32
        %dma_wait3A_131 = tpu.memref_slice %arg4[%dma_wait3A_124, %dma_wait3A_129, %dma_wait3A_130] : memref<1250x2x128xi32, #tpu.memory_space<hbm>> -> memref<1x2x128xi32, #tpu.memory_space<hbm>>
        %dma_wait3A_132 = tpu.memref_squeeze %dma_wait3A_131 : memref<1x2x128xi32, #tpu.memory_space<hbm>> -> memref<2x128xi32, #tpu.memory_space<hbm>>
        tpu.wait_dma2 semaphore(%arg13 : memref<!tpu.dma_semaphore, #tpu.memory_space<semaphore_mem>>) src(%dma_wait3A_132 : memref<2x128xi32, #tpu.memory_space<hbm>>) dst(%arg8 : memref<2x128xi32, #tpu.memory_space<vmem>>)
        %dma_start3A_133 = arith.constant 0 : i32
        %dma_start3A_134 = arith.constant 0 : i32
        %dma_start3A_135 = tpu.memref_slice %arg8[%dma_start3A_133, %dma_start3A_134] : memref<2x128xi32, #tpu.memory_space<vmem>> -> memref<1x128xi32, #tpu.memory_space<vmem>>
        %dma_start3A_136 = tpu.memref_squeeze %dma_start3A_135 : memref<1x128xi32, #tpu.memory_space<vmem>> -> memref<128xi32, #tpu.memory_space<vmem>>
        %dma_start3A_137 = arith.constant 0 : i32
        %dma_start3A_138 = arith.constant 0 : i32
        %dma_start3A_139 = tpu.memref_slice %arg2[%dma_start3A_137, %dma_start3A_138] : memref<10240x128xf32, #tpu.memory_space<hbm>> -> memref<10240x128xf32, #tpu.memory_space<hbm>>
        tpu.enqueue_indirect_dma source(%dma_start3A_139 : memref<10240x128xf32, #tpu.memory_space<hbm>>) target(%arg10 : memref<128x128xf32, #tpu.memory_space<vmem>>) offsets(%dma_start3A_136 : memref<128xi32, #tpu.memory_space<vmem>>) semaphore(%arg15 : memref<!tpu.dma_semaphore, #tpu.memory_space<semaphore_mem>>)
        %run_scoped3A = arith.constant 1 : i32
        "tpu.region"() ({
          %run_scoped3A_172 = tpu.sem_alloc : memref<!tpu.dma_semaphore, #tpu.memory_space<semaphore_mem>>
          %dma_start3A_173 = arith.constant 0 : i32
          %dma_start3A_174 = tpu.memref_slice %arg7[%run_scoped3A, %dma_start3A_173] : memref<2x128xi32, #tpu.memory_space<vmem>> -> memref<1x128xi32, #tpu.memory_space<vmem>>
          %dma_start3A_175 = tpu.memref_squeeze %dma_start3A_174 : memref<1x128xi32, #tpu.memory_space<vmem>> -> memref<128xi32, #tpu.memory_space<vmem>>
          %dma_start3A_176 = arith.constant 0 : i32
          %dma_start3A_177 = arith.constant 0 : i32
          %dma_start3A_178 = tpu.memref_slice %arg11[%dma_start3A_176, %dma_start3A_177] : memref<10240x128xf32, #tpu.memory_space<vmem_shared>> -> memref<10240x128xf32, #tpu.memory_space<vmem_shared>>
          tpu.enqueue_indirect_dma source(%arg9 : memref<128x128xf32, #tpu.memory_space<vmem>>) target(%dma_start3A_178 : memref<10240x128xf32, #tpu.memory_space<vmem_shared>>) offsets(%dma_start3A_175 : memref<128xi32, #tpu.memory_space<vmem>>) semaphore(%run_scoped3A_172 : memref<!tpu.dma_semaphore, #tpu.memory_space<semaphore_mem>>) {add = true}
          %dma_wait3A_179 = arith.constant 0 : i32
          %dma_wait3A_180 = tpu.memref_slice %arg7[%run_scoped3A, %dma_wait3A_179] : memref<2x128xi32, #tpu.memory_space<vmem>> -> memref<1x128xi32, #tpu.memory_space<vmem>>
          %dma_wait3A_181 = tpu.memref_squeeze %dma_wait3A_180 : memref<1x128xi32, #tpu.memory_space<vmem>> -> memref<128xi32, #tpu.memory_space<vmem>>
          %dma_wait3A_182 = arith.constant 0 : i32
          %dma_wait3A_183 = arith.constant 0 : i32
          %dma_wait3A_184 = tpu.memref_slice %arg11[%dma_wait3A_182, %dma_wait3A_183] : memref<10240x128xf32, #tpu.memory_space<vmem_shared>> -> memref<10240x128xf32, #tpu.memory_space<vmem_shared>>
          tpu.wait_indirect_dma semaphore(%run_scoped3A_172 : memref<!tpu.dma_semaphore, #tpu.memory_space<semaphore_mem>>) src(%arg9 : memref<128x128xf32, #tpu.memory_space<vmem>>) dst(%dma_wait3A_184 : memref<10240x128xf32, #tpu.memory_space<vmem_shared>>)
          tpu.yield
        }) : () -> ()
        %mul3A = arith.constant 2 : i32
        %mul3A_140 = arith.muli %mul3A, %while3A_115 : i32
        %add3A_141 = arith.constant 2 : i32
        %add3A_142 = arith.addi %mul3A_140, %add3A_141 : i32
        %lt3A_143 = arith.cmpi slt, %add3A_142, %add3A_30 : i32
        %convert_element_type3A_144 = arith.extui %lt3A_143 : i1 to i32
        %cond3A_145 = arith.constant 0 : i32
        %cond3A_146 = arith.cmpi ne, %convert_element_type3A_144, %cond3A_145 : i32
        scf.if %cond3A_146 {
          %mul3A_172 = arith.constant 2 : i32
          %mul3A_173 = arith.muli %mul3A_172, %while3A_115 : i32
          %add3A_174 = arith.constant 2 : i32
          %add3A_175 = arith.addi %mul3A_173, %add3A_174 : i32
          %mul3A_176 = arith.constant 16 : i32
          %mul3A_177 = arith.muli %mul3A_176, %add3A_175 : i32
          %add3A_178 = arith.addi %arg1, %mul3A_177 : i32
          %dma_start3A_179 = arith.constant 0 : i32
          %dma_start3A_180 = arith.constant 0 : i32
          %dma_start3A_181 = tpu.memref_slice %arg4[%add3A_178, %dma_start3A_179, %dma_start3A_180] : memref<1250x2x128xi32, #tpu.memory_space<hbm>> -> memref<1x2x128xi32, #tpu.memory_space<hbm>>
          %dma_start3A_182 = tpu.memref_squeeze %dma_start3A_181 : memref<1x2x128xi32, #tpu.memory_space<hbm>> -> memref<2x128xi32, #tpu.memory_space<hbm>>
          %dma_start3A_183 = arith.constant 0 : i32
          %dma_start3A_184 = arith.constant 0 : i32
          %dma_start3A_185 = tpu.memref_slice %arg4[%add3A_178, %dma_start3A_183, %dma_start3A_184] : memref<1250x2x128xi32, #tpu.memory_space<hbm>> -> memref<1x2x128xi32, #tpu.memory_space<hbm>>
          %dma_start3A_186 = tpu.memref_squeeze %dma_start3A_185 : memref<1x2x128xi32, #tpu.memory_space<hbm>> -> memref<2x128xi32, #tpu.memory_space<hbm>>
          tpu.enqueue_dma source(%dma_start3A_186 : memref<2x128xi32, #tpu.memory_space<hbm>>) target(%arg7 : memref<2x128xi32, #tpu.memory_space<vmem>>) target_semaphore(%arg12 : memref<!tpu.dma_semaphore, #tpu.memory_space<semaphore_mem>>)
        } else {
        }
        %dma_wait3A_147 = arith.constant 0 : i32
        %dma_wait3A_148 = arith.constant 0 : i32
        %dma_wait3A_149 = tpu.memref_slice %arg7[%dma_wait3A_147, %dma_wait3A_148] : memref<2x128xi32, #tpu.memory_space<vmem>> -> memref<1x128xi32, #tpu.memory_space<vmem>>
        %dma_wait3A_150 = tpu.memref_squeeze %dma_wait3A_149 : memref<1x128xi32, #tpu.memory_space<vmem>> -> memref<128xi32, #tpu.memory_space<vmem>>
        %dma_wait3A_151 = arith.constant 0 : i32
        %dma_wait3A_152 = arith.constant 0 : i32
        %dma_wait3A_153 = tpu.memref_slice %arg2[%dma_wait3A_151, %dma_wait3A_152] : memref<10240x128xf32, #tpu.memory_space<hbm>> -> memref<10240x128xf32, #tpu.memory_space<hbm>>
        tpu.wait_indirect_dma semaphore(%arg15 : memref<!tpu.dma_semaphore, #tpu.memory_space<semaphore_mem>>) src(%dma_wait3A_153 : memref<10240x128xf32, #tpu.memory_space<hbm>>) dst(%arg10 : memref<128x128xf32, #tpu.memory_space<vmem>>)
        %mul3A_154 = arith.constant 2 : i32
        %mul3A_155 = arith.muli %mul3A_154, %while3A_115 : i32
        %add3A_156 = arith.constant 2 : i32
        %add3A_157 = arith.addi %mul3A_155, %add3A_156 : i32
        %lt3A_158 = arith.cmpi slt, %add3A_157, %add3A_30 : i32
        %convert_element_type3A_159 = arith.extui %lt3A_158 : i1 to i32
        %cond3A_160 = arith.constant 0 : i32
        %cond3A_161 = arith.cmpi ne, %convert_element_type3A_159, %cond3A_160 : i32
        scf.if %cond3A_161 {
          %dma_wait3A_172 = arith.constant 0 : i32
          %dma_wait3A_173 = arith.constant 0 : i32
          %dma_wait3A_174 = arith.constant 0 : i32
          %dma_wait3A_175 = tpu.memref_slice %arg4[%dma_wait3A_172, %dma_wait3A_173, %dma_wait3A_174] : memref<1250x2x128xi32, #tpu.memory_space<hbm>> -> memref<1x2x128xi32, #tpu.memory_space<hbm>>
          %dma_wait3A_176 = tpu.memref_squeeze %dma_wait3A_175 : memref<1x2x128xi32, #tpu.memory_space<hbm>> -> memref<2x128xi32, #tpu.memory_space<hbm>>
          %dma_wait3A_177 = arith.constant 0 : i32
          %dma_wait3A_178 = arith.constant 0 : i32
          %dma_wait3A_179 = tpu.memref_slice %arg4[%dma_wait3A_172, %dma_wait3A_177, %dma_wait3A_178] : memref<1250x2x128xi32, #tpu.memory_space<hbm>> -> memref<1x2x128xi32, #tpu.memory_space<hbm>>
          %dma_wait3A_180 = tpu.memref_squeeze %dma_wait3A_179 : memref<1x2x128xi32, #tpu.memory_space<hbm>> -> memref<2x128xi32, #tpu.memory_space<hbm>>
          tpu.wait_dma2 semaphore(%arg12 : memref<!tpu.dma_semaphore, #tpu.memory_space<semaphore_mem>>) src(%dma_wait3A_180 : memref<2x128xi32, #tpu.memory_space<hbm>>) dst(%arg7 : memref<2x128xi32, #tpu.memory_space<vmem>>)
          %dma_start3A_181 = arith.constant 0 : i32
          %dma_start3A_182 = arith.constant 0 : i32
          %dma_start3A_183 = tpu.memref_slice %arg7[%dma_start3A_181, %dma_start3A_182] : memref<2x128xi32, #tpu.memory_space<vmem>> -> memref<1x128xi32, #tpu.memory_space<vmem>>
          %dma_start3A_184 = tpu.memref_squeeze %dma_start3A_183 : memref<1x128xi32, #tpu.memory_space<vmem>> -> memref<128xi32, #tpu.memory_space<vmem>>
          %dma_start3A_185 = arith.constant 0 : i32
          %dma_start3A_186 = arith.constant 0 : i32
          %dma_start3A_187 = tpu.memref_slice %arg2[%dma_start3A_185, %dma_start3A_186] : memref<10240x128xf32, #tpu.memory_space<hbm>> -> memref<10240x128xf32, #tpu.memory_space<hbm>>
          tpu.enqueue_indirect_dma source(%dma_start3A_187 : memref<10240x128xf32, #tpu.memory_space<hbm>>) target(%arg9 : memref<128x128xf32, #tpu.memory_space<vmem>>) offsets(%dma_start3A_184 : memref<128xi32, #tpu.memory_space<vmem>>) semaphore(%arg14 : memref<!tpu.dma_semaphore, #tpu.memory_space<semaphore_mem>>)
        } else {
        }
        %run_scoped3A_162 = arith.constant 1 : i32
        "tpu.region"() ({
          %run_scoped3A_172 = tpu.sem_alloc : memref<!tpu.dma_semaphore, #tpu.memory_space<semaphore_mem>>
          %dma_start3A_173 = arith.constant 0 : i32
          %dma_start3A_174 = tpu.memref_slice %arg8[%run_scoped3A_162, %dma_start3A_173] : memref<2x128xi32, #tpu.memory_space<vmem>> -> memref<1x128xi32, #tpu.memory_space<vmem>>
          %dma_start3A_175 = tpu.memref_squeeze %dma_start3A_174 : memref<1x128xi32, #tpu.memory_space<vmem>> -> memref<128xi32, #tpu.memory_space<vmem>>
          %dma_start3A_176 = arith.constant 0 : i32
          %dma_start3A_177 = arith.constant 0 : i32
          %dma_start3A_178 = tpu.memref_slice %arg11[%dma_start3A_176, %dma_start3A_177] : memref<10240x128xf32, #tpu.memory_space<vmem_shared>> -> memref<10240x128xf32, #tpu.memory_space<vmem_shared>>
          tpu.enqueue_indirect_dma source(%arg10 : memref<128x128xf32, #tpu.memory_space<vmem>>) target(%dma_start3A_178 : memref<10240x128xf32, #tpu.memory_space<vmem_shared>>) offsets(%dma_start3A_175 : memref<128xi32, #tpu.memory_space<vmem>>) semaphore(%run_scoped3A_172 : memref<!tpu.dma_semaphore, #tpu.memory_space<semaphore_mem>>) {add = true}
          %dma_wait3A_179 = arith.constant 0 : i32
          %dma_wait3A_180 = tpu.memref_slice %arg8[%run_scoped3A_162, %dma_wait3A_179] : memref<2x128xi32, #tpu.memory_space<vmem>> -> memref<1x128xi32, #tpu.memory_space<vmem>>
          %dma_wait3A_181 = tpu.memref_squeeze %dma_wait3A_180 : memref<1x128xi32, #tpu.memory_space<vmem>> -> memref<128xi32, #tpu.memory_space<vmem>>
          %dma_wait3A_182 = arith.constant 0 : i32
          %dma_wait3A_183 = arith.constant 0 : i32
          %dma_wait3A_184 = tpu.memref_slice %arg11[%dma_wait3A_182, %dma_wait3A_183] : memref<10240x128xf32, #tpu.memory_space<vmem_shared>> -> memref<10240x128xf32, #tpu.memory_space<vmem_shared>>
          tpu.wait_indirect_dma semaphore(%run_scoped3A_172 : memref<!tpu.dma_semaphore, #tpu.memory_space<semaphore_mem>>) src(%arg10 : memref<128x128xf32, #tpu.memory_space<vmem>>) dst(%dma_wait3A_184 : memref<10240x128xf32, #tpu.memory_space<vmem_shared>>)
          tpu.yield
        }) : () -> ()
        %mul3A_163 = arith.constant 2 : i32
        %mul3A_164 = arith.muli %mul3A_163, %while3A_115 : i32
        %add3A_165 = arith.constant 3 : i32
        %add3A_166 = arith.addi %mul3A_164, %add3A_165 : i32
        %lt3A_167 = arith.cmpi slt, %add3A_166, %add3A_30 : i32
        %convert_element_type3A_168 = arith.extui %lt3A_167 : i1 to i32
        %cond3A_169 = arith.constant 0 : i32
        %cond3A_170 = arith.cmpi ne, %convert_element_type3A_168, %cond3A_169 : i32
        scf.if %cond3A_170 {
          %mul3A_172 = arith.constant 2 : i32
          %mul3A_173 = arith.muli %mul3A_172, %while3A_115 : i32
          %add3A_174 = arith.constant 3 : i32
          %add3A_175 = arith.addi %mul3A_173, %add3A_174 : i32
          %mul3A_176 = arith.constant 16 : i32
          %mul3A_177 = arith.muli %mul3A_176, %add3A_175 : i32
          %add3A_178 = arith.addi %arg1, %mul3A_177 : i32
          %dma_start3A_179 = arith.constant 0 : i32
          %dma_start3A_180 = arith.constant 0 : i32
          %dma_start3A_181 = tpu.memref_slice %arg4[%add3A_178, %dma_start3A_179, %dma_start3A_180] : memref<1250x2x128xi32, #tpu.memory_space<hbm>> -> memref<1x2x128xi32, #tpu.memory_space<hbm>>
          %dma_start3A_182 = tpu.memref_squeeze %dma_start3A_181 : memref<1x2x128xi32, #tpu.memory_space<hbm>> -> memref<2x128xi32, #tpu.memory_space<hbm>>
          %dma_start3A_183 = arith.constant 0 : i32
          %dma_start3A_184 = arith.constant 0 : i32
          %dma_start3A_185 = tpu.memref_slice %arg4[%add3A_178, %dma_start3A_183, %dma_start3A_184] : memref<1250x2x128xi32, #tpu.memory_space<hbm>> -> memref<1x2x128xi32, #tpu.memory_space<hbm>>
          %dma_start3A_186 = tpu.memref_squeeze %dma_start3A_185 : memref<1x2x128xi32, #tpu.memory_space<hbm>> -> memref<2x128xi32, #tpu.memory_space<hbm>>
          tpu.enqueue_dma source(%dma_start3A_186 : memref<2x128xi32, #tpu.memory_space<hbm>>) target(%arg8 : memref<2x128xi32, #tpu.memory_space<vmem>>) target_semaphore(%arg13 : memref<!tpu.dma_semaphore, #tpu.memory_space<semaphore_mem>>)
        } else {
        }
        %while3A_171 = arith.constant 0 : i32
        scf.yield %while3A_171 : i32
      }
      %while3A_92 = arith.constant 1 : i32
      %while3A_93 = scf.for %while3A_115 = %while3A_89 to %while3A_85 step %while3A_92 iter_args(%while3A_116 = %while3A_91) -> (i32)  : i32 {
        %dma_wait3A_117 = arith.constant 0 : i32
        %dma_wait3A_118 = arith.constant 0 : i32
        %dma_wait3A_119 = tpu.memref_slice %arg7[%dma_wait3A_117, %dma_wait3A_118] : memref<2x128xi32, #tpu.memory_space<vmem>> -> memref<1x128xi32, #tpu.memory_space<vmem>>
        %dma_wait3A_120 = tpu.memref_squeeze %dma_wait3A_119 : memref<1x128xi32, #tpu.memory_space<vmem>> -> memref<128xi32, #tpu.memory_space<vmem>>
        %dma_wait3A_121 = arith.constant 0 : i32
        %dma_wait3A_122 = arith.constant 0 : i32
        %dma_wait3A_123 = tpu.memref_slice %arg2[%dma_wait3A_121, %dma_wait3A_122] : memref<10240x128xf32, #tpu.memory_space<hbm>> -> memref<10240x128xf32, #tpu.memory_space<hbm>>
        tpu.wait_indirect_dma semaphore(%arg14 : memref<!tpu.dma_semaphore, #tpu.memory_space<semaphore_mem>>) src(%dma_wait3A_123 : memref<10240x128xf32, #tpu.memory_space<hbm>>) dst(%arg9 : memref<128x128xf32, #tpu.memory_space<vmem>>)
        %dma_wait3A_124 = arith.constant 0 : i32
        %dma_wait3A_125 = arith.constant 0 : i32
        %dma_wait3A_126 = arith.constant 0 : i32
        %dma_wait3A_127 = tpu.memref_slice %arg4[%dma_wait3A_124, %dma_wait3A_125, %dma_wait3A_126] : memref<1250x2x128xi32, #tpu.memory_space<hbm>> -> memref<1x2x128xi32, #tpu.memory_space<hbm>>
        %dma_wait3A_128 = tpu.memref_squeeze %dma_wait3A_127 : memref<1x2x128xi32, #tpu.memory_space<hbm>> -> memref<2x128xi32, #tpu.memory_space<hbm>>
        %dma_wait3A_129 = arith.constant 0 : i32
        %dma_wait3A_130 = arith.constant 0 : i32
        %dma_wait3A_131 = tpu.memref_slice %arg4[%dma_wait3A_124, %dma_wait3A_129, %dma_wait3A_130] : memref<1250x2x128xi32, #tpu.memory_space<hbm>> -> memref<1x2x128xi32, #tpu.memory_space<hbm>>
        %dma_wait3A_132 = tpu.memref_squeeze %dma_wait3A_131 : memref<1x2x128xi32, #tpu.memory_space<hbm>> -> memref<2x128xi32, #tpu.memory_space<hbm>>
        tpu.wait_dma2 semaphore(%arg13 : memref<!tpu.dma_semaphore, #tpu.memory_space<semaphore_mem>>) src(%dma_wait3A_132 : memref<2x128xi32, #tpu.memory_space<hbm>>) dst(%arg8 : memref<2x128xi32, #tpu.memory_space<vmem>>)
        %dma_start3A_133 = arith.constant 0 : i32
        %dma_start3A_134 = arith.constant 0 : i32
        %dma_start3A_135 = tpu.memref_slice %arg8[%dma_start3A_133, %dma_start3A_134] : memref<2x128xi32, #tpu.memory_space<vmem>> -> memref<1x128xi32, #tpu.memory_space<vmem>>
        %dma_start3A_136 = tpu.memref_squeeze %dma_start3A_135 : memref<1x128xi32, #tpu.memory_space<vmem>> -> memref<128xi32, #tpu.memory_space<vmem>>
        %dma_start3A_137 = arith.constant 0 : i32
        %dma_start3A_138 = arith.constant 0 : i32
        %dma_start3A_139 = tpu.memref_slice %arg2[%dma_start3A_137, %dma_start3A_138] : memref<10240x128xf32, #tpu.memory_space<hbm>> -> memref<10240x128xf32, #tpu.memory_space<hbm>>
        tpu.enqueue_indirect_dma source(%dma_start3A_139 : memref<10240x128xf32, #tpu.memory_space<hbm>>) target(%arg10 : memref<128x128xf32, #tpu.memory_space<vmem>>) offsets(%dma_start3A_136 : memref<128xi32, #tpu.memory_space<vmem>>) semaphore(%arg15 : memref<!tpu.dma_semaphore, #tpu.memory_space<semaphore_mem>>)
        %run_scoped3A = arith.constant 1 : i32
        "tpu.region"() ({
          %run_scoped3A_172 = tpu.sem_alloc : memref<!tpu.dma_semaphore, #tpu.memory_space<semaphore_mem>>
          %dma_start3A_173 = arith.constant 0 : i32
          %dma_start3A_174 = tpu.memref_slice %arg7[%run_scoped3A, %dma_start3A_173] : memref<2x128xi32, #tpu.memory_space<vmem>> -> memref<1x128xi32, #tpu.memory_space<vmem>>
          %dma_start3A_175 = tpu.memref_squeeze %dma_start3A_174 : memref<1x128xi32, #tpu.memory_space<vmem>> -> memref<128xi32, #tpu.memory_space<vmem>>
          %dma_start3A_176 = arith.constant 0 : i32
          %dma_start3A_177 = arith.constant 0 : i32
          %dma_start3A_178 = tpu.memref_slice %arg11[%dma_start3A_176, %dma_start3A_177] : memref<10240x128xf32, #tpu.memory_space<vmem_shared>> -> memref<10240x128xf32, #tpu.memory_space<vmem_shared>>
          tpu.enqueue_indirect_dma source(%arg9 : memref<128x128xf32, #tpu.memory_space<vmem>>) target(%dma_start3A_178 : memref<10240x128xf32, #tpu.memory_space<vmem_shared>>) offsets(%dma_start3A_175 : memref<128xi32, #tpu.memory_space<vmem>>) semaphore(%run_scoped3A_172 : memref<!tpu.dma_semaphore, #tpu.memory_space<semaphore_mem>>) {add = true}
          %dma_wait3A_179 = arith.constant 0 : i32
          %dma_wait3A_180 = tpu.memref_slice %arg7[%run_scoped3A, %dma_wait3A_179] : memref<2x128xi32, #tpu.memory_space<vmem>> -> memref<1x128xi32, #tpu.memory_space<vmem>>
          %dma_wait3A_181 = tpu.memref_squeeze %dma_wait3A_180 : memref<1x128xi32, #tpu.memory_space<vmem>> -> memref<128xi32, #tpu.memory_space<vmem>>
          %dma_wait3A_182 = arith.constant 0 : i32
          %dma_wait3A_183 = arith.constant 0 : i32
          %dma_wait3A_184 = tpu.memref_slice %arg11[%dma_wait3A_182, %dma_wait3A_183] : memref<10240x128xf32, #tpu.memory_space<vmem_shared>> -> memref<10240x128xf32, #tpu.memory_space<vmem_shared>>
          tpu.wait_indirect_dma semaphore(%run_scoped3A_172 : memref<!tpu.dma_semaphore, #tpu.memory_space<semaphore_mem>>) src(%arg9 : memref<128x128xf32, #tpu.memory_space<vmem>>) dst(%dma_wait3A_184 : memref<10240x128xf32, #tpu.memory_space<vmem_shared>>)
          tpu.yield
        }) : () -> ()
        %mul3A = arith.constant 2 : i32
        %mul3A_140 = arith.muli %mul3A, %while3A_115 : i32
        %add3A_141 = arith.constant 2 : i32
        %add3A_142 = arith.addi %mul3A_140, %add3A_141 : i32
        %lt3A_143 = arith.cmpi slt, %add3A_142, %add3A_30 : i32
        %convert_element_type3A_144 = arith.extui %lt3A_143 : i1 to i32
        %cond3A_145 = arith.constant 0 : i32
        %cond3A_146 = arith.cmpi ne, %convert_element_type3A_144, %cond3A_145 : i32
        scf.if %cond3A_146 {
          %mul3A_172 = arith.constant 2 : i32
          %mul3A_173 = arith.muli %mul3A_172, %while3A_115 : i32
          %add3A_174 = arith.constant 2 : i32
          %add3A_175 = arith.addi %mul3A_173, %add3A_174 : i32
          %mul3A_176 = arith.constant 16 : i32
          %mul3A_177 = arith.muli %mul3A_176, %add3A_175 : i32
          %add3A_178 = arith.addi %arg1, %mul3A_177 : i32
          %dma_start3A_179 = arith.constant 0 : i32
          %dma_start3A_180 = arith.constant 0 : i32
          %dma_start3A_181 = tpu.memref_slice %arg4[%add3A_178, %dma_start3A_179, %dma_start3A_180] : memref<1250x2x128xi32, #tpu.memory_space<hbm>> -> memref<1x2x128xi32, #tpu.memory_space<hbm>>
          %dma_start3A_182 = tpu.memref_squeeze %dma_start3A_181 : memref<1x2x128xi32, #tpu.memory_space<hbm>> -> memref<2x128xi32, #tpu.memory_space<hbm>>
          %dma_start3A_183 = arith.constant 0 : i32
          %dma_start3A_184 = arith.constant 0 : i32
          %dma_start3A_185 = tpu.memref_slice %arg4[%add3A_178, %dma_start3A_183, %dma_start3A_184] : memref<1250x2x128xi32, #tpu.memory_space<hbm>> -> memref<1x2x128xi32, #tpu.memory_space<hbm>>
          %dma_start3A_186 = tpu.memref_squeeze %dma_start3A_185 : memref<1x2x128xi32, #tpu.memory_space<hbm>> -> memref<2x128xi32, #tpu.memory_space<hbm>>
          tpu.enqueue_dma source(%dma_start3A_186 : memref<2x128xi32, #tpu.memory_space<hbm>>) target(%arg7 : memref<2x128xi32, #tpu.memory_space<vmem>>) target_semaphore(%arg12 : memref<!tpu.dma_semaphore, #tpu.memory_space<semaphore_mem>>)
        } else {
        }
        %dma_wait3A_147 = arith.constant 0 : i32
        %dma_wait3A_148 = arith.constant 0 : i32
        %dma_wait3A_149 = tpu.memref_slice %arg7[%dma_wait3A_147, %dma_wait3A_148] : memref<2x128xi32, #tpu.memory_space<vmem>> -> memref<1x128xi32, #tpu.memory_space<vmem>>
        %dma_wait3A_150 = tpu.memref_squeeze %dma_wait3A_149 : memref<1x128xi32, #tpu.memory_space<vmem>> -> memref<128xi32, #tpu.memory_space<vmem>>
        %dma_wait3A_151 = arith.constant 0 : i32
        %dma_wait3A_152 = arith.constant 0 : i32
        %dma_wait3A_153 = tpu.memref_slice %arg2[%dma_wait3A_151, %dma_wait3A_152] : memref<10240x128xf32, #tpu.memory_space<hbm>> -> memref<10240x128xf32, #tpu.memory_space<hbm>>
        tpu.wait_indirect_dma semaphore(%arg15 : memref<!tpu.dma_semaphore, #tpu.memory_space<semaphore_mem>>) src(%dma_wait3A_153 : memref<10240x128xf32, #tpu.memory_space<hbm>>) dst(%arg10 : memref<128x128xf32, #tpu.memory_space<vmem>>)
        %mul3A_154 = arith.constant 2 : i32
        %mul3A_155 = arith.muli %mul3A_154, %while3A_115 : i32
        %add3A_156 = arith.constant 2 : i32
        %add3A_157 = arith.addi %mul3A_155, %add3A_156 : i32
        %lt3A_158 = arith.cmpi slt, %add3A_157, %add3A_30 : i32
        %convert_element_type3A_159 = arith.extui %lt3A_158 : i1 to i32
        %cond3A_160 = arith.constant 0 : i32
        %cond3A_161 = arith.cmpi ne, %convert_element_type3A_159, %cond3A_160 : i32
        scf.if %cond3A_161 {
          %dma_wait3A_172 = arith.constant 0 : i32
          %dma_wait3A_173 = arith.constant 0 : i32
          %dma_wait3A_174 = arith.constant 0 : i32
          %dma_wait3A_175 = tpu.memref_slice %arg4[%dma_wait3A_172, %dma_wait3A_173, %dma_wait3A_174] : memref<1250x2x128xi32, #tpu.memory_space<hbm>> -> memref<1x2x128xi32, #tpu.memory_space<hbm>>
          %dma_wait3A_176 = tpu.memref_squeeze %dma_wait3A_175 : memref<1x2x128xi32, #tpu.memory_space<hbm>> -> memref<2x128xi32, #tpu.memory_space<hbm>>
          %dma_wait3A_177 = arith.constant 0 : i32
          %dma_wait3A_178 = arith.constant 0 : i32
          %dma_wait3A_179 = tpu.memref_slice %arg4[%dma_wait3A_172, %dma_wait3A_177, %dma_wait3A_178] : memref<1250x2x128xi32, #tpu.memory_space<hbm>> -> memref<1x2x128xi32, #tpu.memory_space<hbm>>
          %dma_wait3A_180 = tpu.memref_squeeze %dma_wait3A_179 : memref<1x2x128xi32, #tpu.memory_space<hbm>> -> memref<2x128xi32, #tpu.memory_space<hbm>>
          tpu.wait_dma2 semaphore(%arg12 : memref<!tpu.dma_semaphore, #tpu.memory_space<semaphore_mem>>) src(%dma_wait3A_180 : memref<2x128xi32, #tpu.memory_space<hbm>>) dst(%arg7 : memref<2x128xi32, #tpu.memory_space<vmem>>)
          %dma_start3A_181 = arith.constant 0 : i32
          %dma_start3A_182 = arith.constant 0 : i32
          %dma_start3A_183 = tpu.memref_slice %arg7[%dma_start3A_181, %dma_start3A_182] : memref<2x128xi32, #tpu.memory_space<vmem>> -> memref<1x128xi32, #tpu.memory_space<vmem>>
          %dma_start3A_184 = tpu.memref_squeeze %dma_start3A_183 : memref<1x128xi32, #tpu.memory_space<vmem>> -> memref<128xi32, #tpu.memory_space<vmem>>
          %dma_start3A_185 = arith.constant 0 : i32
          %dma_start3A_186 = arith.constant 0 : i32
          %dma_start3A_187 = tpu.memref_slice %arg2[%dma_start3A_185, %dma_start3A_186] : memref<10240x128xf32, #tpu.memory_space<hbm>> -> memref<10240x128xf32, #tpu.memory_space<hbm>>
          tpu.enqueue_indirect_dma source(%dma_start3A_187 : memref<10240x128xf32, #tpu.memory_space<hbm>>) target(%arg9 : memref<128x128xf32, #tpu.memory_space<vmem>>) offsets(%dma_start3A_184 : memref<128xi32, #tpu.memory_space<vmem>>) semaphore(%arg14 : memref<!tpu.dma_semaphore, #tpu.memory_space<semaphore_mem>>)
        } else {
        }
        %run_scoped3A_162 = arith.constant 1 : i32
        "tpu.region"() ({
          %run_scoped3A_172 = tpu.sem_alloc : memref<!tpu.dma_semaphore, #tpu.memory_space<semaphore_mem>>
          %dma_start3A_173 = arith.constant 0 : i32
          %dma_start3A_174 = tpu.memref_slice %arg8[%run_scoped3A_162, %dma_start3A_173] : memref<2x128xi32, #tpu.memory_space<vmem>> -> memref<1x128xi32, #tpu.memory_space<vmem>>
          %dma_start3A_175 = tpu.memref_squeeze %dma_start3A_174 : memref<1x128xi32, #tpu.memory_space<vmem>> -> memref<128xi32, #tpu.memory_space<vmem>>
          %dma_start3A_176 = arith.constant 0 : i32
          %dma_start3A_177 = arith.constant 0 : i32
          %dma_start3A_178 = tpu.memref_slice %arg11[%dma_start3A_176, %dma_start3A_177] : memref<10240x128xf32, #tpu.memory_space<vmem_shared>> -> memref<10240x128xf32, #tpu.memory_space<vmem_shared>>
          tpu.enqueue_indirect_dma source(%arg10 : memref<128x128xf32, #tpu.memory_space<vmem>>) target(%dma_start3A_178 : memref<10240x128xf32, #tpu.memory_space<vmem_shared>>) offsets(%dma_start3A_175 : memref<128xi32, #tpu.memory_space<vmem>>) semaphore(%run_scoped3A_172 : memref<!tpu.dma_semaphore, #tpu.memory_space<semaphore_mem>>) {add = true}
          %dma_wait3A_179 = arith.constant 0 : i32
          %dma_wait3A_180 = tpu.memref_slice %arg8[%run_scoped3A_162, %dma_wait3A_179] : memref<2x128xi32, #tpu.memory_space<vmem>> -> memref<1x128xi32, #tpu.memory_space<vmem>>
          %dma_wait3A_181 = tpu.memref_squeeze %dma_wait3A_180 : memref<1x128xi32, #tpu.memory_space<vmem>> -> memref<128xi32, #tpu.memory_space<vmem>>
          %dma_wait3A_182 = arith.constant 0 : i32
          %dma_wait3A_183 = arith.constant 0 : i32
          %dma_wait3A_184 = tpu.memref_slice %arg11[%dma_wait3A_182, %dma_wait3A_183] : memref<10240x128xf32, #tpu.memory_space<vmem_shared>> -> memref<10240x128xf32, #tpu.memory_space<vmem_shared>>
          tpu.wait_indirect_dma semaphore(%run_scoped3A_172 : memref<!tpu.dma_semaphore, #tpu.memory_space<semaphore_mem>>) src(%arg10 : memref<128x128xf32, #tpu.memory_space<vmem>>) dst(%dma_wait3A_184 : memref<10240x128xf32, #tpu.memory_space<vmem_shared>>)
          tpu.yield
        }) : () -> ()
        %mul3A_163 = arith.constant 2 : i32
        %mul3A_164 = arith.muli %mul3A_163, %while3A_115 : i32
        %add3A_165 = arith.constant 3 : i32
        %add3A_166 = arith.addi %mul3A_164, %add3A_165 : i32
        %lt3A_167 = arith.cmpi slt, %add3A_166, %add3A_30 : i32
        %convert_element_type3A_168 = arith.extui %lt3A_167 : i1 to i32
        %cond3A_169 = arith.constant 0 : i32
        %cond3A_170 = arith.cmpi ne, %convert_element_type3A_168, %cond3A_169 : i32
        scf.if %cond3A_170 {
          %mul3A_172 = arith.constant 2 : i32
          %mul3A_173 = arith.muli %mul3A_172, %while3A_115 : i32
          %add3A_174 = arith.constant 3 : i32
          %add3A_175 = arith.addi %mul3A_173, %add3A_174 : i32
          %mul3A_176 = arith.constant 16 : i32
          %mul3A_177 = arith.muli %mul3A_176, %add3A_175 : i32
          %add3A_178 = arith.addi %arg1, %mul3A_177 : i32
          %dma_start3A_179 = arith.constant 0 : i32
          %dma_start3A_180 = arith.constant 0 : i32
          %dma_start3A_181 = tpu.memref_slice %arg4[%add3A_178, %dma_start3A_179, %dma_start3A_180] : memref<1250x2x128xi32, #tpu.memory_space<hbm>> -> memref<1x2x128xi32, #tpu.memory_space<hbm>>
          %dma_start3A_182 = tpu.memref_squeeze %dma_start3A_181 : memref<1x2x128xi32, #tpu.memory_space<hbm>> -> memref<2x128xi32, #tpu.memory_space<hbm>>
          %dma_start3A_183 = arith.constant 0 : i32
          %dma_start3A_184 = arith.constant 0 : i32
          %dma_start3A_185 = tpu.memref_slice %arg4[%add3A_178, %dma_start3A_183, %dma_start3A_184] : memref<1250x2x128xi32, #tpu.memory_space<hbm>> -> memref<1x2x128xi32, #tpu.memory_space<hbm>>
          %dma_start3A_186 = tpu.memref_squeeze %dma_start3A_185 : memref<1x2x128xi32, #tpu.memory_space<hbm>> -> memref<2x128xi32, #tpu.memory_space<hbm>>
          tpu.enqueue_dma source(%dma_start3A_186 : memref<2x128xi32, #tpu.memory_space<hbm>>) target(%arg8 : memref<2x128xi32, #tpu.memory_space<vmem>>) target_semaphore(%arg13 : memref<!tpu.dma_semaphore, #tpu.memory_space<semaphore_mem>>)
        } else {
        }
        %while3A_171 = arith.constant 0 : i32
        scf.yield %while3A_171 : i32
      }
      %jit3A_94 = arith.constant 2 : i32
      %eq3A_95 = arith.constant 0 : i32
      %eq3A_96 = arith.cmpi eq, %jit3A_94, %eq3A_95 : i32
      %jit3A_97 = arith.constant 1 : i32
      %select_n3A_98 = arith.select %eq3A_96, %jit3A_97, %jit3A_94 : i32
      %rem3A_99 = arith.remsi %add3A_30, %select_n3A_98 : i32
      %ne3A_100 = arith.constant 0 : i32
      %ne3A_101 = arith.cmpi ne, %rem3A_99, %ne3A_100 : i32
      %lt3A_102 = arith.constant 0 : i32
      %lt3A_103 = arith.cmpi slt, %rem3A_99, %lt3A_102 : i32
      %lt3A_104 = arith.constant 0 : i32
      %lt3A_105 = arith.cmpi slt, %select_n3A_98, %lt3A_104 : i32
      %ne3A_106 = arith.xori %lt3A_103, %lt3A_105 : i1
      %and3A_107 = arith.andi %ne3A_106, %ne3A_101 : i1
      %add3A_108 = arith.addi %rem3A_99, %select_n3A_98 : i32
      %select_n3A_109 = arith.select %and3A_107, %add3A_108, %rem3A_99 : i32
      %eq3A_110 = arith.constant 1 : i32
      %eq3A_111 = arith.cmpi eq, %select_n3A_109, %eq3A_110 : i32
      %convert_element_type3A_112 = arith.extui %eq3A_111 : i1 to i32
      %cond3A_113 = arith.constant 0 : i32
      %cond3A_114 = arith.cmpi ne, %convert_element_type3A_112, %cond3A_113 : i32
      scf.if %cond3A_114 {
        %dma_wait3A_115 = arith.constant 0 : i32
        %dma_wait3A_116 = arith.constant 0 : i32
        %dma_wait3A_117 = tpu.memref_slice %arg7[%dma_wait3A_115, %dma_wait3A_116] : memref<2x128xi32, #tpu.memory_space<vmem>> -> memref<1x128xi32, #tpu.memory_space<vmem>>
        %dma_wait3A_118 = tpu.memref_squeeze %dma_wait3A_117 : memref<1x128xi32, #tpu.memory_space<vmem>> -> memref<128xi32, #tpu.memory_space<vmem>>
        %dma_wait3A_119 = arith.constant 0 : i32
        %dma_wait3A_120 = arith.constant 0 : i32
        %dma_wait3A_121 = tpu.memref_slice %arg2[%dma_wait3A_119, %dma_wait3A_120] : memref<10240x128xf32, #tpu.memory_space<hbm>> -> memref<10240x128xf32, #tpu.memory_space<hbm>>
        tpu.wait_indirect_dma semaphore(%arg14 : memref<!tpu.dma_semaphore, #tpu.memory_space<semaphore_mem>>) src(%dma_wait3A_121 : memref<10240x128xf32, #tpu.memory_space<hbm>>) dst(%arg9 : memref<128x128xf32, #tpu.memory_space<vmem>>)
        %run_scoped3A = arith.constant 1 : i32
        "tpu.region"() ({
          %run_scoped3A_122 = tpu.sem_alloc : memref<!tpu.dma_semaphore, #tpu.memory_space<semaphore_mem>>
          %dma_start3A_123 = arith.constant 0 : i32
          %dma_start3A_124 = tpu.memref_slice %arg7[%run_scoped3A, %dma_start3A_123] : memref<2x128xi32, #tpu.memory_space<vmem>> -> memref<1x128xi32, #tpu.memory_space<vmem>>
          %dma_start3A_125 = tpu.memref_squeeze %dma_start3A_124 : memref<1x128xi32, #tpu.memory_space<vmem>> -> memref<128xi32, #tpu.memory_space<vmem>>
          %dma_start3A_126 = arith.constant 0 : i32
          %dma_start3A_127 = arith.constant 0 : i32
          %dma_start3A_128 = tpu.memref_slice %arg11[%dma_start3A_126, %dma_start3A_127] : memref<10240x128xf32, #tpu.memory_space<vmem_shared>> -> memref<10240x128xf32, #tpu.memory_space<vmem_shared>>
          tpu.enqueue_indirect_dma source(%arg9 : memref<128x128xf32, #tpu.memory_space<vmem>>) target(%dma_start3A_128 : memref<10240x128xf32, #tpu.memory_space<vmem_shared>>) offsets(%dma_start3A_125 : memref<128xi32, #tpu.memory_space<vmem>>) semaphore(%run_scoped3A_122 : memref<!tpu.dma_semaphore, #tpu.memory_space<semaphore_mem>>) {add = true}
          %dma_wait3A_129 = arith.constant 0 : i32
          %dma_wait3A_130 = tpu.memref_slice %arg7[%run_scoped3A, %dma_wait3A_129] : memref<2x128xi32, #tpu.memory_space<vmem>> -> memref<1x128xi32, #tpu.memory_space<vmem>>
          %dma_wait3A_131 = tpu.memref_squeeze %dma_wait3A_130 : memref<1x128xi32, #tpu.memory_space<vmem>> -> memref<128xi32, #tpu.memory_space<vmem>>
          %dma_wait3A_132 = arith.constant 0 : i32
          %dma_wait3A_133 = arith.constant 0 : i32
          %dma_wait3A_134 = tpu.memref_slice %arg11[%dma_wait3A_132, %dma_wait3A_133] : memref<10240x128xf32, #tpu.memory_space<vmem_shared>> -> memref<10240x128xf32, #tpu.memory_space<vmem_shared>>
          tpu.wait_indirect_dma semaphore(%run_scoped3A_122 : memref<!tpu.dma_semaphore, #tpu.memory_space<semaphore_mem>>) src(%arg9 : memref<128x128xf32, #tpu.memory_space<vmem>>) dst(%dma_wait3A_134 : memref<10240x128xf32, #tpu.memory_space<vmem_shared>>)
          tpu.yield
        }) : () -> ()
      } else {
      }
    } else {
    }
    %eq3A_12 = arith.constant 1 : i32
    %eq3A_13 = arith.cmpi eq, %arg0, %eq3A_12 : i32
    %convert_element_type3A_14 = arith.extui %eq3A_13 : i1 to i32
    %cond3A_15 = arith.constant 0 : i32
    %cond3A_16 = arith.cmpi ne, %convert_element_type3A_14, %cond3A_15 : i32
    scf.if %cond3A_16 {
      %lt3A = arith.constant 2 : i32
      %lt3A_28 = arith.cmpi slt, %arg1, %lt3A : i32
      %jit3A = arith.constant 1 : i32
      %jit3A_29 = arith.constant 0 : i32
      %select_n3A = arith.select %lt3A_28, %jit3A, %jit3A_29 : i32
      %add3A = arith.constant 78 : i32
      %add3A_30 = arith.addi %add3A, %select_n3A : i32
      %add3A_31 = arith.constant 0 : i32
      %add3A_32 = arith.addi %arg1, %add3A_31 : i32
      %dma_start3A = arith.constant 0 : i32
      %dma_start3A_33 = arith.constant 0 : i32
      %dma_start3A_34 = tpu.memref_slice %arg4[%add3A_32, %dma_start3A, %dma_start3A_33] : memref<1250x2x128xi32, #tpu.memory_space<hbm>> -> memref<1x2x128xi32, #tpu.memory_space<hbm>>
      %dma_start3A_35 = tpu.memref_squeeze %dma_start3A_34 : memref<1x2x128xi32, #tpu.memory_space<hbm>> -> memref<2x128xi32, #tpu.memory_space<hbm>>
      %dma_start3A_36 = arith.constant 0 : i32
      %dma_start3A_37 = arith.constant 0 : i32
      %dma_start3A_38 = tpu.memref_slice %arg4[%add3A_32, %dma_start3A_36, %dma_start3A_37] : memref<1250x2x128xi32, #tpu.memory_space<hbm>> -> memref<1x2x128xi32, #tpu.memory_space<hbm>>
      %dma_start3A_39 = tpu.memref_squeeze %dma_start3A_38 : memref<1x2x128xi32, #tpu.memory_space<hbm>> -> memref<2x128xi32, #tpu.memory_space<hbm>>
      tpu.enqueue_dma source(%dma_start3A_39 : memref<2x128xi32, #tpu.memory_space<hbm>>) target(%arg7 : memref<2x128xi32, #tpu.memory_space<vmem>>) target_semaphore(%arg12 : memref<!tpu.dma_semaphore, #tpu.memory_space<semaphore_mem>>)
      %add3A_40 = arith.constant 16 : i32
      %add3A_41 = arith.addi %arg1, %add3A_40 : i32
      %dma_start3A_42 = arith.constant 0 : i32
      %dma_start3A_43 = arith.constant 0 : i32
      %dma_start3A_44 = tpu.memref_slice %arg4[%add3A_41, %dma_start3A_42, %dma_start3A_43] : memref<1250x2x128xi32, #tpu.memory_space<hbm>> -> memref<1x2x128xi32, #tpu.memory_space<hbm>>
      %dma_start3A_45 = tpu.memref_squeeze %dma_start3A_44 : memref<1x2x128xi32, #tpu.memory_space<hbm>> -> memref<2x128xi32, #tpu.memory_space<hbm>>
      %dma_start3A_46 = arith.constant 0 : i32
      %dma_start3A_47 = arith.constant 0 : i32
      %dma_start3A_48 = tpu.memref_slice %arg4[%add3A_41, %dma_start3A_46, %dma_start3A_47] : memref<1250x2x128xi32, #tpu.memory_space<hbm>> -> memref<1x2x128xi32, #tpu.memory_space<hbm>>
      %dma_start3A_49 = tpu.memref_squeeze %dma_start3A_48 : memref<1x2x128xi32, #tpu.memory_space<hbm>> -> memref<2x128xi32, #tpu.memory_space<hbm>>
      tpu.enqueue_dma source(%dma_start3A_49 : memref<2x128xi32, #tpu.memory_space<hbm>>) target(%arg8 : memref<2x128xi32, #tpu.memory_space<vmem>>) target_semaphore(%arg13 : memref<!tpu.dma_semaphore, #tpu.memory_space<semaphore_mem>>)
      %dma_wait3A = arith.constant 0 : i32
      %dma_wait3A_50 = arith.constant 0 : i32
      %dma_wait3A_51 = arith.constant 0 : i32
      %dma_wait3A_52 = tpu.memref_slice %arg4[%dma_wait3A, %dma_wait3A_50, %dma_wait3A_51] : memref<1250x2x128xi32, #tpu.memory_space<hbm>> -> memref<1x2x128xi32, #tpu.memory_space<hbm>>
      %dma_wait3A_53 = tpu.memref_squeeze %dma_wait3A_52 : memref<1x2x128xi32, #tpu.memory_space<hbm>> -> memref<2x128xi32, #tpu.memory_space<hbm>>
      %dma_wait3A_54 = arith.constant 0 : i32
      %dma_wait3A_55 = arith.constant 0 : i32
      %dma_wait3A_56 = tpu.memref_slice %arg4[%dma_wait3A, %dma_wait3A_54, %dma_wait3A_55] : memref<1250x2x128xi32, #tpu.memory_space<hbm>> -> memref<1x2x128xi32, #tpu.memory_space<hbm>>
      %dma_wait3A_57 = tpu.memref_squeeze %dma_wait3A_56 : memref<1x2x128xi32, #tpu.memory_space<hbm>> -> memref<2x128xi32, #tpu.memory_space<hbm>>
      tpu.wait_dma2 semaphore(%arg12 : memref<!tpu.dma_semaphore, #tpu.memory_space<semaphore_mem>>) src(%dma_wait3A_57 : memref<2x128xi32, #tpu.memory_space<hbm>>) dst(%arg7 : memref<2x128xi32, #tpu.memory_space<vmem>>)
      %dma_start3A_58 = arith.constant 0 : i32
      %dma_start3A_59 = arith.constant 0 : i32
      %dma_start3A_60 = tpu.memref_slice %arg7[%dma_start3A_58, %dma_start3A_59] : memref<2x128xi32, #tpu.memory_space<vmem>> -> memref<1x128xi32, #tpu.memory_space<vmem>>
      %dma_start3A_61 = tpu.memref_squeeze %dma_start3A_60 : memref<1x128xi32, #tpu.memory_space<vmem>> -> memref<128xi32, #tpu.memory_space<vmem>>
      %dma_start3A_62 = arith.constant 0 : i32
      %dma_start3A_63 = arith.constant 0 : i32
      %dma_start3A_64 = tpu.memref_slice %arg3[%dma_start3A_62, %dma_start3A_63] : memref<10240x128xf32, #tpu.memory_space<hbm>> -> memref<10240x128xf32, #tpu.memory_space<hbm>>
      tpu.enqueue_indirect_dma source(%dma_start3A_64 : memref<10240x128xf32, #tpu.memory_space<hbm>>) target(%arg9 : memref<128x128xf32, #tpu.memory_space<vmem>>) offsets(%dma_start3A_61 : memref<128xi32, #tpu.memory_space<vmem>>) semaphore(%arg14 : memref<!tpu.dma_semaphore, #tpu.memory_space<semaphore_mem>>)
      %jit3A_65 = arith.constant 2 : i32
      %div3A = arith.divsi %add3A_30, %jit3A_65 : i32
      %sign3A = arith.constant 0 : i32
      %sign3A_66 = arith.cmpi sgt, %add3A_30, %sign3A : i32
      %sign3A_67 = arith.extui %sign3A_66 : i1 to i32
      %sign3A_68 = arith.constant 0 : i32
      %sign3A_69 = arith.cmpi slt, %add3A_30, %sign3A_68 : i32
      %sign3A_70 = arith.extui %sign3A_69 : i1 to i32
      %sign3A_71 = arith.subi %sign3A_67, %sign3A_70 : i32
      %sign3A_72 = arith.constant 0 : i32
      %sign3A_73 = arith.cmpi sgt, %jit3A_65, %sign3A_72 : i32
      %sign3A_74 = arith.extui %sign3A_73 : i1 to i32
      %sign3A_75 = arith.constant 0 : i32
      %sign3A_76 = arith.cmpi slt, %jit3A_65, %sign3A_75 : i32
      %sign3A_77 = arith.extui %sign3A_76 : i1 to i32
      %sign3A_78 = arith.subi %sign3A_74, %sign3A_77 : i32
      %ne3A = arith.cmpi ne, %sign3A_71, %sign3A_78 : i32
      %rem3A = arith.remsi %add3A_30, %jit3A_65 : i32
      %ne3A_79 = arith.constant 0 : i32
      %ne3A_80 = arith.cmpi ne, %rem3A, %ne3A_79 : i32
      %and3A = arith.andi %ne3A, %ne3A_80 : i1
      %sub3A = arith.constant 1 : i32
      %sub3A_81 = arith.subi %div3A, %sub3A : i32
      %select_n3A_82 = arith.select %and3A, %sub3A_81, %div3A : i32
      %while3A = arith.constant 0 : i32
      %while3A_83 = arith.constant 0 : i32
      %while3A_84 = arith.subi %select_n3A_82, %while3A : i32
      %while3A_85 = arith.addi %while3A, %while3A_84 : i32
      %while3A_86 = arith.constant 1 : i32
      %while3A_87 = arith.divsi %while3A_84, %while3A_86 : i32
      %while3A_88 = arith.muli %while3A_87, %while3A_86 : i32
      %while3A_89 = arith.addi %while3A, %while3A_88 : i32
      %while3A_90 = arith.constant 1 : i32
      %while3A_91 = scf.for %while3A_115 = %while3A to %while3A_89 step %while3A_90 iter_args(%while3A_116 = %while3A_83) -> (i32)  : i32 {
        %dma_wait3A_117 = arith.constant 0 : i32
        %dma_wait3A_118 = arith.constant 0 : i32
        %dma_wait3A_119 = tpu.memref_slice %arg7[%dma_wait3A_117, %dma_wait3A_118] : memref<2x128xi32, #tpu.memory_space<vmem>> -> memref<1x128xi32, #tpu.memory_space<vmem>>
        %dma_wait3A_120 = tpu.memref_squeeze %dma_wait3A_119 : memref<1x128xi32, #tpu.memory_space<vmem>> -> memref<128xi32, #tpu.memory_space<vmem>>
        %dma_wait3A_121 = arith.constant 0 : i32
        %dma_wait3A_122 = arith.constant 0 : i32
        %dma_wait3A_123 = tpu.memref_slice %arg3[%dma_wait3A_121, %dma_wait3A_122] : memref<10240x128xf32, #tpu.memory_space<hbm>> -> memref<10240x128xf32, #tpu.memory_space<hbm>>
        tpu.wait_indirect_dma semaphore(%arg14 : memref<!tpu.dma_semaphore, #tpu.memory_space<semaphore_mem>>) src(%dma_wait3A_123 : memref<10240x128xf32, #tpu.memory_space<hbm>>) dst(%arg9 : memref<128x128xf32, #tpu.memory_space<vmem>>)
        %dma_wait3A_124 = arith.constant 0 : i32
        %dma_wait3A_125 = arith.constant 0 : i32
        %dma_wait3A_126 = arith.constant 0 : i32
        %dma_wait3A_127 = tpu.memref_slice %arg4[%dma_wait3A_124, %dma_wait3A_125, %dma_wait3A_126] : memref<1250x2x128xi32, #tpu.memory_space<hbm>> -> memref<1x2x128xi32, #tpu.memory_space<hbm>>
        %dma_wait3A_128 = tpu.memref_squeeze %dma_wait3A_127 : memref<1x2x128xi32, #tpu.memory_space<hbm>> -> memref<2x128xi32, #tpu.memory_space<hbm>>
        %dma_wait3A_129 = arith.constant 0 : i32
        %dma_wait3A_130 = arith.constant 0 : i32
        %dma_wait3A_131 = tpu.memref_slice %arg4[%dma_wait3A_124, %dma_wait3A_129, %dma_wait3A_130] : memref<1250x2x128xi32, #tpu.memory_space<hbm>> -> memref<1x2x128xi32, #tpu.memory_space<hbm>>
        %dma_wait3A_132 = tpu.memref_squeeze %dma_wait3A_131 : memref<1x2x128xi32, #tpu.memory_space<hbm>> -> memref<2x128xi32, #tpu.memory_space<hbm>>
        tpu.wait_dma2 semaphore(%arg13 : memref<!tpu.dma_semaphore, #tpu.memory_space<semaphore_mem>>) src(%dma_wait3A_132 : memref<2x128xi32, #tpu.memory_space<hbm>>) dst(%arg8 : memref<2x128xi32, #tpu.memory_space<vmem>>)
        %dma_start3A_133 = arith.constant 0 : i32
        %dma_start3A_134 = arith.constant 0 : i32
        %dma_start3A_135 = tpu.memref_slice %arg8[%dma_start3A_133, %dma_start3A_134] : memref<2x128xi32, #tpu.memory_space<vmem>> -> memref<1x128xi32, #tpu.memory_space<vmem>>
        %dma_start3A_136 = tpu.memref_squeeze %dma_start3A_135 : memref<1x128xi32, #tpu.memory_space<vmem>> -> memref<128xi32, #tpu.memory_space<vmem>>
        %dma_start3A_137 = arith.constant 0 : i32
        %dma_start3A_138 = arith.constant 0 : i32
        %dma_start3A_139 = tpu.memref_slice %arg3[%dma_start3A_137, %dma_start3A_138] : memref<10240x128xf32, #tpu.memory_space<hbm>> -> memref<10240x128xf32, #tpu.memory_space<hbm>>
        tpu.enqueue_indirect_dma source(%dma_start3A_139 : memref<10240x128xf32, #tpu.memory_space<hbm>>) target(%arg10 : memref<128x128xf32, #tpu.memory_space<vmem>>) offsets(%dma_start3A_136 : memref<128xi32, #tpu.memory_space<vmem>>) semaphore(%arg15 : memref<!tpu.dma_semaphore, #tpu.memory_space<semaphore_mem>>)
        %run_scoped3A = arith.constant 1 : i32
        "tpu.region"() ({
          %run_scoped3A_172 = tpu.sem_alloc : memref<!tpu.dma_semaphore, #tpu.memory_space<semaphore_mem>>
          %dma_start3A_173 = arith.constant 0 : i32
          %dma_start3A_174 = tpu.memref_slice %arg7[%run_scoped3A, %dma_start3A_173] : memref<2x128xi32, #tpu.memory_space<vmem>> -> memref<1x128xi32, #tpu.memory_space<vmem>>
          %dma_start3A_175 = tpu.memref_squeeze %dma_start3A_174 : memref<1x128xi32, #tpu.memory_space<vmem>> -> memref<128xi32, #tpu.memory_space<vmem>>
          %dma_start3A_176 = arith.constant 0 : i32
          %dma_start3A_177 = arith.constant 0 : i32
          %dma_start3A_178 = tpu.memref_slice %arg11[%dma_start3A_176, %dma_start3A_177] : memref<10240x128xf32, #tpu.memory_space<vmem_shared>> -> memref<10240x128xf32, #tpu.memory_space<vmem_shared>>
          tpu.enqueue_indirect_dma source(%arg9 : memref<128x128xf32, #tpu.memory_space<vmem>>) target(%dma_start3A_178 : memref<10240x128xf32, #tpu.memory_space<vmem_shared>>) offsets(%dma_start3A_175 : memref<128xi32, #tpu.memory_space<vmem>>) semaphore(%run_scoped3A_172 : memref<!tpu.dma_semaphore, #tpu.memory_space<semaphore_mem>>) {add = true}
          %dma_wait3A_179 = arith.constant 0 : i32
          %dma_wait3A_180 = tpu.memref_slice %arg7[%run_scoped3A, %dma_wait3A_179] : memref<2x128xi32, #tpu.memory_space<vmem>> -> memref<1x128xi32, #tpu.memory_space<vmem>>
          %dma_wait3A_181 = tpu.memref_squeeze %dma_wait3A_180 : memref<1x128xi32, #tpu.memory_space<vmem>> -> memref<128xi32, #tpu.memory_space<vmem>>
          %dma_wait3A_182 = arith.constant 0 : i32
          %dma_wait3A_183 = arith.constant 0 : i32
          %dma_wait3A_184 = tpu.memref_slice %arg11[%dma_wait3A_182, %dma_wait3A_183] : memref<10240x128xf32, #tpu.memory_space<vmem_shared>> -> memref<10240x128xf32, #tpu.memory_space<vmem_shared>>
          tpu.wait_indirect_dma semaphore(%run_scoped3A_172 : memref<!tpu.dma_semaphore, #tpu.memory_space<semaphore_mem>>) src(%arg9 : memref<128x128xf32, #tpu.memory_space<vmem>>) dst(%dma_wait3A_184 : memref<10240x128xf32, #tpu.memory_space<vmem_shared>>)
          tpu.yield
        }) : () -> ()
        %mul3A = arith.constant 2 : i32
        %mul3A_140 = arith.muli %mul3A, %while3A_115 : i32
        %add3A_141 = arith.constant 2 : i32
        %add3A_142 = arith.addi %mul3A_140, %add3A_141 : i32
        %lt3A_143 = arith.cmpi slt, %add3A_142, %add3A_30 : i32
        %convert_element_type3A_144 = arith.extui %lt3A_143 : i1 to i32
        %cond3A_145 = arith.constant 0 : i32
        %cond3A_146 = arith.cmpi ne, %convert_element_type3A_144, %cond3A_145 : i32
        scf.if %cond3A_146 {
          %mul3A_172 = arith.constant 2 : i32
          %mul3A_173 = arith.muli %mul3A_172, %while3A_115 : i32
          %add3A_174 = arith.constant 2 : i32
          %add3A_175 = arith.addi %mul3A_173, %add3A_174 : i32
          %mul3A_176 = arith.constant 16 : i32
          %mul3A_177 = arith.muli %mul3A_176, %add3A_175 : i32
          %add3A_178 = arith.addi %arg1, %mul3A_177 : i32
          %dma_start3A_179 = arith.constant 0 : i32
          %dma_start3A_180 = arith.constant 0 : i32
          %dma_start3A_181 = tpu.memref_slice %arg4[%add3A_178, %dma_start3A_179, %dma_start3A_180] : memref<1250x2x128xi32, #tpu.memory_space<hbm>> -> memref<1x2x128xi32, #tpu.memory_space<hbm>>
          %dma_start3A_182 = tpu.memref_squeeze %dma_start3A_181 : memref<1x2x128xi32, #tpu.memory_space<hbm>> -> memref<2x128xi32, #tpu.memory_space<hbm>>
          %dma_start3A_183 = arith.constant 0 : i32
          %dma_start3A_184 = arith.constant 0 : i32
          %dma_start3A_185 = tpu.memref_slice %arg4[%add3A_178, %dma_start3A_183, %dma_start3A_184] : memref<1250x2x128xi32, #tpu.memory_space<hbm>> -> memref<1x2x128xi32, #tpu.memory_space<hbm>>
          %dma_start3A_186 = tpu.memref_squeeze %dma_start3A_185 : memref<1x2x128xi32, #tpu.memory_space<hbm>> -> memref<2x128xi32, #tpu.memory_space<hbm>>
          tpu.enqueue_dma source(%dma_start3A_186 : memref<2x128xi32, #tpu.memory_space<hbm>>) target(%arg7 : memref<2x128xi32, #tpu.memory_space<vmem>>) target_semaphore(%arg12 : memref<!tpu.dma_semaphore, #tpu.memory_space<semaphore_mem>>)
        } else {
        }
        %dma_wait3A_147 = arith.constant 0 : i32
        %dma_wait3A_148 = arith.constant 0 : i32
        %dma_wait3A_149 = tpu.memref_slice %arg7[%dma_wait3A_147, %dma_wait3A_148] : memref<2x128xi32, #tpu.memory_space<vmem>> -> memref<1x128xi32, #tpu.memory_space<vmem>>
        %dma_wait3A_150 = tpu.memref_squeeze %dma_wait3A_149 : memref<1x128xi32, #tpu.memory_space<vmem>> -> memref<128xi32, #tpu.memory_space<vmem>>
        %dma_wait3A_151 = arith.constant 0 : i32
        %dma_wait3A_152 = arith.constant 0 : i32
        %dma_wait3A_153 = tpu.memref_slice %arg3[%dma_wait3A_151, %dma_wait3A_152] : memref<10240x128xf32, #tpu.memory_space<hbm>> -> memref<10240x128xf32, #tpu.memory_space<hbm>>
        tpu.wait_indirect_dma semaphore(%arg15 : memref<!tpu.dma_semaphore, #tpu.memory_space<semaphore_mem>>) src(%dma_wait3A_153 : memref<10240x128xf32, #tpu.memory_space<hbm>>) dst(%arg10 : memref<128x128xf32, #tpu.memory_space<vmem>>)
        %mul3A_154 = arith.constant 2 : i32
        %mul3A_155 = arith.muli %mul3A_154, %while3A_115 : i32
        %add3A_156 = arith.constant 2 : i32
        %add3A_157 = arith.addi %mul3A_155, %add3A_156 : i32
        %lt3A_158 = arith.cmpi slt, %add3A_157, %add3A_30 : i32
        %convert_element_type3A_159 = arith.extui %lt3A_158 : i1 to i32
        %cond3A_160 = arith.constant 0 : i32
        %cond3A_161 = arith.cmpi ne, %convert_element_type3A_159, %cond3A_160 : i32
        scf.if %cond3A_161 {
          %dma_wait3A_172 = arith.constant 0 : i32
          %dma_wait3A_173 = arith.constant 0 : i32
          %dma_wait3A_174 = arith.constant 0 : i32
          %dma_wait3A_175 = tpu.memref_slice %arg4[%dma_wait3A_172, %dma_wait3A_173, %dma_wait3A_174] : memref<1250x2x128xi32, #tpu.memory_space<hbm>> -> memref<1x2x128xi32, #tpu.memory_space<hbm>>
          %dma_wait3A_176 = tpu.memref_squeeze %dma_wait3A_175 : memref<1x2x128xi32, #tpu.memory_space<hbm>> -> memref<2x128xi32, #tpu.memory_space<hbm>>
          %dma_wait3A_177 = arith.constant 0 : i32
          %dma_wait3A_178 = arith.constant 0 : i32
          %dma_wait3A_179 = tpu.memref_slice %arg4[%dma_wait3A_172, %dma_wait3A_177, %dma_wait3A_178] : memref<1250x2x128xi32, #tpu.memory_space<hbm>> -> memref<1x2x128xi32, #tpu.memory_space<hbm>>
          %dma_wait3A_180 = tpu.memref_squeeze %dma_wait3A_179 : memref<1x2x128xi32, #tpu.memory_space<hbm>> -> memref<2x128xi32, #tpu.memory_space<hbm>>
          tpu.wait_dma2 semaphore(%arg12 : memref<!tpu.dma_semaphore, #tpu.memory_space<semaphore_mem>>) src(%dma_wait3A_180 : memref<2x128xi32, #tpu.memory_space<hbm>>) dst(%arg7 : memref<2x128xi32, #tpu.memory_space<vmem>>)
          %dma_start3A_181 = arith.constant 0 : i32
          %dma_start3A_182 = arith.constant 0 : i32
          %dma_start3A_183 = tpu.memref_slice %arg7[%dma_start3A_181, %dma_start3A_182] : memref<2x128xi32, #tpu.memory_space<vmem>> -> memref<1x128xi32, #tpu.memory_space<vmem>>
          %dma_start3A_184 = tpu.memref_squeeze %dma_start3A_183 : memref<1x128xi32, #tpu.memory_space<vmem>> -> memref<128xi32, #tpu.memory_space<vmem>>
          %dma_start3A_185 = arith.constant 0 : i32
          %dma_start3A_186 = arith.constant 0 : i32
          %dma_start3A_187 = tpu.memref_slice %arg3[%dma_start3A_185, %dma_start3A_186] : memref<10240x128xf32, #tpu.memory_space<hbm>> -> memref<10240x128xf32, #tpu.memory_space<hbm>>
          tpu.enqueue_indirect_dma source(%dma_start3A_187 : memref<10240x128xf32, #tpu.memory_space<hbm>>) target(%arg9 : memref<128x128xf32, #tpu.memory_space<vmem>>) offsets(%dma_start3A_184 : memref<128xi32, #tpu.memory_space<vmem>>) semaphore(%arg14 : memref<!tpu.dma_semaphore, #tpu.memory_space<semaphore_mem>>)
        } else {
        }
        %run_scoped3A_162 = arith.constant 1 : i32
        "tpu.region"() ({
          %run_scoped3A_172 = tpu.sem_alloc : memref<!tpu.dma_semaphore, #tpu.memory_space<semaphore_mem>>
          %dma_start3A_173 = arith.constant 0 : i32
          %dma_start3A_174 = tpu.memref_slice %arg8[%run_scoped3A_162, %dma_start3A_173] : memref<2x128xi32, #tpu.memory_space<vmem>> -> memref<1x128xi32, #tpu.memory_space<vmem>>
          %dma_start3A_175 = tpu.memref_squeeze %dma_start3A_174 : memref<1x128xi32, #tpu.memory_space<vmem>> -> memref<128xi32, #tpu.memory_space<vmem>>
          %dma_start3A_176 = arith.constant 0 : i32
          %dma_start3A_177 = arith.constant 0 : i32
          %dma_start3A_178 = tpu.memref_slice %arg11[%dma_start3A_176, %dma_start3A_177] : memref<10240x128xf32, #tpu.memory_space<vmem_shared>> -> memref<10240x128xf32, #tpu.memory_space<vmem_shared>>
          tpu.enqueue_indirect_dma source(%arg10 : memref<128x128xf32, #tpu.memory_space<vmem>>) target(%dma_start3A_178 : memref<10240x128xf32, #tpu.memory_space<vmem_shared>>) offsets(%dma_start3A_175 : memref<128xi32, #tpu.memory_space<vmem>>) semaphore(%run_scoped3A_172 : memref<!tpu.dma_semaphore, #tpu.memory_space<semaphore_mem>>) {add = true}
          %dma_wait3A_179 = arith.constant 0 : i32
          %dma_wait3A_180 = tpu.memref_slice %arg8[%run_scoped3A_162, %dma_wait3A_179] : memref<2x128xi32, #tpu.memory_space<vmem>> -> memref<1x128xi32, #tpu.memory_space<vmem>>
          %dma_wait3A_181 = tpu.memref_squeeze %dma_wait3A_180 : memref<1x128xi32, #tpu.memory_space<vmem>> -> memref<128xi32, #tpu.memory_space<vmem>>
          %dma_wait3A_182 = arith.constant 0 : i32
          %dma_wait3A_183 = arith.constant 0 : i32
          %dma_wait3A_184 = tpu.memref_slice %arg11[%dma_wait3A_182, %dma_wait3A_183] : memref<10240x128xf32, #tpu.memory_space<vmem_shared>> -> memref<10240x128xf32, #tpu.memory_space<vmem_shared>>
          tpu.wait_indirect_dma semaphore(%run_scoped3A_172 : memref<!tpu.dma_semaphore, #tpu.memory_space<semaphore_mem>>) src(%arg10 : memref<128x128xf32, #tpu.memory_space<vmem>>) dst(%dma_wait3A_184 : memref<10240x128xf32, #tpu.memory_space<vmem_shared>>)
          tpu.yield
        }) : () -> ()
        %mul3A_163 = arith.constant 2 : i32
        %mul3A_164 = arith.muli %mul3A_163, %while3A_115 : i32
        %add3A_165 = arith.constant 3 : i32
        %add3A_166 = arith.addi %mul3A_164, %add3A_165 : i32
        %lt3A_167 = arith.cmpi slt, %add3A_166, %add3A_30 : i32
        %convert_element_type3A_168 = arith.extui %lt3A_167 : i1 to i32
        %cond3A_169 = arith.constant 0 : i32
        %cond3A_170 = arith.cmpi ne, %convert_element_type3A_168, %cond3A_169 : i32
        scf.if %cond3A_170 {
          %mul3A_172 = arith.constant 2 : i32
          %mul3A_173 = arith.muli %mul3A_172, %while3A_115 : i32
          %add3A_174 = arith.constant 3 : i32
          %add3A_175 = arith.addi %mul3A_173, %add3A_174 : i32
          %mul3A_176 = arith.constant 16 : i32
          %mul3A_177 = arith.muli %mul3A_176, %add3A_175 : i32
          %add3A_178 = arith.addi %arg1, %mul3A_177 : i32
          %dma_start3A_179 = arith.constant 0 : i32
          %dma_start3A_180 = arith.constant 0 : i32
          %dma_start3A_181 = tpu.memref_slice %arg4[%add3A_178, %dma_start3A_179, %dma_start3A_180] : memref<1250x2x128xi32, #tpu.memory_space<hbm>> -> memref<1x2x128xi32, #tpu.memory_space<hbm>>
          %dma_start3A_182 = tpu.memref_squeeze %dma_start3A_181 : memref<1x2x128xi32, #tpu.memory_space<hbm>> -> memref<2x128xi32, #tpu.memory_space<hbm>>
          %dma_start3A_183 = arith.constant 0 : i32
          %dma_start3A_184 = arith.constant 0 : i32
          %dma_start3A_185 = tpu.memref_slice %arg4[%add3A_178, %dma_start3A_183, %dma_start3A_184] : memref<1250x2x128xi32, #tpu.memory_space<hbm>> -> memref<1x2x128xi32, #tpu.memory_space<hbm>>
          %dma_start3A_186 = tpu.memref_squeeze %dma_start3A_185 : memref<1x2x128xi32, #tpu.memory_space<hbm>> -> memref<2x128xi32, #tpu.memory_space<hbm>>
          tpu.enqueue_dma source(%dma_start3A_186 : memref<2x128xi32, #tpu.memory_space<hbm>>) target(%arg8 : memref<2x128xi32, #tpu.memory_space<vmem>>) target_semaphore(%arg13 : memref<!tpu.dma_semaphore, #tpu.memory_space<semaphore_mem>>)
        } else {
        }
        %while3A_171 = arith.constant 0 : i32
        scf.yield %while3A_171 : i32
      }
      %while3A_92 = arith.constant 1 : i32
      %while3A_93 = scf.for %while3A_115 = %while3A_89 to %while3A_85 step %while3A_92 iter_args(%while3A_116 = %while3A_91) -> (i32)  : i32 {
        %dma_wait3A_117 = arith.constant 0 : i32
        %dma_wait3A_118 = arith.constant 0 : i32
        %dma_wait3A_119 = tpu.memref_slice %arg7[%dma_wait3A_117, %dma_wait3A_118] : memref<2x128xi32, #tpu.memory_space<vmem>> -> memref<1x128xi32, #tpu.memory_space<vmem>>
        %dma_wait3A_120 = tpu.memref_squeeze %dma_wait3A_119 : memref<1x128xi32, #tpu.memory_space<vmem>> -> memref<128xi32, #tpu.memory_space<vmem>>
        %dma_wait3A_121 = arith.constant 0 : i32
        %dma_wait3A_122 = arith.constant 0 : i32
        %dma_wait3A_123 = tpu.memref_slice %arg3[%dma_wait3A_121, %dma_wait3A_122] : memref<10240x128xf32, #tpu.memory_space<hbm>> -> memref<10240x128xf32, #tpu.memory_space<hbm>>
        tpu.wait_indirect_dma semaphore(%arg14 : memref<!tpu.dma_semaphore, #tpu.memory_space<semaphore_mem>>) src(%dma_wait3A_123 : memref<10240x128xf32, #tpu.memory_space<hbm>>) dst(%arg9 : memref<128x128xf32, #tpu.memory_space<vmem>>)
        %dma_wait3A_124 = arith.constant 0 : i32
        %dma_wait3A_125 = arith.constant 0 : i32
        %dma_wait3A_126 = arith.constant 0 : i32
        %dma_wait3A_127 = tpu.memref_slice %arg4[%dma_wait3A_124, %dma_wait3A_125, %dma_wait3A_126] : memref<1250x2x128xi32, #tpu.memory_space<hbm>> -> memref<1x2x128xi32, #tpu.memory_space<hbm>>
        %dma_wait3A_128 = tpu.memref_squeeze %dma_wait3A_127 : memref<1x2x128xi32, #tpu.memory_space<hbm>> -> memref<2x128xi32, #tpu.memory_space<hbm>>
        %dma_wait3A_129 = arith.constant 0 : i32
        %dma_wait3A_130 = arith.constant 0 : i32
        %dma_wait3A_131 = tpu.memref_slice %arg4[%dma_wait3A_124, %dma_wait3A_129, %dma_wait3A_130] : memref<1250x2x128xi32, #tpu.memory_space<hbm>> -> memref<1x2x128xi32, #tpu.memory_space<hbm>>
        %dma_wait3A_132 = tpu.memref_squeeze %dma_wait3A_131 : memref<1x2x128xi32, #tpu.memory_space<hbm>> -> memref<2x128xi32, #tpu.memory_space<hbm>>
        tpu.wait_dma2 semaphore(%arg13 : memref<!tpu.dma_semaphore, #tpu.memory_space<semaphore_mem>>) src(%dma_wait3A_132 : memref<2x128xi32, #tpu.memory_space<hbm>>) dst(%arg8 : memref<2x128xi32, #tpu.memory_space<vmem>>)
        %dma_start3A_133 = arith.constant 0 : i32
        %dma_start3A_134 = arith.constant 0 : i32
        %dma_start3A_135 = tpu.memref_slice %arg8[%dma_start3A_133, %dma_start3A_134] : memref<2x128xi32, #tpu.memory_space<vmem>> -> memref<1x128xi32, #tpu.memory_space<vmem>>
        %dma_start3A_136 = tpu.memref_squeeze %dma_start3A_135 : memref<1x128xi32, #tpu.memory_space<vmem>> -> memref<128xi32, #tpu.memory_space<vmem>>
        %dma_start3A_137 = arith.constant 0 : i32
        %dma_start3A_138 = arith.constant 0 : i32
        %dma_start3A_139 = tpu.memref_slice %arg3[%dma_start3A_137, %dma_start3A_138] : memref<10240x128xf32, #tpu.memory_space<hbm>> -> memref<10240x128xf32, #tpu.memory_space<hbm>>
        tpu.enqueue_indirect_dma source(%dma_start3A_139 : memref<10240x128xf32, #tpu.memory_space<hbm>>) target(%arg10 : memref<128x128xf32, #tpu.memory_space<vmem>>) offsets(%dma_start3A_136 : memref<128xi32, #tpu.memory_space<vmem>>) semaphore(%arg15 : memref<!tpu.dma_semaphore, #tpu.memory_space<semaphore_mem>>)
        %run_scoped3A = arith.constant 1 : i32
        "tpu.region"() ({
          %run_scoped3A_172 = tpu.sem_alloc : memref<!tpu.dma_semaphore, #tpu.memory_space<semaphore_mem>>
          %dma_start3A_173 = arith.constant 0 : i32
          %dma_start3A_174 = tpu.memref_slice %arg7[%run_scoped3A, %dma_start3A_173] : memref<2x128xi32, #tpu.memory_space<vmem>> -> memref<1x128xi32, #tpu.memory_space<vmem>>
          %dma_start3A_175 = tpu.memref_squeeze %dma_start3A_174 : memref<1x128xi32, #tpu.memory_space<vmem>> -> memref<128xi32, #tpu.memory_space<vmem>>
          %dma_start3A_176 = arith.constant 0 : i32
          %dma_start3A_177 = arith.constant 0 : i32
          %dma_start3A_178 = tpu.memref_slice %arg11[%dma_start3A_176, %dma_start3A_177] : memref<10240x128xf32, #tpu.memory_space<vmem_shared>> -> memref<10240x128xf32, #tpu.memory_space<vmem_shared>>
          tpu.enqueue_indirect_dma source(%arg9 : memref<128x128xf32, #tpu.memory_space<vmem>>) target(%dma_start3A_178 : memref<10240x128xf32, #tpu.memory_space<vmem_shared>>) offsets(%dma_start3A_175 : memref<128xi32, #tpu.memory_space<vmem>>) semaphore(%run_scoped3A_172 : memref<!tpu.dma_semaphore, #tpu.memory_space<semaphore_mem>>) {add = true}
          %dma_wait3A_179 = arith.constant 0 : i32
          %dma_wait3A_180 = tpu.memref_slice %arg7[%run_scoped3A, %dma_wait3A_179] : memref<2x128xi32, #tpu.memory_space<vmem>> -> memref<1x128xi32, #tpu.memory_space<vmem>>
          %dma_wait3A_181 = tpu.memref_squeeze %dma_wait3A_180 : memref<1x128xi32, #tpu.memory_space<vmem>> -> memref<128xi32, #tpu.memory_space<vmem>>
          %dma_wait3A_182 = arith.constant 0 : i32
          %dma_wait3A_183 = arith.constant 0 : i32
          %dma_wait3A_184 = tpu.memref_slice %arg11[%dma_wait3A_182, %dma_wait3A_183] : memref<10240x128xf32, #tpu.memory_space<vmem_shared>> -> memref<10240x128xf32, #tpu.memory_space<vmem_shared>>
          tpu.wait_indirect_dma semaphore(%run_scoped3A_172 : memref<!tpu.dma_semaphore, #tpu.memory_space<semaphore_mem>>) src(%arg9 : memref<128x128xf32, #tpu.memory_space<vmem>>) dst(%dma_wait3A_184 : memref<10240x128xf32, #tpu.memory_space<vmem_shared>>)
          tpu.yield
        }) : () -> ()
        %mul3A = arith.constant 2 : i32
        %mul3A_140 = arith.muli %mul3A, %while3A_115 : i32
        %add3A_141 = arith.constant 2 : i32
        %add3A_142 = arith.addi %mul3A_140, %add3A_141 : i32
        %lt3A_143 = arith.cmpi slt, %add3A_142, %add3A_30 : i32
        %convert_element_type3A_144 = arith.extui %lt3A_143 : i1 to i32
        %cond3A_145 = arith.constant 0 : i32
        %cond3A_146 = arith.cmpi ne, %convert_element_type3A_144, %cond3A_145 : i32
        scf.if %cond3A_146 {
          %mul3A_172 = arith.constant 2 : i32
          %mul3A_173 = arith.muli %mul3A_172, %while3A_115 : i32
          %add3A_174 = arith.constant 2 : i32
          %add3A_175 = arith.addi %mul3A_173, %add3A_174 : i32
          %mul3A_176 = arith.constant 16 : i32
          %mul3A_177 = arith.muli %mul3A_176, %add3A_175 : i32
          %add3A_178 = arith.addi %arg1, %mul3A_177 : i32
          %dma_start3A_179 = arith.constant 0 : i32
          %dma_start3A_180 = arith.constant 0 : i32
          %dma_start3A_181 = tpu.memref_slice %arg4[%add3A_178, %dma_start3A_179, %dma_start3A_180] : memref<1250x2x128xi32, #tpu.memory_space<hbm>> -> memref<1x2x128xi32, #tpu.memory_space<hbm>>
          %dma_start3A_182 = tpu.memref_squeeze %dma_start3A_181 : memref<1x2x128xi32, #tpu.memory_space<hbm>> -> memref<2x128xi32, #tpu.memory_space<hbm>>
          %dma_start3A_183 = arith.constant 0 : i32
          %dma_start3A_184 = arith.constant 0 : i32
          %dma_start3A_185 = tpu.memref_slice %arg4[%add3A_178, %dma_start3A_183, %dma_start3A_184] : memref<1250x2x128xi32, #tpu.memory_space<hbm>> -> memref<1x2x128xi32, #tpu.memory_space<hbm>>
          %dma_start3A_186 = tpu.memref_squeeze %dma_start3A_185 : memref<1x2x128xi32, #tpu.memory_space<hbm>> -> memref<2x128xi32, #tpu.memory_space<hbm>>
          tpu.enqueue_dma source(%dma_start3A_186 : memref<2x128xi32, #tpu.memory_space<hbm>>) target(%arg7 : memref<2x128xi32, #tpu.memory_space<vmem>>) target_semaphore(%arg12 : memref<!tpu.dma_semaphore, #tpu.memory_space<semaphore_mem>>)
        } else {
        }
        %dma_wait3A_147 = arith.constant 0 : i32
        %dma_wait3A_148 = arith.constant 0 : i32
        %dma_wait3A_149 = tpu.memref_slice %arg7[%dma_wait3A_147, %dma_wait3A_148] : memref<2x128xi32, #tpu.memory_space<vmem>> -> memref<1x128xi32, #tpu.memory_space<vmem>>
        %dma_wait3A_150 = tpu.memref_squeeze %dma_wait3A_149 : memref<1x128xi32, #tpu.memory_space<vmem>> -> memref<128xi32, #tpu.memory_space<vmem>>
        %dma_wait3A_151 = arith.constant 0 : i32
        %dma_wait3A_152 = arith.constant 0 : i32
        %dma_wait3A_153 = tpu.memref_slice %arg3[%dma_wait3A_151, %dma_wait3A_152] : memref<10240x128xf32, #tpu.memory_space<hbm>> -> memref<10240x128xf32, #tpu.memory_space<hbm>>
        tpu.wait_indirect_dma semaphore(%arg15 : memref<!tpu.dma_semaphore, #tpu.memory_space<semaphore_mem>>) src(%dma_wait3A_153 : memref<10240x128xf32, #tpu.memory_space<hbm>>) dst(%arg10 : memref<128x128xf32, #tpu.memory_space<vmem>>)
        %mul3A_154 = arith.constant 2 : i32
        %mul3A_155 = arith.muli %mul3A_154, %while3A_115 : i32
        %add3A_156 = arith.constant 2 : i32
        %add3A_157 = arith.addi %mul3A_155, %add3A_156 : i32
        %lt3A_158 = arith.cmpi slt, %add3A_157, %add3A_30 : i32
        %convert_element_type3A_159 = arith.extui %lt3A_158 : i1 to i32
        %cond3A_160 = arith.constant 0 : i32
        %cond3A_161 = arith.cmpi ne, %convert_element_type3A_159, %cond3A_160 : i32
        scf.if %cond3A_161 {
          %dma_wait3A_172 = arith.constant 0 : i32
          %dma_wait3A_173 = arith.constant 0 : i32
          %dma_wait3A_174 = arith.constant 0 : i32
          %dma_wait3A_175 = tpu.memref_slice %arg4[%dma_wait3A_172, %dma_wait3A_173, %dma_wait3A_174] : memref<1250x2x128xi32, #tpu.memory_space<hbm>> -> memref<1x2x128xi32, #tpu.memory_space<hbm>>
          %dma_wait3A_176 = tpu.memref_squeeze %dma_wait3A_175 : memref<1x2x128xi32, #tpu.memory_space<hbm>> -> memref<2x128xi32, #tpu.memory_space<hbm>>
          %dma_wait3A_177 = arith.constant 0 : i32
          %dma_wait3A_178 = arith.constant 0 : i32
          %dma_wait3A_179 = tpu.memref_slice %arg4[%dma_wait3A_172, %dma_wait3A_177, %dma_wait3A_178] : memref<1250x2x128xi32, #tpu.memory_space<hbm>> -> memref<1x2x128xi32, #tpu.memory_space<hbm>>
          %dma_wait3A_180 = tpu.memref_squeeze %dma_wait3A_179 : memref<1x2x128xi32, #tpu.memory_space<hbm>> -> memref<2x128xi32, #tpu.memory_space<hbm>>
          tpu.wait_dma2 semaphore(%arg12 : memref<!tpu.dma_semaphore, #tpu.memory_space<semaphore_mem>>) src(%dma_wait3A_180 : memref<2x128xi32, #tpu.memory_space<hbm>>) dst(%arg7 : memref<2x128xi32, #tpu.memory_space<vmem>>)
          %dma_start3A_181 = arith.constant 0 : i32
          %dma_start3A_182 = arith.constant 0 : i32
          %dma_start3A_183 = tpu.memref_slice %arg7[%dma_start3A_181, %dma_start3A_182] : memref<2x128xi32, #tpu.memory_space<vmem>> -> memref<1x128xi32, #tpu.memory_space<vmem>>
          %dma_start3A_184 = tpu.memref_squeeze %dma_start3A_183 : memref<1x128xi32, #tpu.memory_space<vmem>> -> memref<128xi32, #tpu.memory_space<vmem>>
          %dma_start3A_185 = arith.constant 0 : i32
          %dma_start3A_186 = arith.constant 0 : i32
          %dma_start3A_187 = tpu.memref_slice %arg3[%dma_start3A_185, %dma_start3A_186] : memref<10240x128xf32, #tpu.memory_space<hbm>> -> memref<10240x128xf32, #tpu.memory_space<hbm>>
          tpu.enqueue_indirect_dma source(%dma_start3A_187 : memref<10240x128xf32, #tpu.memory_space<hbm>>) target(%arg9 : memref<128x128xf32, #tpu.memory_space<vmem>>) offsets(%dma_start3A_184 : memref<128xi32, #tpu.memory_space<vmem>>) semaphore(%arg14 : memref<!tpu.dma_semaphore, #tpu.memory_space<semaphore_mem>>)
        } else {
        }
        %run_scoped3A_162 = arith.constant 1 : i32
        "tpu.region"() ({
          %run_scoped3A_172 = tpu.sem_alloc : memref<!tpu.dma_semaphore, #tpu.memory_space<semaphore_mem>>
          %dma_start3A_173 = arith.constant 0 : i32
          %dma_start3A_174 = tpu.memref_slice %arg8[%run_scoped3A_162, %dma_start3A_173] : memref<2x128xi32, #tpu.memory_space<vmem>> -> memref<1x128xi32, #tpu.memory_space<vmem>>
          %dma_start3A_175 = tpu.memref_squeeze %dma_start3A_174 : memref<1x128xi32, #tpu.memory_space<vmem>> -> memref<128xi32, #tpu.memory_space<vmem>>
          %dma_start3A_176 = arith.constant 0 : i32
          %dma_start3A_177 = arith.constant 0 : i32
          %dma_start3A_178 = tpu.memref_slice %arg11[%dma_start3A_176, %dma_start3A_177] : memref<10240x128xf32, #tpu.memory_space<vmem_shared>> -> memref<10240x128xf32, #tpu.memory_space<vmem_shared>>
          tpu.enqueue_indirect_dma source(%arg10 : memref<128x128xf32, #tpu.memory_space<vmem>>) target(%dma_start3A_178 : memref<10240x128xf32, #tpu.memory_space<vmem_shared>>) offsets(%dma_start3A_175 : memref<128xi32, #tpu.memory_space<vmem>>) semaphore(%run_scoped3A_172 : memref<!tpu.dma_semaphore, #tpu.memory_space<semaphore_mem>>) {add = true}
          %dma_wait3A_179 = arith.constant 0 : i32
          %dma_wait3A_180 = tpu.memref_slice %arg8[%run_scoped3A_162, %dma_wait3A_179] : memref<2x128xi32, #tpu.memory_space<vmem>> -> memref<1x128xi32, #tpu.memory_space<vmem>>
          %dma_wait3A_181 = tpu.memref_squeeze %dma_wait3A_180 : memref<1x128xi32, #tpu.memory_space<vmem>> -> memref<128xi32, #tpu.memory_space<vmem>>
          %dma_wait3A_182 = arith.constant 0 : i32
          %dma_wait3A_183 = arith.constant 0 : i32
          %dma_wait3A_184 = tpu.memref_slice %arg11[%dma_wait3A_182, %dma_wait3A_183] : memref<10240x128xf32, #tpu.memory_space<vmem_shared>> -> memref<10240x128xf32, #tpu.memory_space<vmem_shared>>
          tpu.wait_indirect_dma semaphore(%run_scoped3A_172 : memref<!tpu.dma_semaphore, #tpu.memory_space<semaphore_mem>>) src(%arg10 : memref<128x128xf32, #tpu.memory_space<vmem>>) dst(%dma_wait3A_184 : memref<10240x128xf32, #tpu.memory_space<vmem_shared>>)
          tpu.yield
        }) : () -> ()
        %mul3A_163 = arith.constant 2 : i32
        %mul3A_164 = arith.muli %mul3A_163, %while3A_115 : i32
        %add3A_165 = arith.constant 3 : i32
        %add3A_166 = arith.addi %mul3A_164, %add3A_165 : i32
        %lt3A_167 = arith.cmpi slt, %add3A_166, %add3A_30 : i32
        %convert_element_type3A_168 = arith.extui %lt3A_167 : i1 to i32
        %cond3A_169 = arith.constant 0 : i32
        %cond3A_170 = arith.cmpi ne, %convert_element_type3A_168, %cond3A_169 : i32
        scf.if %cond3A_170 {
          %mul3A_172 = arith.constant 2 : i32
          %mul3A_173 = arith.muli %mul3A_172, %while3A_115 : i32
          %add3A_174 = arith.constant 3 : i32
          %add3A_175 = arith.addi %mul3A_173, %add3A_174 : i32
          %mul3A_176 = arith.constant 16 : i32
          %mul3A_177 = arith.muli %mul3A_176, %add3A_175 : i32
          %add3A_178 = arith.addi %arg1, %mul3A_177 : i32
          %dma_start3A_179 = arith.constant 0 : i32
          %dma_start3A_180 = arith.constant 0 : i32
          %dma_start3A_181 = tpu.memref_slice %arg4[%add3A_178, %dma_start3A_179, %dma_start3A_180] : memref<1250x2x128xi32, #tpu.memory_space<hbm>> -> memref<1x2x128xi32, #tpu.memory_space<hbm>>
          %dma_start3A_182 = tpu.memref_squeeze %dma_start3A_181 : memref<1x2x128xi32, #tpu.memory_space<hbm>> -> memref<2x128xi32, #tpu.memory_space<hbm>>
          %dma_start3A_183 = arith.constant 0 : i32
          %dma_start3A_184 = arith.constant 0 : i32
          %dma_start3A_185 = tpu.memref_slice %arg4[%add3A_178, %dma_start3A_183, %dma_start3A_184] : memref<1250x2x128xi32, #tpu.memory_space<hbm>> -> memref<1x2x128xi32, #tpu.memory_space<hbm>>
          %dma_start3A_186 = tpu.memref_squeeze %dma_start3A_185 : memref<1x2x128xi32, #tpu.memory_space<hbm>> -> memref<2x128xi32, #tpu.memory_space<hbm>>
          tpu.enqueue_dma source(%dma_start3A_186 : memref<2x128xi32, #tpu.memory_space<hbm>>) target(%arg8 : memref<2x128xi32, #tpu.memory_space<vmem>>) target_semaphore(%arg13 : memref<!tpu.dma_semaphore, #tpu.memory_space<semaphore_mem>>)
        } else {
        }
        %while3A_171 = arith.constant 0 : i32
        scf.yield %while3A_171 : i32
      }
      %jit3A_94 = arith.constant 2 : i32
      %eq3A_95 = arith.constant 0 : i32
      %eq3A_96 = arith.cmpi eq, %jit3A_94, %eq3A_95 : i32
      %jit3A_97 = arith.constant 1 : i32
      %select_n3A_98 = arith.select %eq3A_96, %jit3A_97, %jit3A_94 : i32
      %rem3A_99 = arith.remsi %add3A_30, %select_n3A_98 : i32
      %ne3A_100 = arith.constant 0 : i32
      %ne3A_101 = arith.cmpi ne, %rem3A_99, %ne3A_100 : i32
      %lt3A_102 = arith.constant 0 : i32
      %lt3A_103 = arith.cmpi slt, %rem3A_99, %lt3A_102 : i32
      %lt3A_104 = arith.constant 0 : i32
      %lt3A_105 = arith.cmpi slt, %select_n3A_98, %lt3A_104 : i32
      %ne3A_106 = arith.xori %lt3A_103, %lt3A_105 : i1
      %and3A_107 = arith.andi %ne3A_106, %ne3A_101 : i1
      %add3A_108 = arith.addi %rem3A_99, %select_n3A_98 : i32
      %select_n3A_109 = arith.select %and3A_107, %add3A_108, %rem3A_99 : i32
      %eq3A_110 = arith.constant 1 : i32
      %eq3A_111 = arith.cmpi eq, %select_n3A_109, %eq3A_110 : i32
      %convert_element_type3A_112 = arith.extui %eq3A_111 : i1 to i32
      %cond3A_113 = arith.constant 0 : i32
      %cond3A_114 = arith.cmpi ne, %convert_element_type3A_112, %cond3A_113 : i32
      scf.if %cond3A_114 {
        %dma_wait3A_115 = arith.constant 0 : i32
        %dma_wait3A_116 = arith.constant 0 : i32
        %dma_wait3A_117 = tpu.memref_slice %arg7[%dma_wait3A_115, %dma_wait3A_116] : memref<2x128xi32, #tpu.memory_space<vmem>> -> memref<1x128xi32, #tpu.memory_space<vmem>>
        %dma_wait3A_118 = tpu.memref_squeeze %dma_wait3A_117 : memref<1x128xi32, #tpu.memory_space<vmem>> -> memref<128xi32, #tpu.memory_space<vmem>>
        %dma_wait3A_119 = arith.constant 0 : i32
        %dma_wait3A_120 = arith.constant 0 : i32
        %dma_wait3A_121 = tpu.memref_slice %arg3[%dma_wait3A_119, %dma_wait3A_120] : memref<10240x128xf32, #tpu.memory_space<hbm>> -> memref<10240x128xf32, #tpu.memory_space<hbm>>
        tpu.wait_indirect_dma semaphore(%arg14 : memref<!tpu.dma_semaphore, #tpu.memory_space<semaphore_mem>>) src(%dma_wait3A_121 : memref<10240x128xf32, #tpu.memory_space<hbm>>) dst(%arg9 : memref<128x128xf32, #tpu.memory_space<vmem>>)
        %run_scoped3A = arith.constant 1 : i32
        "tpu.region"() ({
          %run_scoped3A_122 = tpu.sem_alloc : memref<!tpu.dma_semaphore, #tpu.memory_space<semaphore_mem>>
          %dma_start3A_123 = arith.constant 0 : i32
          %dma_start3A_124 = tpu.memref_slice %arg7[%run_scoped3A, %dma_start3A_123] : memref<2x128xi32, #tpu.memory_space<vmem>> -> memref<1x128xi32, #tpu.memory_space<vmem>>
          %dma_start3A_125 = tpu.memref_squeeze %dma_start3A_124 : memref<1x128xi32, #tpu.memory_space<vmem>> -> memref<128xi32, #tpu.memory_space<vmem>>
          %dma_start3A_126 = arith.constant 0 : i32
          %dma_start3A_127 = arith.constant 0 : i32
          %dma_start3A_128 = tpu.memref_slice %arg11[%dma_start3A_126, %dma_start3A_127] : memref<10240x128xf32, #tpu.memory_space<vmem_shared>> -> memref<10240x128xf32, #tpu.memory_space<vmem_shared>>
          tpu.enqueue_indirect_dma source(%arg9 : memref<128x128xf32, #tpu.memory_space<vmem>>) target(%dma_start3A_128 : memref<10240x128xf32, #tpu.memory_space<vmem_shared>>) offsets(%dma_start3A_125 : memref<128xi32, #tpu.memory_space<vmem>>) semaphore(%run_scoped3A_122 : memref<!tpu.dma_semaphore, #tpu.memory_space<semaphore_mem>>) {add = true}
          %dma_wait3A_129 = arith.constant 0 : i32
          %dma_wait3A_130 = tpu.memref_slice %arg7[%run_scoped3A, %dma_wait3A_129] : memref<2x128xi32, #tpu.memory_space<vmem>> -> memref<1x128xi32, #tpu.memory_space<vmem>>
          %dma_wait3A_131 = tpu.memref_squeeze %dma_wait3A_130 : memref<1x128xi32, #tpu.memory_space<vmem>> -> memref<128xi32, #tpu.memory_space<vmem>>
          %dma_wait3A_132 = arith.constant 0 : i32
          %dma_wait3A_133 = arith.constant 0 : i32
          %dma_wait3A_134 = tpu.memref_slice %arg11[%dma_wait3A_132, %dma_wait3A_133] : memref<10240x128xf32, #tpu.memory_space<vmem_shared>> -> memref<10240x128xf32, #tpu.memory_space<vmem_shared>>
          tpu.wait_indirect_dma semaphore(%run_scoped3A_122 : memref<!tpu.dma_semaphore, #tpu.memory_space<semaphore_mem>>) src(%arg9 : memref<128x128xf32, #tpu.memory_space<vmem>>) dst(%dma_wait3A_134 : memref<10240x128xf32, #tpu.memory_space<vmem_shared>>)
          tpu.yield
        }) : () -> ()
      } else {
      }
    } else {
    }
    %barrier3A_17 = arith.constant 0 : index
    tpu.barrier barrier_id(%barrier3A_17)
    %eq3A_18 = arith.constant 0 : i32
    %eq3A_19 = arith.cmpi eq, %arg0, %eq3A_18 : i32
    %convert_element_type3A_20 = arith.extui %eq3A_19 : i1 to i32
    %cond3A_21 = arith.constant 0 : i32
    %cond3A_22 = arith.cmpi ne, %convert_element_type3A_20, %cond3A_21 : i32
    scf.if %cond3A_22 {
      %mul3A = arith.constant 640 : i32
      %mul3A_28 = arith.muli %arg1, %mul3A : i32
      "tpu.region"() ({
        %run_scoped3A = tpu.sem_alloc : memref<!tpu.dma_semaphore, #tpu.memory_space<semaphore_mem>>
        %dma_start3A = arith.constant 0 : i32
        %dma_start3A_29 = tpu.memref_slice %arg5[%mul3A_28, %dma_start3A] : memref<10240x128xf32, #tpu.memory_space<hbm>> -> memref<640x128xf32, #tpu.memory_space<hbm>>
        %dma_start3A_30 = arith.constant 0 : i32
        %dma_start3A_31 = tpu.memref_slice %arg11[%mul3A_28, %dma_start3A_30] : memref<10240x128xf32, #tpu.memory_space<vmem_shared>> -> memref<640x128xf32, #tpu.memory_space<vmem_shared>>
        tpu.enqueue_dma source(%dma_start3A_31 : memref<640x128xf32, #tpu.memory_space<vmem_shared>>) target(%dma_start3A_29 : memref<640x128xf32, #tpu.memory_space<hbm>>) target_semaphore(%run_scoped3A : memref<!tpu.dma_semaphore, #tpu.memory_space<semaphore_mem>>)
        %dma_wait3A = arith.constant 0 : i32
        %dma_wait3A_32 = tpu.memref_slice %arg5[%mul3A_28, %dma_wait3A] : memref<10240x128xf32, #tpu.memory_space<hbm>> -> memref<640x128xf32, #tpu.memory_space<hbm>>
        %dma_wait3A_33 = arith.constant 0 : i32
        %dma_wait3A_34 = tpu.memref_slice %arg11[%mul3A_28, %dma_wait3A_33] : memref<10240x128xf32, #tpu.memory_space<vmem_shared>> -> memref<640x128xf32, #tpu.memory_space<vmem_shared>>
        tpu.wait_dma2 semaphore(%run_scoped3A : memref<!tpu.dma_semaphore, #tpu.memory_space<semaphore_mem>>) src(%dma_wait3A_34 : memref<640x128xf32, #tpu.memory_space<vmem_shared>>) dst(%dma_wait3A_32 : memref<640x128xf32, #tpu.memory_space<hbm>>)
        tpu.yield
      }) : () -> ()
    } else {
    }
    %eq3A_23 = arith.constant 1 : i32
    %eq3A_24 = arith.cmpi eq, %arg0, %eq3A_23 : i32
    %convert_element_type3A_25 = arith.extui %eq3A_24 : i1 to i32
    %cond3A_26 = arith.constant 0 : i32
    %cond3A_27 = arith.cmpi ne, %convert_element_type3A_25, %cond3A_26 : i32
    scf.if %cond3A_27 {
      %mul3A = arith.constant 640 : i32
      %mul3A_28 = arith.muli %arg1, %mul3A : i32
      "tpu.region"() ({
        %run_scoped3A = tpu.sem_alloc : memref<!tpu.dma_semaphore, #tpu.memory_space<semaphore_mem>>
        %dma_start3A = arith.constant 0 : i32
        %dma_start3A_29 = tpu.memref_slice %arg6[%mul3A_28, %dma_start3A] : memref<10240x128xf32, #tpu.memory_space<hbm>> -> memref<640x128xf32, #tpu.memory_space<hbm>>
        %dma_start3A_30 = arith.constant 0 : i32
        %dma_start3A_31 = tpu.memref_slice %arg11[%mul3A_28, %dma_start3A_30] : memref<10240x128xf32, #tpu.memory_space<vmem_shared>> -> memref<640x128xf32, #tpu.memory_space<vmem_shared>>
        tpu.enqueue_dma source(%dma_start3A_31 : memref<640x128xf32, #tpu.memory_space<vmem_shared>>) target(%dma_start3A_29 : memref<640x128xf32, #tpu.memory_space<hbm>>) target_semaphore(%run_scoped3A : memref<!tpu.dma_semaphore, #tpu.memory_space<semaphore_mem>>)
        %dma_wait3A = arith.constant 0 : i32
        %dma_wait3A_32 = tpu.memref_slice %arg6[%mul3A_28, %dma_wait3A] : memref<10240x128xf32, #tpu.memory_space<hbm>> -> memref<640x128xf32, #tpu.memory_space<hbm>>
        %dma_wait3A_33 = arith.constant 0 : i32
        %dma_wait3A_34 = tpu.memref_slice %arg11[%mul3A_28, %dma_wait3A_33] : memref<10240x128xf32, #tpu.memory_space<vmem_shared>> -> memref<640x128xf32, #tpu.memory_space<vmem_shared>>
        tpu.wait_dma2 semaphore(%run_scoped3A : memref<!tpu.dma_semaphore, #tpu.memory_space<semaphore_mem>>) src(%dma_wait3A_34 : memref<640x128xf32, #tpu.memory_space<vmem_shared>>) dst(%dma_wait3A_32 : memref<640x128xf32, #tpu.memory_space<hbm>>)
        tpu.yield
      }) : () -> ()
    } else {
    }
    return
  }
}

#map = affine_map<(d0, d1) -> (0, 0)>
#map1 = affine_map<(d0, d1) -> (0, 0, 0)>
module attributes {stable_mosaic.version = 14 : i64} {
  func.func @_agg_kernel(%arg0: i32, %arg1: i32, %arg2: memref<10240x128xf32, #tpu.memory_space<hbm>>, %arg3: memref<10240x128xf32, #tpu.memory_space<hbm>>, %arg4: memref<1250x2x128xi32, #tpu.memory_space<hbm>>, %arg5: memref<10240x128xf32, #tpu.memory_space<hbm>>, %arg6: memref<10240x128xf32, #tpu.memory_space<hbm>>, %arg7: memref<2x128xi32, #tpu.memory_space<vmem>>, %arg8: memref<2x128xi32, #tpu.memory_space<vmem>>, %arg9: memref<128x128xf32, #tpu.memory_space<vmem>>, %arg10: memref<128x128xf32, #tpu.memory_space<vmem>>, %arg11: memref<10240x128xf32, #tpu.memory_space<vmem_shared>>, %arg12: memref<!tpu.dma_semaphore, #tpu.memory_space<semaphore_mem>>, %arg13: memref<!tpu.dma_semaphore, #tpu.memory_space<semaphore_mem>>, %arg14: memref<!tpu.dma_semaphore, #tpu.memory_space<semaphore_mem>>, %arg15: memref<!tpu.dma_semaphore, #tpu.memory_space<semaphore_mem>>) attributes {dimension_semantics = [#tpu.dimension_semantics<core_parallel>, #tpu.dimension_semantics<subcore_parallel>], iteration_bounds = array<i64: 2, 16>, scalar_prefetch = 0 : i64, scratch_operands = 9 : i64, tpu.core_type = #tpu.core_type<sc_vector_subcore>, window_params = [{transform_indices = #map}, {transform_indices = #map}, {transform_indices = #map1}, {transform_indices = #map}, {transform_indices = #map}]} {
    %eq3A = arith.constant 0 : i32
    %eq3A_0 = arith.cmpi eq, %arg0, %eq3A : i32
    %convert_element_type3A = arith.extui %eq3A_0 : i1 to i32
    %cond3A = arith.constant 0 : i32
    %cond3A_1 = arith.cmpi ne, %convert_element_type3A, %cond3A : i32
    scf.if %cond3A_1 {
      %mul3A = arith.constant 640 : i32
      %mul3A_28 = arith.muli %arg1, %mul3A : i32
      "tpu.region"() ({
        %run_scoped3A = tpu.sem_alloc : memref<!tpu.dma_semaphore, #tpu.memory_space<semaphore_mem>>
        %dma_start3A = arith.constant 0 : i32
        %dma_start3A_29 = tpu.memref_slice %arg11[%mul3A_28, %dma_start3A] : memref<10240x128xf32, #tpu.memory_space<vmem_shared>> -> memref<640x128xf32, #tpu.memory_space<vmem_shared>>
        %dma_start3A_30 = arith.constant 0 : i32
        %dma_start3A_31 = tpu.memref_slice %arg2[%mul3A_28, %dma_start3A_30] : memref<10240x128xf32, #tpu.memory_space<hbm>> -> memref<640x128xf32, #tpu.memory_space<hbm>>
        tpu.enqueue_dma source(%dma_start3A_31 : memref<640x128xf32, #tpu.memory_space<hbm>>) target(%dma_start3A_29 : memref<640x128xf32, #tpu.memory_space<vmem_shared>>) target_semaphore(%run_scoped3A : memref<!tpu.dma_semaphore, #tpu.memory_space<semaphore_mem>>)
        %dma_wait3A = arith.constant 0 : i32
        %dma_wait3A_32 = tpu.memref_slice %arg11[%mul3A_28, %dma_wait3A] : memref<10240x128xf32, #tpu.memory_space<vmem_shared>> -> memref<640x128xf32, #tpu.memory_space<vmem_shared>>
        %dma_wait3A_33 = arith.constant 0 : i32
        %dma_wait3A_34 = tpu.memref_slice %arg2[%mul3A_28, %dma_wait3A_33] : memref<10240x128xf32, #tpu.memory_space<hbm>> -> memref<640x128xf32, #tpu.memory_space<hbm>>
        tpu.wait_dma2 semaphore(%run_scoped3A : memref<!tpu.dma_semaphore, #tpu.memory_space<semaphore_mem>>) src(%dma_wait3A_34 : memref<640x128xf32, #tpu.memory_space<hbm>>) dst(%dma_wait3A_32 : memref<640x128xf32, #tpu.memory_space<vmem_shared>>)
        tpu.yield
      }) : () -> ()
    } else {
    }
    %eq3A_2 = arith.constant 1 : i32
    %eq3A_3 = arith.cmpi eq, %arg0, %eq3A_2 : i32
    %convert_element_type3A_4 = arith.extui %eq3A_3 : i1 to i32
    %cond3A_5 = arith.constant 0 : i32
    %cond3A_6 = arith.cmpi ne, %convert_element_type3A_4, %cond3A_5 : i32
    scf.if %cond3A_6 {
      %mul3A = arith.constant 640 : i32
      %mul3A_28 = arith.muli %arg1, %mul3A : i32
      "tpu.region"() ({
        %run_scoped3A = tpu.sem_alloc : memref<!tpu.dma_semaphore, #tpu.memory_space<semaphore_mem>>
        %dma_start3A = arith.constant 0 : i32
        %dma_start3A_29 = tpu.memref_slice %arg11[%mul3A_28, %dma_start3A] : memref<10240x128xf32, #tpu.memory_space<vmem_shared>> -> memref<640x128xf32, #tpu.memory_space<vmem_shared>>
        %dma_start3A_30 = arith.constant 0 : i32
        %dma_start3A_31 = tpu.memref_slice %arg3[%mul3A_28, %dma_start3A_30] : memref<10240x128xf32, #tpu.memory_space<hbm>> -> memref<640x128xf32, #tpu.memory_space<hbm>>
        tpu.enqueue_dma source(%dma_start3A_31 : memref<640x128xf32, #tpu.memory_space<hbm>>) target(%dma_start3A_29 : memref<640x128xf32, #tpu.memory_space<vmem_shared>>) target_semaphore(%run_scoped3A : memref<!tpu.dma_semaphore, #tpu.memory_space<semaphore_mem>>)
        %dma_wait3A = arith.constant 0 : i32
        %dma_wait3A_32 = tpu.memref_slice %arg11[%mul3A_28, %dma_wait3A] : memref<10240x128xf32, #tpu.memory_space<vmem_shared>> -> memref<640x128xf32, #tpu.memory_space<vmem_shared>>
        %dma_wait3A_33 = arith.constant 0 : i32
        %dma_wait3A_34 = tpu.memref_slice %arg3[%mul3A_28, %dma_wait3A_33] : memref<10240x128xf32, #tpu.memory_space<hbm>> -> memref<640x128xf32, #tpu.memory_space<hbm>>
        tpu.wait_dma2 semaphore(%run_scoped3A : memref<!tpu.dma_semaphore, #tpu.memory_space<semaphore_mem>>) src(%dma_wait3A_34 : memref<640x128xf32, #tpu.memory_space<hbm>>) dst(%dma_wait3A_32 : memref<640x128xf32, #tpu.memory_space<vmem_shared>>)
        tpu.yield
      }) : () -> ()
    } else {
    }
    %barrier3A = arith.constant 0 : index
    tpu.barrier barrier_id(%barrier3A)
    %eq3A_7 = arith.constant 0 : i32
    %eq3A_8 = arith.cmpi eq, %arg0, %eq3A_7 : i32
    %convert_element_type3A_9 = arith.extui %eq3A_8 : i1 to i32
    %cond3A_10 = arith.constant 0 : i32
    %cond3A_11 = arith.cmpi ne, %convert_element_type3A_9, %cond3A_10 : i32
    scf.if %cond3A_11 {
      %lt3A = arith.constant 2 : i32
      %lt3A_28 = arith.cmpi slt, %arg1, %lt3A : i32
      %jit3A = arith.constant 1 : i32
      %jit3A_29 = arith.constant 0 : i32
      %select_n3A = arith.select %lt3A_28, %jit3A, %jit3A_29 : i32
      %add3A = arith.constant 78 : i32
      %add3A_30 = arith.addi %add3A, %select_n3A : i32
      %add3A_31 = arith.constant 0 : i32
      %add3A_32 = arith.addi %arg1, %add3A_31 : i32
      %dma_start3A = arith.constant 0 : i32
      %dma_start3A_33 = arith.constant 0 : i32
      %dma_start3A_34 = tpu.memref_slice %arg4[%add3A_32, %dma_start3A, %dma_start3A_33] : memref<1250x2x128xi32, #tpu.memory_space<hbm>> -> memref<1x2x128xi32, #tpu.memory_space<hbm>>
      %dma_start3A_35 = tpu.memref_squeeze %dma_start3A_34 : memref<1x2x128xi32, #tpu.memory_space<hbm>> -> memref<2x128xi32, #tpu.memory_space<hbm>>
      %dma_start3A_36 = arith.constant 0 : i32
      %dma_start3A_37 = arith.constant 0 : i32
      %dma_start3A_38 = tpu.memref_slice %arg4[%add3A_32, %dma_start3A_36, %dma_start3A_37] : memref<1250x2x128xi32, #tpu.memory_space<hbm>> -> memref<1x2x128xi32, #tpu.memory_space<hbm>>
      %dma_start3A_39 = tpu.memref_squeeze %dma_start3A_38 : memref<1x2x128xi32, #tpu.memory_space<hbm>> -> memref<2x128xi32, #tpu.memory_space<hbm>>
      tpu.enqueue_dma source(%dma_start3A_39 : memref<2x128xi32, #tpu.memory_space<hbm>>) target(%arg7 : memref<2x128xi32, #tpu.memory_space<vmem>>) target_semaphore(%arg12 : memref<!tpu.dma_semaphore, #tpu.memory_space<semaphore_mem>>)
      %add3A_40 = arith.constant 16 : i32
      %add3A_41 = arith.addi %arg1, %add3A_40 : i32
      %dma_start3A_42 = arith.constant 0 : i32
      %dma_start3A_43 = arith.constant 0 : i32
      %dma_start3A_44 = tpu.memref_slice %arg4[%add3A_41, %dma_start3A_42, %dma_start3A_43] : memref<1250x2x128xi32, #tpu.memory_space<hbm>> -> memref<1x2x128xi32, #tpu.memory_space<hbm>>
      %dma_start3A_45 = tpu.memref_squeeze %dma_start3A_44 : memref<1x2x128xi32, #tpu.memory_space<hbm>> -> memref<2x128xi32, #tpu.memory_space<hbm>>
      %dma_start3A_46 = arith.constant 0 : i32
      %dma_start3A_47 = arith.constant 0 : i32
      %dma_start3A_48 = tpu.memref_slice %arg4[%add3A_41, %dma_start3A_46, %dma_start3A_47] : memref<1250x2x128xi32, #tpu.memory_space<hbm>> -> memref<1x2x128xi32, #tpu.memory_space<hbm>>
      %dma_start3A_49 = tpu.memref_squeeze %dma_start3A_48 : memref<1x2x128xi32, #tpu.memory_space<hbm>> -> memref<2x128xi32, #tpu.memory_space<hbm>>
      tpu.enqueue_dma source(%dma_start3A_49 : memref<2x128xi32, #tpu.memory_space<hbm>>) target(%arg8 : memref<2x128xi32, #tpu.memory_space<vmem>>) target_semaphore(%arg13 : memref<!tpu.dma_semaphore, #tpu.memory_space<semaphore_mem>>)
      %dma_wait3A = arith.constant 0 : i32
      %dma_wait3A_50 = arith.constant 0 : i32
      %dma_wait3A_51 = arith.constant 0 : i32
      %dma_wait3A_52 = tpu.memref_slice %arg4[%dma_wait3A, %dma_wait3A_50, %dma_wait3A_51] : memref<1250x2x128xi32, #tpu.memory_space<hbm>> -> memref<1x2x128xi32, #tpu.memory_space<hbm>>
      %dma_wait3A_53 = tpu.memref_squeeze %dma_wait3A_52 : memref<1x2x128xi32, #tpu.memory_space<hbm>> -> memref<2x128xi32, #tpu.memory_space<hbm>>
      %dma_wait3A_54 = arith.constant 0 : i32
      %dma_wait3A_55 = arith.constant 0 : i32
      %dma_wait3A_56 = tpu.memref_slice %arg4[%dma_wait3A, %dma_wait3A_54, %dma_wait3A_55] : memref<1250x2x128xi32, #tpu.memory_space<hbm>> -> memref<1x2x128xi32, #tpu.memory_space<hbm>>
      %dma_wait3A_57 = tpu.memref_squeeze %dma_wait3A_56 : memref<1x2x128xi32, #tpu.memory_space<hbm>> -> memref<2x128xi32, #tpu.memory_space<hbm>>
      tpu.wait_dma2 semaphore(%arg12 : memref<!tpu.dma_semaphore, #tpu.memory_space<semaphore_mem>>) src(%dma_wait3A_57 : memref<2x128xi32, #tpu.memory_space<hbm>>) dst(%arg7 : memref<2x128xi32, #tpu.memory_space<vmem>>)
      %dma_start3A_58 = arith.constant 0 : i32
      %dma_start3A_59 = arith.constant 0 : i32
      %dma_start3A_60 = tpu.memref_slice %arg7[%dma_start3A_58, %dma_start3A_59] : memref<2x128xi32, #tpu.memory_space<vmem>> -> memref<1x128xi32, #tpu.memory_space<vmem>>
      %dma_start3A_61 = tpu.memref_squeeze %dma_start3A_60 : memref<1x128xi32, #tpu.memory_space<vmem>> -> memref<128xi32, #tpu.memory_space<vmem>>
      %dma_start3A_62 = arith.constant 0 : i32
      %dma_start3A_63 = arith.constant 0 : i32
      %dma_start3A_64 = tpu.memref_slice %arg2[%dma_start3A_62, %dma_start3A_63] : memref<10240x128xf32, #tpu.memory_space<hbm>> -> memref<10240x128xf32, #tpu.memory_space<hbm>>
      tpu.enqueue_indirect_dma source(%dma_start3A_64 : memref<10240x128xf32, #tpu.memory_space<hbm>>) target(%arg9 : memref<128x128xf32, #tpu.memory_space<vmem>>) offsets(%dma_start3A_61 : memref<128xi32, #tpu.memory_space<vmem>>) semaphore(%arg14 : memref<!tpu.dma_semaphore, #tpu.memory_space<semaphore_mem>>)
      %jit3A_65 = arith.constant 2 : i32
      %div3A = arith.divsi %add3A_30, %jit3A_65 : i32
      %sign3A = arith.constant 0 : i32
      %sign3A_66 = arith.cmpi sgt, %add3A_30, %sign3A : i32
      %sign3A_67 = arith.extui %sign3A_66 : i1 to i32
      %sign3A_68 = arith.constant 0 : i32
      %sign3A_69 = arith.cmpi slt, %add3A_30, %sign3A_68 : i32
      %sign3A_70 = arith.extui %sign3A_69 : i1 to i32
      %sign3A_71 = arith.subi %sign3A_67, %sign3A_70 : i32
      %sign3A_72 = arith.constant 0 : i32
      %sign3A_73 = arith.cmpi sgt, %jit3A_65, %sign3A_72 : i32
      %sign3A_74 = arith.extui %sign3A_73 : i1 to i32
      %sign3A_75 = arith.constant 0 : i32
      %sign3A_76 = arith.cmpi slt, %jit3A_65, %sign3A_75 : i32
      %sign3A_77 = arith.extui %sign3A_76 : i1 to i32
      %sign3A_78 = arith.subi %sign3A_74, %sign3A_77 : i32
      %ne3A = arith.cmpi ne, %sign3A_71, %sign3A_78 : i32
      %rem3A = arith.remsi %add3A_30, %jit3A_65 : i32
      %ne3A_79 = arith.constant 0 : i32
      %ne3A_80 = arith.cmpi ne, %rem3A, %ne3A_79 : i32
      %and3A = arith.andi %ne3A, %ne3A_80 : i1
      %sub3A = arith.constant 1 : i32
      %sub3A_81 = arith.subi %div3A, %sub3A : i32
      %select_n3A_82 = arith.select %and3A, %sub3A_81, %div3A : i32
      %while3A = arith.constant 0 : i32
      %while3A_83 = arith.constant 0 : i32
      %while3A_84 = arith.subi %select_n3A_82, %while3A : i32
      %while3A_85 = arith.addi %while3A, %while3A_84 : i32
      %while3A_86 = arith.constant 1 : i32
      %while3A_87 = arith.divsi %while3A_84, %while3A_86 : i32
      %while3A_88 = arith.muli %while3A_87, %while3A_86 : i32
      %while3A_89 = arith.addi %while3A, %while3A_88 : i32
      %while3A_90 = arith.constant 1 : i32
      %while3A_91 = scf.for %while3A_115 = %while3A to %while3A_89 step %while3A_90 iter_args(%while3A_116 = %while3A_83) -> (i32)  : i32 {
        %dma_wait3A_117 = arith.constant 0 : i32
        %dma_wait3A_118 = arith.constant 0 : i32
        %dma_wait3A_119 = tpu.memref_slice %arg7[%dma_wait3A_117, %dma_wait3A_118] : memref<2x128xi32, #tpu.memory_space<vmem>> -> memref<1x128xi32, #tpu.memory_space<vmem>>
        %dma_wait3A_120 = tpu.memref_squeeze %dma_wait3A_119 : memref<1x128xi32, #tpu.memory_space<vmem>> -> memref<128xi32, #tpu.memory_space<vmem>>
        %dma_wait3A_121 = arith.constant 0 : i32
        %dma_wait3A_122 = arith.constant 0 : i32
        %dma_wait3A_123 = tpu.memref_slice %arg2[%dma_wait3A_121, %dma_wait3A_122] : memref<10240x128xf32, #tpu.memory_space<hbm>> -> memref<10240x128xf32, #tpu.memory_space<hbm>>
        tpu.wait_indirect_dma semaphore(%arg14 : memref<!tpu.dma_semaphore, #tpu.memory_space<semaphore_mem>>) src(%dma_wait3A_123 : memref<10240x128xf32, #tpu.memory_space<hbm>>) dst(%arg9 : memref<128x128xf32, #tpu.memory_space<vmem>>)
        %dma_wait3A_124 = arith.constant 0 : i32
        %dma_wait3A_125 = arith.constant 0 : i32
        %dma_wait3A_126 = arith.constant 0 : i32
        %dma_wait3A_127 = tpu.memref_slice %arg4[%dma_wait3A_124, %dma_wait3A_125, %dma_wait3A_126] : memref<1250x2x128xi32, #tpu.memory_space<hbm>> -> memref<1x2x128xi32, #tpu.memory_space<hbm>>
        %dma_wait3A_128 = tpu.memref_squeeze %dma_wait3A_127 : memref<1x2x128xi32, #tpu.memory_space<hbm>> -> memref<2x128xi32, #tpu.memory_space<hbm>>
        %dma_wait3A_129 = arith.constant 0 : i32
        %dma_wait3A_130 = arith.constant 0 : i32
        %dma_wait3A_131 = tpu.memref_slice %arg4[%dma_wait3A_124, %dma_wait3A_129, %dma_wait3A_130] : memref<1250x2x128xi32, #tpu.memory_space<hbm>> -> memref<1x2x128xi32, #tpu.memory_space<hbm>>
        %dma_wait3A_132 = tpu.memref_squeeze %dma_wait3A_131 : memref<1x2x128xi32, #tpu.memory_space<hbm>> -> memref<2x128xi32, #tpu.memory_space<hbm>>
        tpu.wait_dma2 semaphore(%arg13 : memref<!tpu.dma_semaphore, #tpu.memory_space<semaphore_mem>>) src(%dma_wait3A_132 : memref<2x128xi32, #tpu.memory_space<hbm>>) dst(%arg8 : memref<2x128xi32, #tpu.memory_space<vmem>>)
        %dma_start3A_133 = arith.constant 0 : i32
        %dma_start3A_134 = arith.constant 0 : i32
        %dma_start3A_135 = tpu.memref_slice %arg8[%dma_start3A_133, %dma_start3A_134] : memref<2x128xi32, #tpu.memory_space<vmem>> -> memref<1x128xi32, #tpu.memory_space<vmem>>
        %dma_start3A_136 = tpu.memref_squeeze %dma_start3A_135 : memref<1x128xi32, #tpu.memory_space<vmem>> -> memref<128xi32, #tpu.memory_space<vmem>>
        %dma_start3A_137 = arith.constant 0 : i32
        %dma_start3A_138 = arith.constant 0 : i32
        %dma_start3A_139 = tpu.memref_slice %arg2[%dma_start3A_137, %dma_start3A_138] : memref<10240x128xf32, #tpu.memory_space<hbm>> -> memref<10240x128xf32, #tpu.memory_space<hbm>>
        tpu.enqueue_indirect_dma source(%dma_start3A_139 : memref<10240x128xf32, #tpu.memory_space<hbm>>) target(%arg10 : memref<128x128xf32, #tpu.memory_space<vmem>>) offsets(%dma_start3A_136 : memref<128xi32, #tpu.memory_space<vmem>>) semaphore(%arg15 : memref<!tpu.dma_semaphore, #tpu.memory_space<semaphore_mem>>)
        %run_scoped3A = arith.constant 1 : i32
        "tpu.region"() ({
          %run_scoped3A_172 = tpu.sem_alloc : memref<!tpu.dma_semaphore, #tpu.memory_space<semaphore_mem>>
          %dma_start3A_173 = arith.constant 0 : i32
          %dma_start3A_174 = tpu.memref_slice %arg7[%run_scoped3A, %dma_start3A_173] : memref<2x128xi32, #tpu.memory_space<vmem>> -> memref<1x128xi32, #tpu.memory_space<vmem>>
          %dma_start3A_175 = tpu.memref_squeeze %dma_start3A_174 : memref<1x128xi32, #tpu.memory_space<vmem>> -> memref<128xi32, #tpu.memory_space<vmem>>
          %dma_start3A_176 = arith.constant 0 : i32
          %dma_start3A_177 = arith.constant 0 : i32
          %dma_start3A_178 = tpu.memref_slice %arg11[%dma_start3A_176, %dma_start3A_177] : memref<10240x128xf32, #tpu.memory_space<vmem_shared>> -> memref<10240x128xf32, #tpu.memory_space<vmem_shared>>
          tpu.enqueue_indirect_dma source(%arg9 : memref<128x128xf32, #tpu.memory_space<vmem>>) target(%dma_start3A_178 : memref<10240x128xf32, #tpu.memory_space<vmem_shared>>) offsets(%dma_start3A_175 : memref<128xi32, #tpu.memory_space<vmem>>) semaphore(%run_scoped3A_172 : memref<!tpu.dma_semaphore, #tpu.memory_space<semaphore_mem>>) {add = true}
          %dma_wait3A_179 = arith.constant 0 : i32
          %dma_wait3A_180 = tpu.memref_slice %arg7[%run_scoped3A, %dma_wait3A_179] : memref<2x128xi32, #tpu.memory_space<vmem>> -> memref<1x128xi32, #tpu.memory_space<vmem>>
          %dma_wait3A_181 = tpu.memref_squeeze %dma_wait3A_180 : memref<1x128xi32, #tpu.memory_space<vmem>> -> memref<128xi32, #tpu.memory_space<vmem>>
          %dma_wait3A_182 = arith.constant 0 : i32
          %dma_wait3A_183 = arith.constant 0 : i32
          %dma_wait3A_184 = tpu.memref_slice %arg11[%dma_wait3A_182, %dma_wait3A_183] : memref<10240x128xf32, #tpu.memory_space<vmem_shared>> -> memref<10240x128xf32, #tpu.memory_space<vmem_shared>>
          tpu.wait_indirect_dma semaphore(%run_scoped3A_172 : memref<!tpu.dma_semaphore, #tpu.memory_space<semaphore_mem>>) src(%arg9 : memref<128x128xf32, #tpu.memory_space<vmem>>) dst(%dma_wait3A_184 : memref<10240x128xf32, #tpu.memory_space<vmem_shared>>)
          tpu.yield
        }) : () -> ()
        %mul3A = arith.constant 2 : i32
        %mul3A_140 = arith.muli %mul3A, %while3A_115 : i32
        %add3A_141 = arith.constant 2 : i32
        %add3A_142 = arith.addi %mul3A_140, %add3A_141 : i32
        %lt3A_143 = arith.cmpi slt, %add3A_142, %add3A_30 : i32
        %convert_element_type3A_144 = arith.extui %lt3A_143 : i1 to i32
        %cond3A_145 = arith.constant 0 : i32
        %cond3A_146 = arith.cmpi ne, %convert_element_type3A_144, %cond3A_145 : i32
        scf.if %cond3A_146 {
          %mul3A_172 = arith.constant 2 : i32
          %mul3A_173 = arith.muli %mul3A_172, %while3A_115 : i32
          %add3A_174 = arith.constant 2 : i32
          %add3A_175 = arith.addi %mul3A_173, %add3A_174 : i32
          %mul3A_176 = arith.constant 16 : i32
          %mul3A_177 = arith.muli %mul3A_176, %add3A_175 : i32
          %add3A_178 = arith.addi %arg1, %mul3A_177 : i32
          %dma_start3A_179 = arith.constant 0 : i32
          %dma_start3A_180 = arith.constant 0 : i32
          %dma_start3A_181 = tpu.memref_slice %arg4[%add3A_178, %dma_start3A_179, %dma_start3A_180] : memref<1250x2x128xi32, #tpu.memory_space<hbm>> -> memref<1x2x128xi32, #tpu.memory_space<hbm>>
          %dma_start3A_182 = tpu.memref_squeeze %dma_start3A_181 : memref<1x2x128xi32, #tpu.memory_space<hbm>> -> memref<2x128xi32, #tpu.memory_space<hbm>>
          %dma_start3A_183 = arith.constant 0 : i32
          %dma_start3A_184 = arith.constant 0 : i32
          %dma_start3A_185 = tpu.memref_slice %arg4[%add3A_178, %dma_start3A_183, %dma_start3A_184] : memref<1250x2x128xi32, #tpu.memory_space<hbm>> -> memref<1x2x128xi32, #tpu.memory_space<hbm>>
          %dma_start3A_186 = tpu.memref_squeeze %dma_start3A_185 : memref<1x2x128xi32, #tpu.memory_space<hbm>> -> memref<2x128xi32, #tpu.memory_space<hbm>>
          tpu.enqueue_dma source(%dma_start3A_186 : memref<2x128xi32, #tpu.memory_space<hbm>>) target(%arg7 : memref<2x128xi32, #tpu.memory_space<vmem>>) target_semaphore(%arg12 : memref<!tpu.dma_semaphore, #tpu.memory_space<semaphore_mem>>)
        } else {
        }
        %dma_wait3A_147 = arith.constant 0 : i32
        %dma_wait3A_148 = arith.constant 0 : i32
        %dma_wait3A_149 = tpu.memref_slice %arg7[%dma_wait3A_147, %dma_wait3A_148] : memref<2x128xi32, #tpu.memory_space<vmem>> -> memref<1x128xi32, #tpu.memory_space<vmem>>
        %dma_wait3A_150 = tpu.memref_squeeze %dma_wait3A_149 : memref<1x128xi32, #tpu.memory_space<vmem>> -> memref<128xi32, #tpu.memory_space<vmem>>
        %dma_wait3A_151 = arith.constant 0 : i32
        %dma_wait3A_152 = arith.constant 0 : i32
        %dma_wait3A_153 = tpu.memref_slice %arg2[%dma_wait3A_151, %dma_wait3A_152] : memref<10240x128xf32, #tpu.memory_space<hbm>> -> memref<10240x128xf32, #tpu.memory_space<hbm>>
        tpu.wait_indirect_dma semaphore(%arg15 : memref<!tpu.dma_semaphore, #tpu.memory_space<semaphore_mem>>) src(%dma_wait3A_153 : memref<10240x128xf32, #tpu.memory_space<hbm>>) dst(%arg10 : memref<128x128xf32, #tpu.memory_space<vmem>>)
        %mul3A_154 = arith.constant 2 : i32
        %mul3A_155 = arith.muli %mul3A_154, %while3A_115 : i32
        %add3A_156 = arith.constant 2 : i32
        %add3A_157 = arith.addi %mul3A_155, %add3A_156 : i32
        %lt3A_158 = arith.cmpi slt, %add3A_157, %add3A_30 : i32
        %convert_element_type3A_159 = arith.extui %lt3A_158 : i1 to i32
        %cond3A_160 = arith.constant 0 : i32
        %cond3A_161 = arith.cmpi ne, %convert_element_type3A_159, %cond3A_160 : i32
        scf.if %cond3A_161 {
          %dma_wait3A_172 = arith.constant 0 : i32
          %dma_wait3A_173 = arith.constant 0 : i32
          %dma_wait3A_174 = arith.constant 0 : i32
          %dma_wait3A_175 = tpu.memref_slice %arg4[%dma_wait3A_172, %dma_wait3A_173, %dma_wait3A_174] : memref<1250x2x128xi32, #tpu.memory_space<hbm>> -> memref<1x2x128xi32, #tpu.memory_space<hbm>>
          %dma_wait3A_176 = tpu.memref_squeeze %dma_wait3A_175 : memref<1x2x128xi32, #tpu.memory_space<hbm>> -> memref<2x128xi32, #tpu.memory_space<hbm>>
          %dma_wait3A_177 = arith.constant 0 : i32
          %dma_wait3A_178 = arith.constant 0 : i32
          %dma_wait3A_179 = tpu.memref_slice %arg4[%dma_wait3A_172, %dma_wait3A_177, %dma_wait3A_178] : memref<1250x2x128xi32, #tpu.memory_space<hbm>> -> memref<1x2x128xi32, #tpu.memory_space<hbm>>
          %dma_wait3A_180 = tpu.memref_squeeze %dma_wait3A_179 : memref<1x2x128xi32, #tpu.memory_space<hbm>> -> memref<2x128xi32, #tpu.memory_space<hbm>>
          tpu.wait_dma2 semaphore(%arg12 : memref<!tpu.dma_semaphore, #tpu.memory_space<semaphore_mem>>) src(%dma_wait3A_180 : memref<2x128xi32, #tpu.memory_space<hbm>>) dst(%arg7 : memref<2x128xi32, #tpu.memory_space<vmem>>)
          %dma_start3A_181 = arith.constant 0 : i32
          %dma_start3A_182 = arith.constant 0 : i32
          %dma_start3A_183 = tpu.memref_slice %arg7[%dma_start3A_181, %dma_start3A_182] : memref<2x128xi32, #tpu.memory_space<vmem>> -> memref<1x128xi32, #tpu.memory_space<vmem>>
          %dma_start3A_184 = tpu.memref_squeeze %dma_start3A_183 : memref<1x128xi32, #tpu.memory_space<vmem>> -> memref<128xi32, #tpu.memory_space<vmem>>
          %dma_start3A_185 = arith.constant 0 : i32
          %dma_start3A_186 = arith.constant 0 : i32
          %dma_start3A_187 = tpu.memref_slice %arg2[%dma_start3A_185, %dma_start3A_186] : memref<10240x128xf32, #tpu.memory_space<hbm>> -> memref<10240x128xf32, #tpu.memory_space<hbm>>
          tpu.enqueue_indirect_dma source(%dma_start3A_187 : memref<10240x128xf32, #tpu.memory_space<hbm>>) target(%arg9 : memref<128x128xf32, #tpu.memory_space<vmem>>) offsets(%dma_start3A_184 : memref<128xi32, #tpu.memory_space<vmem>>) semaphore(%arg14 : memref<!tpu.dma_semaphore, #tpu.memory_space<semaphore_mem>>)
        } else {
        }
        %run_scoped3A_162 = arith.constant 1 : i32
        "tpu.region"() ({
          %run_scoped3A_172 = tpu.sem_alloc : memref<!tpu.dma_semaphore, #tpu.memory_space<semaphore_mem>>
          %dma_start3A_173 = arith.constant 0 : i32
          %dma_start3A_174 = tpu.memref_slice %arg8[%run_scoped3A_162, %dma_start3A_173] : memref<2x128xi32, #tpu.memory_space<vmem>> -> memref<1x128xi32, #tpu.memory_space<vmem>>
          %dma_start3A_175 = tpu.memref_squeeze %dma_start3A_174 : memref<1x128xi32, #tpu.memory_space<vmem>> -> memref<128xi32, #tpu.memory_space<vmem>>
          %dma_start3A_176 = arith.constant 0 : i32
          %dma_start3A_177 = arith.constant 0 : i32
          %dma_start3A_178 = tpu.memref_slice %arg11[%dma_start3A_176, %dma_start3A_177] : memref<10240x128xf32, #tpu.memory_space<vmem_shared>> -> memref<10240x128xf32, #tpu.memory_space<vmem_shared>>
          tpu.enqueue_indirect_dma source(%arg10 : memref<128x128xf32, #tpu.memory_space<vmem>>) target(%dma_start3A_178 : memref<10240x128xf32, #tpu.memory_space<vmem_shared>>) offsets(%dma_start3A_175 : memref<128xi32, #tpu.memory_space<vmem>>) semaphore(%run_scoped3A_172 : memref<!tpu.dma_semaphore, #tpu.memory_space<semaphore_mem>>) {add = true}
          %dma_wait3A_179 = arith.constant 0 : i32
          %dma_wait3A_180 = tpu.memref_slice %arg8[%run_scoped3A_162, %dma_wait3A_179] : memref<2x128xi32, #tpu.memory_space<vmem>> -> memref<1x128xi32, #tpu.memory_space<vmem>>
          %dma_wait3A_181 = tpu.memref_squeeze %dma_wait3A_180 : memref<1x128xi32, #tpu.memory_space<vmem>> -> memref<128xi32, #tpu.memory_space<vmem>>
          %dma_wait3A_182 = arith.constant 0 : i32
          %dma_wait3A_183 = arith.constant 0 : i32
          %dma_wait3A_184 = tpu.memref_slice %arg11[%dma_wait3A_182, %dma_wait3A_183] : memref<10240x128xf32, #tpu.memory_space<vmem_shared>> -> memref<10240x128xf32, #tpu.memory_space<vmem_shared>>
          tpu.wait_indirect_dma semaphore(%run_scoped3A_172 : memref<!tpu.dma_semaphore, #tpu.memory_space<semaphore_mem>>) src(%arg10 : memref<128x128xf32, #tpu.memory_space<vmem>>) dst(%dma_wait3A_184 : memref<10240x128xf32, #tpu.memory_space<vmem_shared>>)
          tpu.yield
        }) : () -> ()
        %mul3A_163 = arith.constant 2 : i32
        %mul3A_164 = arith.muli %mul3A_163, %while3A_115 : i32
        %add3A_165 = arith.constant 3 : i32
        %add3A_166 = arith.addi %mul3A_164, %add3A_165 : i32
        %lt3A_167 = arith.cmpi slt, %add3A_166, %add3A_30 : i32
        %convert_element_type3A_168 = arith.extui %lt3A_167 : i1 to i32
        %cond3A_169 = arith.constant 0 : i32
        %cond3A_170 = arith.cmpi ne, %convert_element_type3A_168, %cond3A_169 : i32
        scf.if %cond3A_170 {
          %mul3A_172 = arith.constant 2 : i32
          %mul3A_173 = arith.muli %mul3A_172, %while3A_115 : i32
          %add3A_174 = arith.constant 3 : i32
          %add3A_175 = arith.addi %mul3A_173, %add3A_174 : i32
          %mul3A_176 = arith.constant 16 : i32
          %mul3A_177 = arith.muli %mul3A_176, %add3A_175 : i32
          %add3A_178 = arith.addi %arg1, %mul3A_177 : i32
          %dma_start3A_179 = arith.constant 0 : i32
          %dma_start3A_180 = arith.constant 0 : i32
          %dma_start3A_181 = tpu.memref_slice %arg4[%add3A_178, %dma_start3A_179, %dma_start3A_180] : memref<1250x2x128xi32, #tpu.memory_space<hbm>> -> memref<1x2x128xi32, #tpu.memory_space<hbm>>
          %dma_start3A_182 = tpu.memref_squeeze %dma_start3A_181 : memref<1x2x128xi32, #tpu.memory_space<hbm>> -> memref<2x128xi32, #tpu.memory_space<hbm>>
          %dma_start3A_183 = arith.constant 0 : i32
          %dma_start3A_184 = arith.constant 0 : i32
          %dma_start3A_185 = tpu.memref_slice %arg4[%add3A_178, %dma_start3A_183, %dma_start3A_184] : memref<1250x2x128xi32, #tpu.memory_space<hbm>> -> memref<1x2x128xi32, #tpu.memory_space<hbm>>
          %dma_start3A_186 = tpu.memref_squeeze %dma_start3A_185 : memref<1x2x128xi32, #tpu.memory_space<hbm>> -> memref<2x128xi32, #tpu.memory_space<hbm>>
          tpu.enqueue_dma source(%dma_start3A_186 : memref<2x128xi32, #tpu.memory_space<hbm>>) target(%arg8 : memref<2x128xi32, #tpu.memory_space<vmem>>) target_semaphore(%arg13 : memref<!tpu.dma_semaphore, #tpu.memory_space<semaphore_mem>>)
        } else {
        }
        %while3A_171 = arith.constant 0 : i32
        scf.yield %while3A_171 : i32
      }
      %while3A_92 = arith.constant 1 : i32
      %while3A_93 = scf.for %while3A_115 = %while3A_89 to %while3A_85 step %while3A_92 iter_args(%while3A_116 = %while3A_91) -> (i32)  : i32 {
        %dma_wait3A_117 = arith.constant 0 : i32
        %dma_wait3A_118 = arith.constant 0 : i32
        %dma_wait3A_119 = tpu.memref_slice %arg7[%dma_wait3A_117, %dma_wait3A_118] : memref<2x128xi32, #tpu.memory_space<vmem>> -> memref<1x128xi32, #tpu.memory_space<vmem>>
        %dma_wait3A_120 = tpu.memref_squeeze %dma_wait3A_119 : memref<1x128xi32, #tpu.memory_space<vmem>> -> memref<128xi32, #tpu.memory_space<vmem>>
        %dma_wait3A_121 = arith.constant 0 : i32
        %dma_wait3A_122 = arith.constant 0 : i32
        %dma_wait3A_123 = tpu.memref_slice %arg2[%dma_wait3A_121, %dma_wait3A_122] : memref<10240x128xf32, #tpu.memory_space<hbm>> -> memref<10240x128xf32, #tpu.memory_space<hbm>>
        tpu.wait_indirect_dma semaphore(%arg14 : memref<!tpu.dma_semaphore, #tpu.memory_space<semaphore_mem>>) src(%dma_wait3A_123 : memref<10240x128xf32, #tpu.memory_space<hbm>>) dst(%arg9 : memref<128x128xf32, #tpu.memory_space<vmem>>)
        %dma_wait3A_124 = arith.constant 0 : i32
        %dma_wait3A_125 = arith.constant 0 : i32
        %dma_wait3A_126 = arith.constant 0 : i32
        %dma_wait3A_127 = tpu.memref_slice %arg4[%dma_wait3A_124, %dma_wait3A_125, %dma_wait3A_126] : memref<1250x2x128xi32, #tpu.memory_space<hbm>> -> memref<1x2x128xi32, #tpu.memory_space<hbm>>
        %dma_wait3A_128 = tpu.memref_squeeze %dma_wait3A_127 : memref<1x2x128xi32, #tpu.memory_space<hbm>> -> memref<2x128xi32, #tpu.memory_space<hbm>>
        %dma_wait3A_129 = arith.constant 0 : i32
        %dma_wait3A_130 = arith.constant 0 : i32
        %dma_wait3A_131 = tpu.memref_slice %arg4[%dma_wait3A_124, %dma_wait3A_129, %dma_wait3A_130] : memref<1250x2x128xi32, #tpu.memory_space<hbm>> -> memref<1x2x128xi32, #tpu.memory_space<hbm>>
        %dma_wait3A_132 = tpu.memref_squeeze %dma_wait3A_131 : memref<1x2x128xi32, #tpu.memory_space<hbm>> -> memref<2x128xi32, #tpu.memory_space<hbm>>
        tpu.wait_dma2 semaphore(%arg13 : memref<!tpu.dma_semaphore, #tpu.memory_space<semaphore_mem>>) src(%dma_wait3A_132 : memref<2x128xi32, #tpu.memory_space<hbm>>) dst(%arg8 : memref<2x128xi32, #tpu.memory_space<vmem>>)
        %dma_start3A_133 = arith.constant 0 : i32
        %dma_start3A_134 = arith.constant 0 : i32
        %dma_start3A_135 = tpu.memref_slice %arg8[%dma_start3A_133, %dma_start3A_134] : memref<2x128xi32, #tpu.memory_space<vmem>> -> memref<1x128xi32, #tpu.memory_space<vmem>>
        %dma_start3A_136 = tpu.memref_squeeze %dma_start3A_135 : memref<1x128xi32, #tpu.memory_space<vmem>> -> memref<128xi32, #tpu.memory_space<vmem>>
        %dma_start3A_137 = arith.constant 0 : i32
        %dma_start3A_138 = arith.constant 0 : i32
        %dma_start3A_139 = tpu.memref_slice %arg2[%dma_start3A_137, %dma_start3A_138] : memref<10240x128xf32, #tpu.memory_space<hbm>> -> memref<10240x128xf32, #tpu.memory_space<hbm>>
        tpu.enqueue_indirect_dma source(%dma_start3A_139 : memref<10240x128xf32, #tpu.memory_space<hbm>>) target(%arg10 : memref<128x128xf32, #tpu.memory_space<vmem>>) offsets(%dma_start3A_136 : memref<128xi32, #tpu.memory_space<vmem>>) semaphore(%arg15 : memref<!tpu.dma_semaphore, #tpu.memory_space<semaphore_mem>>)
        %run_scoped3A = arith.constant 1 : i32
        "tpu.region"() ({
          %run_scoped3A_172 = tpu.sem_alloc : memref<!tpu.dma_semaphore, #tpu.memory_space<semaphore_mem>>
          %dma_start3A_173 = arith.constant 0 : i32
          %dma_start3A_174 = tpu.memref_slice %arg7[%run_scoped3A, %dma_start3A_173] : memref<2x128xi32, #tpu.memory_space<vmem>> -> memref<1x128xi32, #tpu.memory_space<vmem>>
          %dma_start3A_175 = tpu.memref_squeeze %dma_start3A_174 : memref<1x128xi32, #tpu.memory_space<vmem>> -> memref<128xi32, #tpu.memory_space<vmem>>
          %dma_start3A_176 = arith.constant 0 : i32
          %dma_start3A_177 = arith.constant 0 : i32
          %dma_start3A_178 = tpu.memref_slice %arg11[%dma_start3A_176, %dma_start3A_177] : memref<10240x128xf32, #tpu.memory_space<vmem_shared>> -> memref<10240x128xf32, #tpu.memory_space<vmem_shared>>
          tpu.enqueue_indirect_dma source(%arg9 : memref<128x128xf32, #tpu.memory_space<vmem>>) target(%dma_start3A_178 : memref<10240x128xf32, #tpu.memory_space<vmem_shared>>) offsets(%dma_start3A_175 : memref<128xi32, #tpu.memory_space<vmem>>) semaphore(%run_scoped3A_172 : memref<!tpu.dma_semaphore, #tpu.memory_space<semaphore_mem>>) {add = true}
          %dma_wait3A_179 = arith.constant 0 : i32
          %dma_wait3A_180 = tpu.memref_slice %arg7[%run_scoped3A, %dma_wait3A_179] : memref<2x128xi32, #tpu.memory_space<vmem>> -> memref<1x128xi32, #tpu.memory_space<vmem>>
          %dma_wait3A_181 = tpu.memref_squeeze %dma_wait3A_180 : memref<1x128xi32, #tpu.memory_space<vmem>> -> memref<128xi32, #tpu.memory_space<vmem>>
          %dma_wait3A_182 = arith.constant 0 : i32
          %dma_wait3A_183 = arith.constant 0 : i32
          %dma_wait3A_184 = tpu.memref_slice %arg11[%dma_wait3A_182, %dma_wait3A_183] : memref<10240x128xf32, #tpu.memory_space<vmem_shared>> -> memref<10240x128xf32, #tpu.memory_space<vmem_shared>>
          tpu.wait_indirect_dma semaphore(%run_scoped3A_172 : memref<!tpu.dma_semaphore, #tpu.memory_space<semaphore_mem>>) src(%arg9 : memref<128x128xf32, #tpu.memory_space<vmem>>) dst(%dma_wait3A_184 : memref<10240x128xf32, #tpu.memory_space<vmem_shared>>)
          tpu.yield
        }) : () -> ()
        %mul3A = arith.constant 2 : i32
        %mul3A_140 = arith.muli %mul3A, %while3A_115 : i32
        %add3A_141 = arith.constant 2 : i32
        %add3A_142 = arith.addi %mul3A_140, %add3A_141 : i32
        %lt3A_143 = arith.cmpi slt, %add3A_142, %add3A_30 : i32
        %convert_element_type3A_144 = arith.extui %lt3A_143 : i1 to i32
        %cond3A_145 = arith.constant 0 : i32
        %cond3A_146 = arith.cmpi ne, %convert_element_type3A_144, %cond3A_145 : i32
        scf.if %cond3A_146 {
          %mul3A_172 = arith.constant 2 : i32
          %mul3A_173 = arith.muli %mul3A_172, %while3A_115 : i32
          %add3A_174 = arith.constant 2 : i32
          %add3A_175 = arith.addi %mul3A_173, %add3A_174 : i32
          %mul3A_176 = arith.constant 16 : i32
          %mul3A_177 = arith.muli %mul3A_176, %add3A_175 : i32
          %add3A_178 = arith.addi %arg1, %mul3A_177 : i32
          %dma_start3A_179 = arith.constant 0 : i32
          %dma_start3A_180 = arith.constant 0 : i32
          %dma_start3A_181 = tpu.memref_slice %arg4[%add3A_178, %dma_start3A_179, %dma_start3A_180] : memref<1250x2x128xi32, #tpu.memory_space<hbm>> -> memref<1x2x128xi32, #tpu.memory_space<hbm>>
          %dma_start3A_182 = tpu.memref_squeeze %dma_start3A_181 : memref<1x2x128xi32, #tpu.memory_space<hbm>> -> memref<2x128xi32, #tpu.memory_space<hbm>>
          %dma_start3A_183 = arith.constant 0 : i32
          %dma_start3A_184 = arith.constant 0 : i32
          %dma_start3A_185 = tpu.memref_slice %arg4[%add3A_178, %dma_start3A_183, %dma_start3A_184] : memref<1250x2x128xi32, #tpu.memory_space<hbm>> -> memref<1x2x128xi32, #tpu.memory_space<hbm>>
          %dma_start3A_186 = tpu.memref_squeeze %dma_start3A_185 : memref<1x2x128xi32, #tpu.memory_space<hbm>> -> memref<2x128xi32, #tpu.memory_space<hbm>>
          tpu.enqueue_dma source(%dma_start3A_186 : memref<2x128xi32, #tpu.memory_space<hbm>>) target(%arg7 : memref<2x128xi32, #tpu.memory_space<vmem>>) target_semaphore(%arg12 : memref<!tpu.dma_semaphore, #tpu.memory_space<semaphore_mem>>)
        } else {
        }
        %dma_wait3A_147 = arith.constant 0 : i32
        %dma_wait3A_148 = arith.constant 0 : i32
        %dma_wait3A_149 = tpu.memref_slice %arg7[%dma_wait3A_147, %dma_wait3A_148] : memref<2x128xi32, #tpu.memory_space<vmem>> -> memref<1x128xi32, #tpu.memory_space<vmem>>
        %dma_wait3A_150 = tpu.memref_squeeze %dma_wait3A_149 : memref<1x128xi32, #tpu.memory_space<vmem>> -> memref<128xi32, #tpu.memory_space<vmem>>
        %dma_wait3A_151 = arith.constant 0 : i32
        %dma_wait3A_152 = arith.constant 0 : i32
        %dma_wait3A_153 = tpu.memref_slice %arg2[%dma_wait3A_151, %dma_wait3A_152] : memref<10240x128xf32, #tpu.memory_space<hbm>> -> memref<10240x128xf32, #tpu.memory_space<hbm>>
        tpu.wait_indirect_dma semaphore(%arg15 : memref<!tpu.dma_semaphore, #tpu.memory_space<semaphore_mem>>) src(%dma_wait3A_153 : memref<10240x128xf32, #tpu.memory_space<hbm>>) dst(%arg10 : memref<128x128xf32, #tpu.memory_space<vmem>>)
        %mul3A_154 = arith.constant 2 : i32
        %mul3A_155 = arith.muli %mul3A_154, %while3A_115 : i32
        %add3A_156 = arith.constant 2 : i32
        %add3A_157 = arith.addi %mul3A_155, %add3A_156 : i32
        %lt3A_158 = arith.cmpi slt, %add3A_157, %add3A_30 : i32
        %convert_element_type3A_159 = arith.extui %lt3A_158 : i1 to i32
        %cond3A_160 = arith.constant 0 : i32
        %cond3A_161 = arith.cmpi ne, %convert_element_type3A_159, %cond3A_160 : i32
        scf.if %cond3A_161 {
          %dma_wait3A_172 = arith.constant 0 : i32
          %dma_wait3A_173 = arith.constant 0 : i32
          %dma_wait3A_174 = arith.constant 0 : i32
          %dma_wait3A_175 = tpu.memref_slice %arg4[%dma_wait3A_172, %dma_wait3A_173, %dma_wait3A_174] : memref<1250x2x128xi32, #tpu.memory_space<hbm>> -> memref<1x2x128xi32, #tpu.memory_space<hbm>>
          %dma_wait3A_176 = tpu.memref_squeeze %dma_wait3A_175 : memref<1x2x128xi32, #tpu.memory_space<hbm>> -> memref<2x128xi32, #tpu.memory_space<hbm>>
          %dma_wait3A_177 = arith.constant 0 : i32
          %dma_wait3A_178 = arith.constant 0 : i32
          %dma_wait3A_179 = tpu.memref_slice %arg4[%dma_wait3A_172, %dma_wait3A_177, %dma_wait3A_178] : memref<1250x2x128xi32, #tpu.memory_space<hbm>> -> memref<1x2x128xi32, #tpu.memory_space<hbm>>
          %dma_wait3A_180 = tpu.memref_squeeze %dma_wait3A_179 : memref<1x2x128xi32, #tpu.memory_space<hbm>> -> memref<2x128xi32, #tpu.memory_space<hbm>>
          tpu.wait_dma2 semaphore(%arg12 : memref<!tpu.dma_semaphore, #tpu.memory_space<semaphore_mem>>) src(%dma_wait3A_180 : memref<2x128xi32, #tpu.memory_space<hbm>>) dst(%arg7 : memref<2x128xi32, #tpu.memory_space<vmem>>)
          %dma_start3A_181 = arith.constant 0 : i32
          %dma_start3A_182 = arith.constant 0 : i32
          %dma_start3A_183 = tpu.memref_slice %arg7[%dma_start3A_181, %dma_start3A_182] : memref<2x128xi32, #tpu.memory_space<vmem>> -> memref<1x128xi32, #tpu.memory_space<vmem>>
          %dma_start3A_184 = tpu.memref_squeeze %dma_start3A_183 : memref<1x128xi32, #tpu.memory_space<vmem>> -> memref<128xi32, #tpu.memory_space<vmem>>
          %dma_start3A_185 = arith.constant 0 : i32
          %dma_start3A_186 = arith.constant 0 : i32
          %dma_start3A_187 = tpu.memref_slice %arg2[%dma_start3A_185, %dma_start3A_186] : memref<10240x128xf32, #tpu.memory_space<hbm>> -> memref<10240x128xf32, #tpu.memory_space<hbm>>
          tpu.enqueue_indirect_dma source(%dma_start3A_187 : memref<10240x128xf32, #tpu.memory_space<hbm>>) target(%arg9 : memref<128x128xf32, #tpu.memory_space<vmem>>) offsets(%dma_start3A_184 : memref<128xi32, #tpu.memory_space<vmem>>) semaphore(%arg14 : memref<!tpu.dma_semaphore, #tpu.memory_space<semaphore_mem>>)
        } else {
        }
        %run_scoped3A_162 = arith.constant 1 : i32
        "tpu.region"() ({
          %run_scoped3A_172 = tpu.sem_alloc : memref<!tpu.dma_semaphore, #tpu.memory_space<semaphore_mem>>
          %dma_start3A_173 = arith.constant 0 : i32
          %dma_start3A_174 = tpu.memref_slice %arg8[%run_scoped3A_162, %dma_start3A_173] : memref<2x128xi32, #tpu.memory_space<vmem>> -> memref<1x128xi32, #tpu.memory_space<vmem>>
          %dma_start3A_175 = tpu.memref_squeeze %dma_start3A_174 : memref<1x128xi32, #tpu.memory_space<vmem>> -> memref<128xi32, #tpu.memory_space<vmem>>
          %dma_start3A_176 = arith.constant 0 : i32
          %dma_start3A_177 = arith.constant 0 : i32
          %dma_start3A_178 = tpu.memref_slice %arg11[%dma_start3A_176, %dma_start3A_177] : memref<10240x128xf32, #tpu.memory_space<vmem_shared>> -> memref<10240x128xf32, #tpu.memory_space<vmem_shared>>
          tpu.enqueue_indirect_dma source(%arg10 : memref<128x128xf32, #tpu.memory_space<vmem>>) target(%dma_start3A_178 : memref<10240x128xf32, #tpu.memory_space<vmem_shared>>) offsets(%dma_start3A_175 : memref<128xi32, #tpu.memory_space<vmem>>) semaphore(%run_scoped3A_172 : memref<!tpu.dma_semaphore, #tpu.memory_space<semaphore_mem>>) {add = true}
          %dma_wait3A_179 = arith.constant 0 : i32
          %dma_wait3A_180 = tpu.memref_slice %arg8[%run_scoped3A_162, %dma_wait3A_179] : memref<2x128xi32, #tpu.memory_space<vmem>> -> memref<1x128xi32, #tpu.memory_space<vmem>>
          %dma_wait3A_181 = tpu.memref_squeeze %dma_wait3A_180 : memref<1x128xi32, #tpu.memory_space<vmem>> -> memref<128xi32, #tpu.memory_space<vmem>>
          %dma_wait3A_182 = arith.constant 0 : i32
          %dma_wait3A_183 = arith.constant 0 : i32
          %dma_wait3A_184 = tpu.memref_slice %arg11[%dma_wait3A_182, %dma_wait3A_183] : memref<10240x128xf32, #tpu.memory_space<vmem_shared>> -> memref<10240x128xf32, #tpu.memory_space<vmem_shared>>
          tpu.wait_indirect_dma semaphore(%run_scoped3A_172 : memref<!tpu.dma_semaphore, #tpu.memory_space<semaphore_mem>>) src(%arg10 : memref<128x128xf32, #tpu.memory_space<vmem>>) dst(%dma_wait3A_184 : memref<10240x128xf32, #tpu.memory_space<vmem_shared>>)
          tpu.yield
        }) : () -> ()
        %mul3A_163 = arith.constant 2 : i32
        %mul3A_164 = arith.muli %mul3A_163, %while3A_115 : i32
        %add3A_165 = arith.constant 3 : i32
        %add3A_166 = arith.addi %mul3A_164, %add3A_165 : i32
        %lt3A_167 = arith.cmpi slt, %add3A_166, %add3A_30 : i32
        %convert_element_type3A_168 = arith.extui %lt3A_167 : i1 to i32
        %cond3A_169 = arith.constant 0 : i32
        %cond3A_170 = arith.cmpi ne, %convert_element_type3A_168, %cond3A_169 : i32
        scf.if %cond3A_170 {
          %mul3A_172 = arith.constant 2 : i32
          %mul3A_173 = arith.muli %mul3A_172, %while3A_115 : i32
          %add3A_174 = arith.constant 3 : i32
          %add3A_175 = arith.addi %mul3A_173, %add3A_174 : i32
          %mul3A_176 = arith.constant 16 : i32
          %mul3A_177 = arith.muli %mul3A_176, %add3A_175 : i32
          %add3A_178 = arith.addi %arg1, %mul3A_177 : i32
          %dma_start3A_179 = arith.constant 0 : i32
          %dma_start3A_180 = arith.constant 0 : i32
          %dma_start3A_181 = tpu.memref_slice %arg4[%add3A_178, %dma_start3A_179, %dma_start3A_180] : memref<1250x2x128xi32, #tpu.memory_space<hbm>> -> memref<1x2x128xi32, #tpu.memory_space<hbm>>
          %dma_start3A_182 = tpu.memref_squeeze %dma_start3A_181 : memref<1x2x128xi32, #tpu.memory_space<hbm>> -> memref<2x128xi32, #tpu.memory_space<hbm>>
          %dma_start3A_183 = arith.constant 0 : i32
          %dma_start3A_184 = arith.constant 0 : i32
          %dma_start3A_185 = tpu.memref_slice %arg4[%add3A_178, %dma_start3A_183, %dma_start3A_184] : memref<1250x2x128xi32, #tpu.memory_space<hbm>> -> memref<1x2x128xi32, #tpu.memory_space<hbm>>
          %dma_start3A_186 = tpu.memref_squeeze %dma_start3A_185 : memref<1x2x128xi32, #tpu.memory_space<hbm>> -> memref<2x128xi32, #tpu.memory_space<hbm>>
          tpu.enqueue_dma source(%dma_start3A_186 : memref<2x128xi32, #tpu.memory_space<hbm>>) target(%arg8 : memref<2x128xi32, #tpu.memory_space<vmem>>) target_semaphore(%arg13 : memref<!tpu.dma_semaphore, #tpu.memory_space<semaphore_mem>>)
        } else {
        }
        %while3A_171 = arith.constant 0 : i32
        scf.yield %while3A_171 : i32
      }
      %jit3A_94 = arith.constant 2 : i32
      %eq3A_95 = arith.constant 0 : i32
      %eq3A_96 = arith.cmpi eq, %jit3A_94, %eq3A_95 : i32
      %jit3A_97 = arith.constant 1 : i32
      %select_n3A_98 = arith.select %eq3A_96, %jit3A_97, %jit3A_94 : i32
      %rem3A_99 = arith.remsi %add3A_30, %select_n3A_98 : i32
      %ne3A_100 = arith.constant 0 : i32
      %ne3A_101 = arith.cmpi ne, %rem3A_99, %ne3A_100 : i32
      %lt3A_102 = arith.constant 0 : i32
      %lt3A_103 = arith.cmpi slt, %rem3A_99, %lt3A_102 : i32
      %lt3A_104 = arith.constant 0 : i32
      %lt3A_105 = arith.cmpi slt, %select_n3A_98, %lt3A_104 : i32
      %ne3A_106 = arith.xori %lt3A_103, %lt3A_105 : i1
      %and3A_107 = arith.andi %ne3A_106, %ne3A_101 : i1
      %add3A_108 = arith.addi %rem3A_99, %select_n3A_98 : i32
      %select_n3A_109 = arith.select %and3A_107, %add3A_108, %rem3A_99 : i32
      %eq3A_110 = arith.constant 1 : i32
      %eq3A_111 = arith.cmpi eq, %select_n3A_109, %eq3A_110 : i32
      %convert_element_type3A_112 = arith.extui %eq3A_111 : i1 to i32
      %cond3A_113 = arith.constant 0 : i32
      %cond3A_114 = arith.cmpi ne, %convert_element_type3A_112, %cond3A_113 : i32
      scf.if %cond3A_114 {
        %dma_wait3A_115 = arith.constant 0 : i32
        %dma_wait3A_116 = arith.constant 0 : i32
        %dma_wait3A_117 = tpu.memref_slice %arg7[%dma_wait3A_115, %dma_wait3A_116] : memref<2x128xi32, #tpu.memory_space<vmem>> -> memref<1x128xi32, #tpu.memory_space<vmem>>
        %dma_wait3A_118 = tpu.memref_squeeze %dma_wait3A_117 : memref<1x128xi32, #tpu.memory_space<vmem>> -> memref<128xi32, #tpu.memory_space<vmem>>
        %dma_wait3A_119 = arith.constant 0 : i32
        %dma_wait3A_120 = arith.constant 0 : i32
        %dma_wait3A_121 = tpu.memref_slice %arg2[%dma_wait3A_119, %dma_wait3A_120] : memref<10240x128xf32, #tpu.memory_space<hbm>> -> memref<10240x128xf32, #tpu.memory_space<hbm>>
        tpu.wait_indirect_dma semaphore(%arg14 : memref<!tpu.dma_semaphore, #tpu.memory_space<semaphore_mem>>) src(%dma_wait3A_121 : memref<10240x128xf32, #tpu.memory_space<hbm>>) dst(%arg9 : memref<128x128xf32, #tpu.memory_space<vmem>>)
        %run_scoped3A = arith.constant 1 : i32
        "tpu.region"() ({
          %run_scoped3A_122 = tpu.sem_alloc : memref<!tpu.dma_semaphore, #tpu.memory_space<semaphore_mem>>
          %dma_start3A_123 = arith.constant 0 : i32
          %dma_start3A_124 = tpu.memref_slice %arg7[%run_scoped3A, %dma_start3A_123] : memref<2x128xi32, #tpu.memory_space<vmem>> -> memref<1x128xi32, #tpu.memory_space<vmem>>
          %dma_start3A_125 = tpu.memref_squeeze %dma_start3A_124 : memref<1x128xi32, #tpu.memory_space<vmem>> -> memref<128xi32, #tpu.memory_space<vmem>>
          %dma_start3A_126 = arith.constant 0 : i32
          %dma_start3A_127 = arith.constant 0 : i32
          %dma_start3A_128 = tpu.memref_slice %arg11[%dma_start3A_126, %dma_start3A_127] : memref<10240x128xf32, #tpu.memory_space<vmem_shared>> -> memref<10240x128xf32, #tpu.memory_space<vmem_shared>>
          tpu.enqueue_indirect_dma source(%arg9 : memref<128x128xf32, #tpu.memory_space<vmem>>) target(%dma_start3A_128 : memref<10240x128xf32, #tpu.memory_space<vmem_shared>>) offsets(%dma_start3A_125 : memref<128xi32, #tpu.memory_space<vmem>>) semaphore(%run_scoped3A_122 : memref<!tpu.dma_semaphore, #tpu.memory_space<semaphore_mem>>) {add = true}
          %dma_wait3A_129 = arith.constant 0 : i32
          %dma_wait3A_130 = tpu.memref_slice %arg7[%run_scoped3A, %dma_wait3A_129] : memref<2x128xi32, #tpu.memory_space<vmem>> -> memref<1x128xi32, #tpu.memory_space<vmem>>
          %dma_wait3A_131 = tpu.memref_squeeze %dma_wait3A_130 : memref<1x128xi32, #tpu.memory_space<vmem>> -> memref<128xi32, #tpu.memory_space<vmem>>
          %dma_wait3A_132 = arith.constant 0 : i32
          %dma_wait3A_133 = arith.constant 0 : i32
          %dma_wait3A_134 = tpu.memref_slice %arg11[%dma_wait3A_132, %dma_wait3A_133] : memref<10240x128xf32, #tpu.memory_space<vmem_shared>> -> memref<10240x128xf32, #tpu.memory_space<vmem_shared>>
          tpu.wait_indirect_dma semaphore(%run_scoped3A_122 : memref<!tpu.dma_semaphore, #tpu.memory_space<semaphore_mem>>) src(%arg9 : memref<128x128xf32, #tpu.memory_space<vmem>>) dst(%dma_wait3A_134 : memref<10240x128xf32, #tpu.memory_space<vmem_shared>>)
          tpu.yield
        }) : () -> ()
      } else {
      }
    } else {
    }
    %eq3A_12 = arith.constant 1 : i32
    %eq3A_13 = arith.cmpi eq, %arg0, %eq3A_12 : i32
    %convert_element_type3A_14 = arith.extui %eq3A_13 : i1 to i32
    %cond3A_15 = arith.constant 0 : i32
    %cond3A_16 = arith.cmpi ne, %convert_element_type3A_14, %cond3A_15 : i32
    scf.if %cond3A_16 {
      %lt3A = arith.constant 2 : i32
      %lt3A_28 = arith.cmpi slt, %arg1, %lt3A : i32
      %jit3A = arith.constant 1 : i32
      %jit3A_29 = arith.constant 0 : i32
      %select_n3A = arith.select %lt3A_28, %jit3A, %jit3A_29 : i32
      %add3A = arith.constant 78 : i32
      %add3A_30 = arith.addi %add3A, %select_n3A : i32
      %add3A_31 = arith.constant 0 : i32
      %add3A_32 = arith.addi %arg1, %add3A_31 : i32
      %dma_start3A = arith.constant 0 : i32
      %dma_start3A_33 = arith.constant 0 : i32
      %dma_start3A_34 = tpu.memref_slice %arg4[%add3A_32, %dma_start3A, %dma_start3A_33] : memref<1250x2x128xi32, #tpu.memory_space<hbm>> -> memref<1x2x128xi32, #tpu.memory_space<hbm>>
      %dma_start3A_35 = tpu.memref_squeeze %dma_start3A_34 : memref<1x2x128xi32, #tpu.memory_space<hbm>> -> memref<2x128xi32, #tpu.memory_space<hbm>>
      %dma_start3A_36 = arith.constant 0 : i32
      %dma_start3A_37 = arith.constant 0 : i32
      %dma_start3A_38 = tpu.memref_slice %arg4[%add3A_32, %dma_start3A_36, %dma_start3A_37] : memref<1250x2x128xi32, #tpu.memory_space<hbm>> -> memref<1x2x128xi32, #tpu.memory_space<hbm>>
      %dma_start3A_39 = tpu.memref_squeeze %dma_start3A_38 : memref<1x2x128xi32, #tpu.memory_space<hbm>> -> memref<2x128xi32, #tpu.memory_space<hbm>>
      tpu.enqueue_dma source(%dma_start3A_39 : memref<2x128xi32, #tpu.memory_space<hbm>>) target(%arg7 : memref<2x128xi32, #tpu.memory_space<vmem>>) target_semaphore(%arg12 : memref<!tpu.dma_semaphore, #tpu.memory_space<semaphore_mem>>)
      %add3A_40 = arith.constant 16 : i32
      %add3A_41 = arith.addi %arg1, %add3A_40 : i32
      %dma_start3A_42 = arith.constant 0 : i32
      %dma_start3A_43 = arith.constant 0 : i32
      %dma_start3A_44 = tpu.memref_slice %arg4[%add3A_41, %dma_start3A_42, %dma_start3A_43] : memref<1250x2x128xi32, #tpu.memory_space<hbm>> -> memref<1x2x128xi32, #tpu.memory_space<hbm>>
      %dma_start3A_45 = tpu.memref_squeeze %dma_start3A_44 : memref<1x2x128xi32, #tpu.memory_space<hbm>> -> memref<2x128xi32, #tpu.memory_space<hbm>>
      %dma_start3A_46 = arith.constant 0 : i32
      %dma_start3A_47 = arith.constant 0 : i32
      %dma_start3A_48 = tpu.memref_slice %arg4[%add3A_41, %dma_start3A_46, %dma_start3A_47] : memref<1250x2x128xi32, #tpu.memory_space<hbm>> -> memref<1x2x128xi32, #tpu.memory_space<hbm>>
      %dma_start3A_49 = tpu.memref_squeeze %dma_start3A_48 : memref<1x2x128xi32, #tpu.memory_space<hbm>> -> memref<2x128xi32, #tpu.memory_space<hbm>>
      tpu.enqueue_dma source(%dma_start3A_49 : memref<2x128xi32, #tpu.memory_space<hbm>>) target(%arg8 : memref<2x128xi32, #tpu.memory_space<vmem>>) target_semaphore(%arg13 : memref<!tpu.dma_semaphore, #tpu.memory_space<semaphore_mem>>)
      %dma_wait3A = arith.constant 0 : i32
      %dma_wait3A_50 = arith.constant 0 : i32
      %dma_wait3A_51 = arith.constant 0 : i32
      %dma_wait3A_52 = tpu.memref_slice %arg4[%dma_wait3A, %dma_wait3A_50, %dma_wait3A_51] : memref<1250x2x128xi32, #tpu.memory_space<hbm>> -> memref<1x2x128xi32, #tpu.memory_space<hbm>>
      %dma_wait3A_53 = tpu.memref_squeeze %dma_wait3A_52 : memref<1x2x128xi32, #tpu.memory_space<hbm>> -> memref<2x128xi32, #tpu.memory_space<hbm>>
      %dma_wait3A_54 = arith.constant 0 : i32
      %dma_wait3A_55 = arith.constant 0 : i32
      %dma_wait3A_56 = tpu.memref_slice %arg4[%dma_wait3A, %dma_wait3A_54, %dma_wait3A_55] : memref<1250x2x128xi32, #tpu.memory_space<hbm>> -> memref<1x2x128xi32, #tpu.memory_space<hbm>>
      %dma_wait3A_57 = tpu.memref_squeeze %dma_wait3A_56 : memref<1x2x128xi32, #tpu.memory_space<hbm>> -> memref<2x128xi32, #tpu.memory_space<hbm>>
      tpu.wait_dma2 semaphore(%arg12 : memref<!tpu.dma_semaphore, #tpu.memory_space<semaphore_mem>>) src(%dma_wait3A_57 : memref<2x128xi32, #tpu.memory_space<hbm>>) dst(%arg7 : memref<2x128xi32, #tpu.memory_space<vmem>>)
      %dma_start3A_58 = arith.constant 0 : i32
      %dma_start3A_59 = arith.constant 0 : i32
      %dma_start3A_60 = tpu.memref_slice %arg7[%dma_start3A_58, %dma_start3A_59] : memref<2x128xi32, #tpu.memory_space<vmem>> -> memref<1x128xi32, #tpu.memory_space<vmem>>
      %dma_start3A_61 = tpu.memref_squeeze %dma_start3A_60 : memref<1x128xi32, #tpu.memory_space<vmem>> -> memref<128xi32, #tpu.memory_space<vmem>>
      %dma_start3A_62 = arith.constant 0 : i32
      %dma_start3A_63 = arith.constant 0 : i32
      %dma_start3A_64 = tpu.memref_slice %arg3[%dma_start3A_62, %dma_start3A_63] : memref<10240x128xf32, #tpu.memory_space<hbm>> -> memref<10240x128xf32, #tpu.memory_space<hbm>>
      tpu.enqueue_indirect_dma source(%dma_start3A_64 : memref<10240x128xf32, #tpu.memory_space<hbm>>) target(%arg9 : memref<128x128xf32, #tpu.memory_space<vmem>>) offsets(%dma_start3A_61 : memref<128xi32, #tpu.memory_space<vmem>>) semaphore(%arg14 : memref<!tpu.dma_semaphore, #tpu.memory_space<semaphore_mem>>)
      %jit3A_65 = arith.constant 2 : i32
      %div3A = arith.divsi %add3A_30, %jit3A_65 : i32
      %sign3A = arith.constant 0 : i32
      %sign3A_66 = arith.cmpi sgt, %add3A_30, %sign3A : i32
      %sign3A_67 = arith.extui %sign3A_66 : i1 to i32
      %sign3A_68 = arith.constant 0 : i32
      %sign3A_69 = arith.cmpi slt, %add3A_30, %sign3A_68 : i32
      %sign3A_70 = arith.extui %sign3A_69 : i1 to i32
      %sign3A_71 = arith.subi %sign3A_67, %sign3A_70 : i32
      %sign3A_72 = arith.constant 0 : i32
      %sign3A_73 = arith.cmpi sgt, %jit3A_65, %sign3A_72 : i32
      %sign3A_74 = arith.extui %sign3A_73 : i1 to i32
      %sign3A_75 = arith.constant 0 : i32
      %sign3A_76 = arith.cmpi slt, %jit3A_65, %sign3A_75 : i32
      %sign3A_77 = arith.extui %sign3A_76 : i1 to i32
      %sign3A_78 = arith.subi %sign3A_74, %sign3A_77 : i32
      %ne3A = arith.cmpi ne, %sign3A_71, %sign3A_78 : i32
      %rem3A = arith.remsi %add3A_30, %jit3A_65 : i32
      %ne3A_79 = arith.constant 0 : i32
      %ne3A_80 = arith.cmpi ne, %rem3A, %ne3A_79 : i32
      %and3A = arith.andi %ne3A, %ne3A_80 : i1
      %sub3A = arith.constant 1 : i32
      %sub3A_81 = arith.subi %div3A, %sub3A : i32
      %select_n3A_82 = arith.select %and3A, %sub3A_81, %div3A : i32
      %while3A = arith.constant 0 : i32
      %while3A_83 = arith.constant 0 : i32
      %while3A_84 = arith.subi %select_n3A_82, %while3A : i32
      %while3A_85 = arith.addi %while3A, %while3A_84 : i32
      %while3A_86 = arith.constant 1 : i32
      %while3A_87 = arith.divsi %while3A_84, %while3A_86 : i32
      %while3A_88 = arith.muli %while3A_87, %while3A_86 : i32
      %while3A_89 = arith.addi %while3A, %while3A_88 : i32
      %while3A_90 = arith.constant 1 : i32
      %while3A_91 = scf.for %while3A_115 = %while3A to %while3A_89 step %while3A_90 iter_args(%while3A_116 = %while3A_83) -> (i32)  : i32 {
        %dma_wait3A_117 = arith.constant 0 : i32
        %dma_wait3A_118 = arith.constant 0 : i32
        %dma_wait3A_119 = tpu.memref_slice %arg7[%dma_wait3A_117, %dma_wait3A_118] : memref<2x128xi32, #tpu.memory_space<vmem>> -> memref<1x128xi32, #tpu.memory_space<vmem>>
        %dma_wait3A_120 = tpu.memref_squeeze %dma_wait3A_119 : memref<1x128xi32, #tpu.memory_space<vmem>> -> memref<128xi32, #tpu.memory_space<vmem>>
        %dma_wait3A_121 = arith.constant 0 : i32
        %dma_wait3A_122 = arith.constant 0 : i32
        %dma_wait3A_123 = tpu.memref_slice %arg3[%dma_wait3A_121, %dma_wait3A_122] : memref<10240x128xf32, #tpu.memory_space<hbm>> -> memref<10240x128xf32, #tpu.memory_space<hbm>>
        tpu.wait_indirect_dma semaphore(%arg14 : memref<!tpu.dma_semaphore, #tpu.memory_space<semaphore_mem>>) src(%dma_wait3A_123 : memref<10240x128xf32, #tpu.memory_space<hbm>>) dst(%arg9 : memref<128x128xf32, #tpu.memory_space<vmem>>)
        %dma_wait3A_124 = arith.constant 0 : i32
        %dma_wait3A_125 = arith.constant 0 : i32
        %dma_wait3A_126 = arith.constant 0 : i32
        %dma_wait3A_127 = tpu.memref_slice %arg4[%dma_wait3A_124, %dma_wait3A_125, %dma_wait3A_126] : memref<1250x2x128xi32, #tpu.memory_space<hbm>> -> memref<1x2x128xi32, #tpu.memory_space<hbm>>
        %dma_wait3A_128 = tpu.memref_squeeze %dma_wait3A_127 : memref<1x2x128xi32, #tpu.memory_space<hbm>> -> memref<2x128xi32, #tpu.memory_space<hbm>>
        %dma_wait3A_129 = arith.constant 0 : i32
        %dma_wait3A_130 = arith.constant 0 : i32
        %dma_wait3A_131 = tpu.memref_slice %arg4[%dma_wait3A_124, %dma_wait3A_129, %dma_wait3A_130] : memref<1250x2x128xi32, #tpu.memory_space<hbm>> -> memref<1x2x128xi32, #tpu.memory_space<hbm>>
        %dma_wait3A_132 = tpu.memref_squeeze %dma_wait3A_131 : memref<1x2x128xi32, #tpu.memory_space<hbm>> -> memref<2x128xi32, #tpu.memory_space<hbm>>
        tpu.wait_dma2 semaphore(%arg13 : memref<!tpu.dma_semaphore, #tpu.memory_space<semaphore_mem>>) src(%dma_wait3A_132 : memref<2x128xi32, #tpu.memory_space<hbm>>) dst(%arg8 : memref<2x128xi32, #tpu.memory_space<vmem>>)
        %dma_start3A_133 = arith.constant 0 : i32
        %dma_start3A_134 = arith.constant 0 : i32
        %dma_start3A_135 = tpu.memref_slice %arg8[%dma_start3A_133, %dma_start3A_134] : memref<2x128xi32, #tpu.memory_space<vmem>> -> memref<1x128xi32, #tpu.memory_space<vmem>>
        %dma_start3A_136 = tpu.memref_squeeze %dma_start3A_135 : memref<1x128xi32, #tpu.memory_space<vmem>> -> memref<128xi32, #tpu.memory_space<vmem>>
        %dma_start3A_137 = arith.constant 0 : i32
        %dma_start3A_138 = arith.constant 0 : i32
        %dma_start3A_139 = tpu.memref_slice %arg3[%dma_start3A_137, %dma_start3A_138] : memref<10240x128xf32, #tpu.memory_space<hbm>> -> memref<10240x128xf32, #tpu.memory_space<hbm>>
        tpu.enqueue_indirect_dma source(%dma_start3A_139 : memref<10240x128xf32, #tpu.memory_space<hbm>>) target(%arg10 : memref<128x128xf32, #tpu.memory_space<vmem>>) offsets(%dma_start3A_136 : memref<128xi32, #tpu.memory_space<vmem>>) semaphore(%arg15 : memref<!tpu.dma_semaphore, #tpu.memory_space<semaphore_mem>>)
        %run_scoped3A = arith.constant 1 : i32
        "tpu.region"() ({
          %run_scoped3A_172 = tpu.sem_alloc : memref<!tpu.dma_semaphore, #tpu.memory_space<semaphore_mem>>
          %dma_start3A_173 = arith.constant 0 : i32
          %dma_start3A_174 = tpu.memref_slice %arg7[%run_scoped3A, %dma_start3A_173] : memref<2x128xi32, #tpu.memory_space<vmem>> -> memref<1x128xi32, #tpu.memory_space<vmem>>
          %dma_start3A_175 = tpu.memref_squeeze %dma_start3A_174 : memref<1x128xi32, #tpu.memory_space<vmem>> -> memref<128xi32, #tpu.memory_space<vmem>>
          %dma_start3A_176 = arith.constant 0 : i32
          %dma_start3A_177 = arith.constant 0 : i32
          %dma_start3A_178 = tpu.memref_slice %arg11[%dma_start3A_176, %dma_start3A_177] : memref<10240x128xf32, #tpu.memory_space<vmem_shared>> -> memref<10240x128xf32, #tpu.memory_space<vmem_shared>>
          tpu.enqueue_indirect_dma source(%arg9 : memref<128x128xf32, #tpu.memory_space<vmem>>) target(%dma_start3A_178 : memref<10240x128xf32, #tpu.memory_space<vmem_shared>>) offsets(%dma_start3A_175 : memref<128xi32, #tpu.memory_space<vmem>>) semaphore(%run_scoped3A_172 : memref<!tpu.dma_semaphore, #tpu.memory_space<semaphore_mem>>) {add = true}
          %dma_wait3A_179 = arith.constant 0 : i32
          %dma_wait3A_180 = tpu.memref_slice %arg7[%run_scoped3A, %dma_wait3A_179] : memref<2x128xi32, #tpu.memory_space<vmem>> -> memref<1x128xi32, #tpu.memory_space<vmem>>
          %dma_wait3A_181 = tpu.memref_squeeze %dma_wait3A_180 : memref<1x128xi32, #tpu.memory_space<vmem>> -> memref<128xi32, #tpu.memory_space<vmem>>
          %dma_wait3A_182 = arith.constant 0 : i32
          %dma_wait3A_183 = arith.constant 0 : i32
          %dma_wait3A_184 = tpu.memref_slice %arg11[%dma_wait3A_182, %dma_wait3A_183] : memref<10240x128xf32, #tpu.memory_space<vmem_shared>> -> memref<10240x128xf32, #tpu.memory_space<vmem_shared>>
          tpu.wait_indirect_dma semaphore(%run_scoped3A_172 : memref<!tpu.dma_semaphore, #tpu.memory_space<semaphore_mem>>) src(%arg9 : memref<128x128xf32, #tpu.memory_space<vmem>>) dst(%dma_wait3A_184 : memref<10240x128xf32, #tpu.memory_space<vmem_shared>>)
          tpu.yield
        }) : () -> ()
        %mul3A = arith.constant 2 : i32
        %mul3A_140 = arith.muli %mul3A, %while3A_115 : i32
        %add3A_141 = arith.constant 2 : i32
        %add3A_142 = arith.addi %mul3A_140, %add3A_141 : i32
        %lt3A_143 = arith.cmpi slt, %add3A_142, %add3A_30 : i32
        %convert_element_type3A_144 = arith.extui %lt3A_143 : i1 to i32
        %cond3A_145 = arith.constant 0 : i32
        %cond3A_146 = arith.cmpi ne, %convert_element_type3A_144, %cond3A_145 : i32
        scf.if %cond3A_146 {
          %mul3A_172 = arith.constant 2 : i32
          %mul3A_173 = arith.muli %mul3A_172, %while3A_115 : i32
          %add3A_174 = arith.constant 2 : i32
          %add3A_175 = arith.addi %mul3A_173, %add3A_174 : i32
          %mul3A_176 = arith.constant 16 : i32
          %mul3A_177 = arith.muli %mul3A_176, %add3A_175 : i32
          %add3A_178 = arith.addi %arg1, %mul3A_177 : i32
          %dma_start3A_179 = arith.constant 0 : i32
          %dma_start3A_180 = arith.constant 0 : i32
          %dma_start3A_181 = tpu.memref_slice %arg4[%add3A_178, %dma_start3A_179, %dma_start3A_180] : memref<1250x2x128xi32, #tpu.memory_space<hbm>> -> memref<1x2x128xi32, #tpu.memory_space<hbm>>
          %dma_start3A_182 = tpu.memref_squeeze %dma_start3A_181 : memref<1x2x128xi32, #tpu.memory_space<hbm>> -> memref<2x128xi32, #tpu.memory_space<hbm>>
          %dma_start3A_183 = arith.constant 0 : i32
          %dma_start3A_184 = arith.constant 0 : i32
          %dma_start3A_185 = tpu.memref_slice %arg4[%add3A_178, %dma_start3A_183, %dma_start3A_184] : memref<1250x2x128xi32, #tpu.memory_space<hbm>> -> memref<1x2x128xi32, #tpu.memory_space<hbm>>
          %dma_start3A_186 = tpu.memref_squeeze %dma_start3A_185 : memref<1x2x128xi32, #tpu.memory_space<hbm>> -> memref<2x128xi32, #tpu.memory_space<hbm>>
          tpu.enqueue_dma source(%dma_start3A_186 : memref<2x128xi32, #tpu.memory_space<hbm>>) target(%arg7 : memref<2x128xi32, #tpu.memory_space<vmem>>) target_semaphore(%arg12 : memref<!tpu.dma_semaphore, #tpu.memory_space<semaphore_mem>>)
        } else {
        }
        %dma_wait3A_147 = arith.constant 0 : i32
        %dma_wait3A_148 = arith.constant 0 : i32
        %dma_wait3A_149 = tpu.memref_slice %arg7[%dma_wait3A_147, %dma_wait3A_148] : memref<2x128xi32, #tpu.memory_space<vmem>> -> memref<1x128xi32, #tpu.memory_space<vmem>>
        %dma_wait3A_150 = tpu.memref_squeeze %dma_wait3A_149 : memref<1x128xi32, #tpu.memory_space<vmem>> -> memref<128xi32, #tpu.memory_space<vmem>>
        %dma_wait3A_151 = arith.constant 0 : i32
        %dma_wait3A_152 = arith.constant 0 : i32
        %dma_wait3A_153 = tpu.memref_slice %arg3[%dma_wait3A_151, %dma_wait3A_152] : memref<10240x128xf32, #tpu.memory_space<hbm>> -> memref<10240x128xf32, #tpu.memory_space<hbm>>
        tpu.wait_indirect_dma semaphore(%arg15 : memref<!tpu.dma_semaphore, #tpu.memory_space<semaphore_mem>>) src(%dma_wait3A_153 : memref<10240x128xf32, #tpu.memory_space<hbm>>) dst(%arg10 : memref<128x128xf32, #tpu.memory_space<vmem>>)
        %mul3A_154 = arith.constant 2 : i32
        %mul3A_155 = arith.muli %mul3A_154, %while3A_115 : i32
        %add3A_156 = arith.constant 2 : i32
        %add3A_157 = arith.addi %mul3A_155, %add3A_156 : i32
        %lt3A_158 = arith.cmpi slt, %add3A_157, %add3A_30 : i32
        %convert_element_type3A_159 = arith.extui %lt3A_158 : i1 to i32
        %cond3A_160 = arith.constant 0 : i32
        %cond3A_161 = arith.cmpi ne, %convert_element_type3A_159, %cond3A_160 : i32
        scf.if %cond3A_161 {
          %dma_wait3A_172 = arith.constant 0 : i32
          %dma_wait3A_173 = arith.constant 0 : i32
          %dma_wait3A_174 = arith.constant 0 : i32
          %dma_wait3A_175 = tpu.memref_slice %arg4[%dma_wait3A_172, %dma_wait3A_173, %dma_wait3A_174] : memref<1250x2x128xi32, #tpu.memory_space<hbm>> -> memref<1x2x128xi32, #tpu.memory_space<hbm>>
          %dma_wait3A_176 = tpu.memref_squeeze %dma_wait3A_175 : memref<1x2x128xi32, #tpu.memory_space<hbm>> -> memref<2x128xi32, #tpu.memory_space<hbm>>
          %dma_wait3A_177 = arith.constant 0 : i32
          %dma_wait3A_178 = arith.constant 0 : i32
          %dma_wait3A_179 = tpu.memref_slice %arg4[%dma_wait3A_172, %dma_wait3A_177, %dma_wait3A_178] : memref<1250x2x128xi32, #tpu.memory_space<hbm>> -> memref<1x2x128xi32, #tpu.memory_space<hbm>>
          %dma_wait3A_180 = tpu.memref_squeeze %dma_wait3A_179 : memref<1x2x128xi32, #tpu.memory_space<hbm>> -> memref<2x128xi32, #tpu.memory_space<hbm>>
          tpu.wait_dma2 semaphore(%arg12 : memref<!tpu.dma_semaphore, #tpu.memory_space<semaphore_mem>>) src(%dma_wait3A_180 : memref<2x128xi32, #tpu.memory_space<hbm>>) dst(%arg7 : memref<2x128xi32, #tpu.memory_space<vmem>>)
          %dma_start3A_181 = arith.constant 0 : i32
          %dma_start3A_182 = arith.constant 0 : i32
          %dma_start3A_183 = tpu.memref_slice %arg7[%dma_start3A_181, %dma_start3A_182] : memref<2x128xi32, #tpu.memory_space<vmem>> -> memref<1x128xi32, #tpu.memory_space<vmem>>
          %dma_start3A_184 = tpu.memref_squeeze %dma_start3A_183 : memref<1x128xi32, #tpu.memory_space<vmem>> -> memref<128xi32, #tpu.memory_space<vmem>>
          %dma_start3A_185 = arith.constant 0 : i32
          %dma_start3A_186 = arith.constant 0 : i32
          %dma_start3A_187 = tpu.memref_slice %arg3[%dma_start3A_185, %dma_start3A_186] : memref<10240x128xf32, #tpu.memory_space<hbm>> -> memref<10240x128xf32, #tpu.memory_space<hbm>>
          tpu.enqueue_indirect_dma source(%dma_start3A_187 : memref<10240x128xf32, #tpu.memory_space<hbm>>) target(%arg9 : memref<128x128xf32, #tpu.memory_space<vmem>>) offsets(%dma_start3A_184 : memref<128xi32, #tpu.memory_space<vmem>>) semaphore(%arg14 : memref<!tpu.dma_semaphore, #tpu.memory_space<semaphore_mem>>)
        } else {
        }
        %run_scoped3A_162 = arith.constant 1 : i32
        "tpu.region"() ({
          %run_scoped3A_172 = tpu.sem_alloc : memref<!tpu.dma_semaphore, #tpu.memory_space<semaphore_mem>>
          %dma_start3A_173 = arith.constant 0 : i32
          %dma_start3A_174 = tpu.memref_slice %arg8[%run_scoped3A_162, %dma_start3A_173] : memref<2x128xi32, #tpu.memory_space<vmem>> -> memref<1x128xi32, #tpu.memory_space<vmem>>
          %dma_start3A_175 = tpu.memref_squeeze %dma_start3A_174 : memref<1x128xi32, #tpu.memory_space<vmem>> -> memref<128xi32, #tpu.memory_space<vmem>>
          %dma_start3A_176 = arith.constant 0 : i32
          %dma_start3A_177 = arith.constant 0 : i32
          %dma_start3A_178 = tpu.memref_slice %arg11[%dma_start3A_176, %dma_start3A_177] : memref<10240x128xf32, #tpu.memory_space<vmem_shared>> -> memref<10240x128xf32, #tpu.memory_space<vmem_shared>>
          tpu.enqueue_indirect_dma source(%arg10 : memref<128x128xf32, #tpu.memory_space<vmem>>) target(%dma_start3A_178 : memref<10240x128xf32, #tpu.memory_space<vmem_shared>>) offsets(%dma_start3A_175 : memref<128xi32, #tpu.memory_space<vmem>>) semaphore(%run_scoped3A_172 : memref<!tpu.dma_semaphore, #tpu.memory_space<semaphore_mem>>) {add = true}
          %dma_wait3A_179 = arith.constant 0 : i32
          %dma_wait3A_180 = tpu.memref_slice %arg8[%run_scoped3A_162, %dma_wait3A_179] : memref<2x128xi32, #tpu.memory_space<vmem>> -> memref<1x128xi32, #tpu.memory_space<vmem>>
          %dma_wait3A_181 = tpu.memref_squeeze %dma_wait3A_180 : memref<1x128xi32, #tpu.memory_space<vmem>> -> memref<128xi32, #tpu.memory_space<vmem>>
          %dma_wait3A_182 = arith.constant 0 : i32
          %dma_wait3A_183 = arith.constant 0 : i32
          %dma_wait3A_184 = tpu.memref_slice %arg11[%dma_wait3A_182, %dma_wait3A_183] : memref<10240x128xf32, #tpu.memory_space<vmem_shared>> -> memref<10240x128xf32, #tpu.memory_space<vmem_shared>>
          tpu.wait_indirect_dma semaphore(%run_scoped3A_172 : memref<!tpu.dma_semaphore, #tpu.memory_space<semaphore_mem>>) src(%arg10 : memref<128x128xf32, #tpu.memory_space<vmem>>) dst(%dma_wait3A_184 : memref<10240x128xf32, #tpu.memory_space<vmem_shared>>)
          tpu.yield
        }) : () -> ()
        %mul3A_163 = arith.constant 2 : i32
        %mul3A_164 = arith.muli %mul3A_163, %while3A_115 : i32
        %add3A_165 = arith.constant 3 : i32
        %add3A_166 = arith.addi %mul3A_164, %add3A_165 : i32
        %lt3A_167 = arith.cmpi slt, %add3A_166, %add3A_30 : i32
        %convert_element_type3A_168 = arith.extui %lt3A_167 : i1 to i32
        %cond3A_169 = arith.constant 0 : i32
        %cond3A_170 = arith.cmpi ne, %convert_element_type3A_168, %cond3A_169 : i32
        scf.if %cond3A_170 {
          %mul3A_172 = arith.constant 2 : i32
          %mul3A_173 = arith.muli %mul3A_172, %while3A_115 : i32
          %add3A_174 = arith.constant 3 : i32
          %add3A_175 = arith.addi %mul3A_173, %add3A_174 : i32
          %mul3A_176 = arith.constant 16 : i32
          %mul3A_177 = arith.muli %mul3A_176, %add3A_175 : i32
          %add3A_178 = arith.addi %arg1, %mul3A_177 : i32
          %dma_start3A_179 = arith.constant 0 : i32
          %dma_start3A_180 = arith.constant 0 : i32
          %dma_start3A_181 = tpu.memref_slice %arg4[%add3A_178, %dma_start3A_179, %dma_start3A_180] : memref<1250x2x128xi32, #tpu.memory_space<hbm>> -> memref<1x2x128xi32, #tpu.memory_space<hbm>>
          %dma_start3A_182 = tpu.memref_squeeze %dma_start3A_181 : memref<1x2x128xi32, #tpu.memory_space<hbm>> -> memref<2x128xi32, #tpu.memory_space<hbm>>
          %dma_start3A_183 = arith.constant 0 : i32
          %dma_start3A_184 = arith.constant 0 : i32
          %dma_start3A_185 = tpu.memref_slice %arg4[%add3A_178, %dma_start3A_183, %dma_start3A_184] : memref<1250x2x128xi32, #tpu.memory_space<hbm>> -> memref<1x2x128xi32, #tpu.memory_space<hbm>>
          %dma_start3A_186 = tpu.memref_squeeze %dma_start3A_185 : memref<1x2x128xi32, #tpu.memory_space<hbm>> -> memref<2x128xi32, #tpu.memory_space<hbm>>
          tpu.enqueue_dma source(%dma_start3A_186 : memref<2x128xi32, #tpu.memory_space<hbm>>) target(%arg8 : memref<2x128xi32, #tpu.memory_space<vmem>>) target_semaphore(%arg13 : memref<!tpu.dma_semaphore, #tpu.memory_space<semaphore_mem>>)
        } else {
        }
        %while3A_171 = arith.constant 0 : i32
        scf.yield %while3A_171 : i32
      }
      %while3A_92 = arith.constant 1 : i32
      %while3A_93 = scf.for %while3A_115 = %while3A_89 to %while3A_85 step %while3A_92 iter_args(%while3A_116 = %while3A_91) -> (i32)  : i32 {
        %dma_wait3A_117 = arith.constant 0 : i32
        %dma_wait3A_118 = arith.constant 0 : i32
        %dma_wait3A_119 = tpu.memref_slice %arg7[%dma_wait3A_117, %dma_wait3A_118] : memref<2x128xi32, #tpu.memory_space<vmem>> -> memref<1x128xi32, #tpu.memory_space<vmem>>
        %dma_wait3A_120 = tpu.memref_squeeze %dma_wait3A_119 : memref<1x128xi32, #tpu.memory_space<vmem>> -> memref<128xi32, #tpu.memory_space<vmem>>
        %dma_wait3A_121 = arith.constant 0 : i32
        %dma_wait3A_122 = arith.constant 0 : i32
        %dma_wait3A_123 = tpu.memref_slice %arg3[%dma_wait3A_121, %dma_wait3A_122] : memref<10240x128xf32, #tpu.memory_space<hbm>> -> memref<10240x128xf32, #tpu.memory_space<hbm>>
        tpu.wait_indirect_dma semaphore(%arg14 : memref<!tpu.dma_semaphore, #tpu.memory_space<semaphore_mem>>) src(%dma_wait3A_123 : memref<10240x128xf32, #tpu.memory_space<hbm>>) dst(%arg9 : memref<128x128xf32, #tpu.memory_space<vmem>>)
        %dma_wait3A_124 = arith.constant 0 : i32
        %dma_wait3A_125 = arith.constant 0 : i32
        %dma_wait3A_126 = arith.constant 0 : i32
        %dma_wait3A_127 = tpu.memref_slice %arg4[%dma_wait3A_124, %dma_wait3A_125, %dma_wait3A_126] : memref<1250x2x128xi32, #tpu.memory_space<hbm>> -> memref<1x2x128xi32, #tpu.memory_space<hbm>>
        %dma_wait3A_128 = tpu.memref_squeeze %dma_wait3A_127 : memref<1x2x128xi32, #tpu.memory_space<hbm>> -> memref<2x128xi32, #tpu.memory_space<hbm>>
        %dma_wait3A_129 = arith.constant 0 : i32
        %dma_wait3A_130 = arith.constant 0 : i32
        %dma_wait3A_131 = tpu.memref_slice %arg4[%dma_wait3A_124, %dma_wait3A_129, %dma_wait3A_130] : memref<1250x2x128xi32, #tpu.memory_space<hbm>> -> memref<1x2x128xi32, #tpu.memory_space<hbm>>
        %dma_wait3A_132 = tpu.memref_squeeze %dma_wait3A_131 : memref<1x2x128xi32, #tpu.memory_space<hbm>> -> memref<2x128xi32, #tpu.memory_space<hbm>>
        tpu.wait_dma2 semaphore(%arg13 : memref<!tpu.dma_semaphore, #tpu.memory_space<semaphore_mem>>) src(%dma_wait3A_132 : memref<2x128xi32, #tpu.memory_space<hbm>>) dst(%arg8 : memref<2x128xi32, #tpu.memory_space<vmem>>)
        %dma_start3A_133 = arith.constant 0 : i32
        %dma_start3A_134 = arith.constant 0 : i32
        %dma_start3A_135 = tpu.memref_slice %arg8[%dma_start3A_133, %dma_start3A_134] : memref<2x128xi32, #tpu.memory_space<vmem>> -> memref<1x128xi32, #tpu.memory_space<vmem>>
        %dma_start3A_136 = tpu.memref_squeeze %dma_start3A_135 : memref<1x128xi32, #tpu.memory_space<vmem>> -> memref<128xi32, #tpu.memory_space<vmem>>
        %dma_start3A_137 = arith.constant 0 : i32
        %dma_start3A_138 = arith.constant 0 : i32
        %dma_start3A_139 = tpu.memref_slice %arg3[%dma_start3A_137, %dma_start3A_138] : memref<10240x128xf32, #tpu.memory_space<hbm>> -> memref<10240x128xf32, #tpu.memory_space<hbm>>
        tpu.enqueue_indirect_dma source(%dma_start3A_139 : memref<10240x128xf32, #tpu.memory_space<hbm>>) target(%arg10 : memref<128x128xf32, #tpu.memory_space<vmem>>) offsets(%dma_start3A_136 : memref<128xi32, #tpu.memory_space<vmem>>) semaphore(%arg15 : memref<!tpu.dma_semaphore, #tpu.memory_space<semaphore_mem>>)
        %run_scoped3A = arith.constant 1 : i32
        "tpu.region"() ({
          %run_scoped3A_172 = tpu.sem_alloc : memref<!tpu.dma_semaphore, #tpu.memory_space<semaphore_mem>>
          %dma_start3A_173 = arith.constant 0 : i32
          %dma_start3A_174 = tpu.memref_slice %arg7[%run_scoped3A, %dma_start3A_173] : memref<2x128xi32, #tpu.memory_space<vmem>> -> memref<1x128xi32, #tpu.memory_space<vmem>>
          %dma_start3A_175 = tpu.memref_squeeze %dma_start3A_174 : memref<1x128xi32, #tpu.memory_space<vmem>> -> memref<128xi32, #tpu.memory_space<vmem>>
          %dma_start3A_176 = arith.constant 0 : i32
          %dma_start3A_177 = arith.constant 0 : i32
          %dma_start3A_178 = tpu.memref_slice %arg11[%dma_start3A_176, %dma_start3A_177] : memref<10240x128xf32, #tpu.memory_space<vmem_shared>> -> memref<10240x128xf32, #tpu.memory_space<vmem_shared>>
          tpu.enqueue_indirect_dma source(%arg9 : memref<128x128xf32, #tpu.memory_space<vmem>>) target(%dma_start3A_178 : memref<10240x128xf32, #tpu.memory_space<vmem_shared>>) offsets(%dma_start3A_175 : memref<128xi32, #tpu.memory_space<vmem>>) semaphore(%run_scoped3A_172 : memref<!tpu.dma_semaphore, #tpu.memory_space<semaphore_mem>>) {add = true}
          %dma_wait3A_179 = arith.constant 0 : i32
          %dma_wait3A_180 = tpu.memref_slice %arg7[%run_scoped3A, %dma_wait3A_179] : memref<2x128xi32, #tpu.memory_space<vmem>> -> memref<1x128xi32, #tpu.memory_space<vmem>>
          %dma_wait3A_181 = tpu.memref_squeeze %dma_wait3A_180 : memref<1x128xi32, #tpu.memory_space<vmem>> -> memref<128xi32, #tpu.memory_space<vmem>>
          %dma_wait3A_182 = arith.constant 0 : i32
          %dma_wait3A_183 = arith.constant 0 : i32
          %dma_wait3A_184 = tpu.memref_slice %arg11[%dma_wait3A_182, %dma_wait3A_183] : memref<10240x128xf32, #tpu.memory_space<vmem_shared>> -> memref<10240x128xf32, #tpu.memory_space<vmem_shared>>
          tpu.wait_indirect_dma semaphore(%run_scoped3A_172 : memref<!tpu.dma_semaphore, #tpu.memory_space<semaphore_mem>>) src(%arg9 : memref<128x128xf32, #tpu.memory_space<vmem>>) dst(%dma_wait3A_184 : memref<10240x128xf32, #tpu.memory_space<vmem_shared>>)
          tpu.yield
        }) : () -> ()
        %mul3A = arith.constant 2 : i32
        %mul3A_140 = arith.muli %mul3A, %while3A_115 : i32
        %add3A_141 = arith.constant 2 : i32
        %add3A_142 = arith.addi %mul3A_140, %add3A_141 : i32
        %lt3A_143 = arith.cmpi slt, %add3A_142, %add3A_30 : i32
        %convert_element_type3A_144 = arith.extui %lt3A_143 : i1 to i32
        %cond3A_145 = arith.constant 0 : i32
        %cond3A_146 = arith.cmpi ne, %convert_element_type3A_144, %cond3A_145 : i32
        scf.if %cond3A_146 {
          %mul3A_172 = arith.constant 2 : i32
          %mul3A_173 = arith.muli %mul3A_172, %while3A_115 : i32
          %add3A_174 = arith.constant 2 : i32
          %add3A_175 = arith.addi %mul3A_173, %add3A_174 : i32
          %mul3A_176 = arith.constant 16 : i32
          %mul3A_177 = arith.muli %mul3A_176, %add3A_175 : i32
          %add3A_178 = arith.addi %arg1, %mul3A_177 : i32
          %dma_start3A_179 = arith.constant 0 : i32
          %dma_start3A_180 = arith.constant 0 : i32
          %dma_start3A_181 = tpu.memref_slice %arg4[%add3A_178, %dma_start3A_179, %dma_start3A_180] : memref<1250x2x128xi32, #tpu.memory_space<hbm>> -> memref<1x2x128xi32, #tpu.memory_space<hbm>>
          %dma_start3A_182 = tpu.memref_squeeze %dma_start3A_181 : memref<1x2x128xi32, #tpu.memory_space<hbm>> -> memref<2x128xi32, #tpu.memory_space<hbm>>
          %dma_start3A_183 = arith.constant 0 : i32
          %dma_start3A_184 = arith.constant 0 : i32
          %dma_start3A_185 = tpu.memref_slice %arg4[%add3A_178, %dma_start3A_183, %dma_start3A_184] : memref<1250x2x128xi32, #tpu.memory_space<hbm>> -> memref<1x2x128xi32, #tpu.memory_space<hbm>>
          %dma_start3A_186 = tpu.memref_squeeze %dma_start3A_185 : memref<1x2x128xi32, #tpu.memory_space<hbm>> -> memref<2x128xi32, #tpu.memory_space<hbm>>
          tpu.enqueue_dma source(%dma_start3A_186 : memref<2x128xi32, #tpu.memory_space<hbm>>) target(%arg7 : memref<2x128xi32, #tpu.memory_space<vmem>>) target_semaphore(%arg12 : memref<!tpu.dma_semaphore, #tpu.memory_space<semaphore_mem>>)
        } else {
        }
        %dma_wait3A_147 = arith.constant 0 : i32
        %dma_wait3A_148 = arith.constant 0 : i32
        %dma_wait3A_149 = tpu.memref_slice %arg7[%dma_wait3A_147, %dma_wait3A_148] : memref<2x128xi32, #tpu.memory_space<vmem>> -> memref<1x128xi32, #tpu.memory_space<vmem>>
        %dma_wait3A_150 = tpu.memref_squeeze %dma_wait3A_149 : memref<1x128xi32, #tpu.memory_space<vmem>> -> memref<128xi32, #tpu.memory_space<vmem>>
        %dma_wait3A_151 = arith.constant 0 : i32
        %dma_wait3A_152 = arith.constant 0 : i32
        %dma_wait3A_153 = tpu.memref_slice %arg3[%dma_wait3A_151, %dma_wait3A_152] : memref<10240x128xf32, #tpu.memory_space<hbm>> -> memref<10240x128xf32, #tpu.memory_space<hbm>>
        tpu.wait_indirect_dma semaphore(%arg15 : memref<!tpu.dma_semaphore, #tpu.memory_space<semaphore_mem>>) src(%dma_wait3A_153 : memref<10240x128xf32, #tpu.memory_space<hbm>>) dst(%arg10 : memref<128x128xf32, #tpu.memory_space<vmem>>)
        %mul3A_154 = arith.constant 2 : i32
        %mul3A_155 = arith.muli %mul3A_154, %while3A_115 : i32
        %add3A_156 = arith.constant 2 : i32
        %add3A_157 = arith.addi %mul3A_155, %add3A_156 : i32
        %lt3A_158 = arith.cmpi slt, %add3A_157, %add3A_30 : i32
        %convert_element_type3A_159 = arith.extui %lt3A_158 : i1 to i32
        %cond3A_160 = arith.constant 0 : i32
        %cond3A_161 = arith.cmpi ne, %convert_element_type3A_159, %cond3A_160 : i32
        scf.if %cond3A_161 {
          %dma_wait3A_172 = arith.constant 0 : i32
          %dma_wait3A_173 = arith.constant 0 : i32
          %dma_wait3A_174 = arith.constant 0 : i32
          %dma_wait3A_175 = tpu.memref_slice %arg4[%dma_wait3A_172, %dma_wait3A_173, %dma_wait3A_174] : memref<1250x2x128xi32, #tpu.memory_space<hbm>> -> memref<1x2x128xi32, #tpu.memory_space<hbm>>
          %dma_wait3A_176 = tpu.memref_squeeze %dma_wait3A_175 : memref<1x2x128xi32, #tpu.memory_space<hbm>> -> memref<2x128xi32, #tpu.memory_space<hbm>>
          %dma_wait3A_177 = arith.constant 0 : i32
          %dma_wait3A_178 = arith.constant 0 : i32
          %dma_wait3A_179 = tpu.memref_slice %arg4[%dma_wait3A_172, %dma_wait3A_177, %dma_wait3A_178] : memref<1250x2x128xi32, #tpu.memory_space<hbm>> -> memref<1x2x128xi32, #tpu.memory_space<hbm>>
          %dma_wait3A_180 = tpu.memref_squeeze %dma_wait3A_179 : memref<1x2x128xi32, #tpu.memory_space<hbm>> -> memref<2x128xi32, #tpu.memory_space<hbm>>
          tpu.wait_dma2 semaphore(%arg12 : memref<!tpu.dma_semaphore, #tpu.memory_space<semaphore_mem>>) src(%dma_wait3A_180 : memref<2x128xi32, #tpu.memory_space<hbm>>) dst(%arg7 : memref<2x128xi32, #tpu.memory_space<vmem>>)
          %dma_start3A_181 = arith.constant 0 : i32
          %dma_start3A_182 = arith.constant 0 : i32
          %dma_start3A_183 = tpu.memref_slice %arg7[%dma_start3A_181, %dma_start3A_182] : memref<2x128xi32, #tpu.memory_space<vmem>> -> memref<1x128xi32, #tpu.memory_space<vmem>>
          %dma_start3A_184 = tpu.memref_squeeze %dma_start3A_183 : memref<1x128xi32, #tpu.memory_space<vmem>> -> memref<128xi32, #tpu.memory_space<vmem>>
          %dma_start3A_185 = arith.constant 0 : i32
          %dma_start3A_186 = arith.constant 0 : i32
          %dma_start3A_187 = tpu.memref_slice %arg3[%dma_start3A_185, %dma_start3A_186] : memref<10240x128xf32, #tpu.memory_space<hbm>> -> memref<10240x128xf32, #tpu.memory_space<hbm>>
          tpu.enqueue_indirect_dma source(%dma_start3A_187 : memref<10240x128xf32, #tpu.memory_space<hbm>>) target(%arg9 : memref<128x128xf32, #tpu.memory_space<vmem>>) offsets(%dma_start3A_184 : memref<128xi32, #tpu.memory_space<vmem>>) semaphore(%arg14 : memref<!tpu.dma_semaphore, #tpu.memory_space<semaphore_mem>>)
        } else {
        }
        %run_scoped3A_162 = arith.constant 1 : i32
        "tpu.region"() ({
          %run_scoped3A_172 = tpu.sem_alloc : memref<!tpu.dma_semaphore, #tpu.memory_space<semaphore_mem>>
          %dma_start3A_173 = arith.constant 0 : i32
          %dma_start3A_174 = tpu.memref_slice %arg8[%run_scoped3A_162, %dma_start3A_173] : memref<2x128xi32, #tpu.memory_space<vmem>> -> memref<1x128xi32, #tpu.memory_space<vmem>>
          %dma_start3A_175 = tpu.memref_squeeze %dma_start3A_174 : memref<1x128xi32, #tpu.memory_space<vmem>> -> memref<128xi32, #tpu.memory_space<vmem>>
          %dma_start3A_176 = arith.constant 0 : i32
          %dma_start3A_177 = arith.constant 0 : i32
          %dma_start3A_178 = tpu.memref_slice %arg11[%dma_start3A_176, %dma_start3A_177] : memref<10240x128xf32, #tpu.memory_space<vmem_shared>> -> memref<10240x128xf32, #tpu.memory_space<vmem_shared>>
          tpu.enqueue_indirect_dma source(%arg10 : memref<128x128xf32, #tpu.memory_space<vmem>>) target(%dma_start3A_178 : memref<10240x128xf32, #tpu.memory_space<vmem_shared>>) offsets(%dma_start3A_175 : memref<128xi32, #tpu.memory_space<vmem>>) semaphore(%run_scoped3A_172 : memref<!tpu.dma_semaphore, #tpu.memory_space<semaphore_mem>>) {add = true}
          %dma_wait3A_179 = arith.constant 0 : i32
          %dma_wait3A_180 = tpu.memref_slice %arg8[%run_scoped3A_162, %dma_wait3A_179] : memref<2x128xi32, #tpu.memory_space<vmem>> -> memref<1x128xi32, #tpu.memory_space<vmem>>
          %dma_wait3A_181 = tpu.memref_squeeze %dma_wait3A_180 : memref<1x128xi32, #tpu.memory_space<vmem>> -> memref<128xi32, #tpu.memory_space<vmem>>
          %dma_wait3A_182 = arith.constant 0 : i32
          %dma_wait3A_183 = arith.constant 0 : i32
          %dma_wait3A_184 = tpu.memref_slice %arg11[%dma_wait3A_182, %dma_wait3A_183] : memref<10240x128xf32, #tpu.memory_space<vmem_shared>> -> memref<10240x128xf32, #tpu.memory_space<vmem_shared>>
          tpu.wait_indirect_dma semaphore(%run_scoped3A_172 : memref<!tpu.dma_semaphore, #tpu.memory_space<semaphore_mem>>) src(%arg10 : memref<128x128xf32, #tpu.memory_space<vmem>>) dst(%dma_wait3A_184 : memref<10240x128xf32, #tpu.memory_space<vmem_shared>>)
          tpu.yield
        }) : () -> ()
        %mul3A_163 = arith.constant 2 : i32
        %mul3A_164 = arith.muli %mul3A_163, %while3A_115 : i32
        %add3A_165 = arith.constant 3 : i32
        %add3A_166 = arith.addi %mul3A_164, %add3A_165 : i32
        %lt3A_167 = arith.cmpi slt, %add3A_166, %add3A_30 : i32
        %convert_element_type3A_168 = arith.extui %lt3A_167 : i1 to i32
        %cond3A_169 = arith.constant 0 : i32
        %cond3A_170 = arith.cmpi ne, %convert_element_type3A_168, %cond3A_169 : i32
        scf.if %cond3A_170 {
          %mul3A_172 = arith.constant 2 : i32
          %mul3A_173 = arith.muli %mul3A_172, %while3A_115 : i32
          %add3A_174 = arith.constant 3 : i32
          %add3A_175 = arith.addi %mul3A_173, %add3A_174 : i32
          %mul3A_176 = arith.constant 16 : i32
          %mul3A_177 = arith.muli %mul3A_176, %add3A_175 : i32
          %add3A_178 = arith.addi %arg1, %mul3A_177 : i32
          %dma_start3A_179 = arith.constant 0 : i32
          %dma_start3A_180 = arith.constant 0 : i32
          %dma_start3A_181 = tpu.memref_slice %arg4[%add3A_178, %dma_start3A_179, %dma_start3A_180] : memref<1250x2x128xi32, #tpu.memory_space<hbm>> -> memref<1x2x128xi32, #tpu.memory_space<hbm>>
          %dma_start3A_182 = tpu.memref_squeeze %dma_start3A_181 : memref<1x2x128xi32, #tpu.memory_space<hbm>> -> memref<2x128xi32, #tpu.memory_space<hbm>>
          %dma_start3A_183 = arith.constant 0 : i32
          %dma_start3A_184 = arith.constant 0 : i32
          %dma_start3A_185 = tpu.memref_slice %arg4[%add3A_178, %dma_start3A_183, %dma_start3A_184] : memref<1250x2x128xi32, #tpu.memory_space<hbm>> -> memref<1x2x128xi32, #tpu.memory_space<hbm>>
          %dma_start3A_186 = tpu.memref_squeeze %dma_start3A_185 : memref<1x2x128xi32, #tpu.memory_space<hbm>> -> memref<2x128xi32, #tpu.memory_space<hbm>>
          tpu.enqueue_dma source(%dma_start3A_186 : memref<2x128xi32, #tpu.memory_space<hbm>>) target(%arg8 : memref<2x128xi32, #tpu.memory_space<vmem>>) target_semaphore(%arg13 : memref<!tpu.dma_semaphore, #tpu.memory_space<semaphore_mem>>)
        } else {
        }
        %while3A_171 = arith.constant 0 : i32
        scf.yield %while3A_171 : i32
      }
      %jit3A_94 = arith.constant 2 : i32
      %eq3A_95 = arith.constant 0 : i32
      %eq3A_96 = arith.cmpi eq, %jit3A_94, %eq3A_95 : i32
      %jit3A_97 = arith.constant 1 : i32
      %select_n3A_98 = arith.select %eq3A_96, %jit3A_97, %jit3A_94 : i32
      %rem3A_99 = arith.remsi %add3A_30, %select_n3A_98 : i32
      %ne3A_100 = arith.constant 0 : i32
      %ne3A_101 = arith.cmpi ne, %rem3A_99, %ne3A_100 : i32
      %lt3A_102 = arith.constant 0 : i32
      %lt3A_103 = arith.cmpi slt, %rem3A_99, %lt3A_102 : i32
      %lt3A_104 = arith.constant 0 : i32
      %lt3A_105 = arith.cmpi slt, %select_n3A_98, %lt3A_104 : i32
      %ne3A_106 = arith.xori %lt3A_103, %lt3A_105 : i1
      %and3A_107 = arith.andi %ne3A_106, %ne3A_101 : i1
      %add3A_108 = arith.addi %rem3A_99, %select_n3A_98 : i32
      %select_n3A_109 = arith.select %and3A_107, %add3A_108, %rem3A_99 : i32
      %eq3A_110 = arith.constant 1 : i32
      %eq3A_111 = arith.cmpi eq, %select_n3A_109, %eq3A_110 : i32
      %convert_element_type3A_112 = arith.extui %eq3A_111 : i1 to i32
      %cond3A_113 = arith.constant 0 : i32
      %cond3A_114 = arith.cmpi ne, %convert_element_type3A_112, %cond3A_113 : i32
      scf.if %cond3A_114 {
        %dma_wait3A_115 = arith.constant 0 : i32
        %dma_wait3A_116 = arith.constant 0 : i32
        %dma_wait3A_117 = tpu.memref_slice %arg7[%dma_wait3A_115, %dma_wait3A_116] : memref<2x128xi32, #tpu.memory_space<vmem>> -> memref<1x128xi32, #tpu.memory_space<vmem>>
        %dma_wait3A_118 = tpu.memref_squeeze %dma_wait3A_117 : memref<1x128xi32, #tpu.memory_space<vmem>> -> memref<128xi32, #tpu.memory_space<vmem>>
        %dma_wait3A_119 = arith.constant 0 : i32
        %dma_wait3A_120 = arith.constant 0 : i32
        %dma_wait3A_121 = tpu.memref_slice %arg3[%dma_wait3A_119, %dma_wait3A_120] : memref<10240x128xf32, #tpu.memory_space<hbm>> -> memref<10240x128xf32, #tpu.memory_space<hbm>>
        tpu.wait_indirect_dma semaphore(%arg14 : memref<!tpu.dma_semaphore, #tpu.memory_space<semaphore_mem>>) src(%dma_wait3A_121 : memref<10240x128xf32, #tpu.memory_space<hbm>>) dst(%arg9 : memref<128x128xf32, #tpu.memory_space<vmem>>)
        %run_scoped3A = arith.constant 1 : i32
        "tpu.region"() ({
          %run_scoped3A_122 = tpu.sem_alloc : memref<!tpu.dma_semaphore, #tpu.memory_space<semaphore_mem>>
          %dma_start3A_123 = arith.constant 0 : i32
          %dma_start3A_124 = tpu.memref_slice %arg7[%run_scoped3A, %dma_start3A_123] : memref<2x128xi32, #tpu.memory_space<vmem>> -> memref<1x128xi32, #tpu.memory_space<vmem>>
          %dma_start3A_125 = tpu.memref_squeeze %dma_start3A_124 : memref<1x128xi32, #tpu.memory_space<vmem>> -> memref<128xi32, #tpu.memory_space<vmem>>
          %dma_start3A_126 = arith.constant 0 : i32
          %dma_start3A_127 = arith.constant 0 : i32
          %dma_start3A_128 = tpu.memref_slice %arg11[%dma_start3A_126, %dma_start3A_127] : memref<10240x128xf32, #tpu.memory_space<vmem_shared>> -> memref<10240x128xf32, #tpu.memory_space<vmem_shared>>
          tpu.enqueue_indirect_dma source(%arg9 : memref<128x128xf32, #tpu.memory_space<vmem>>) target(%dma_start3A_128 : memref<10240x128xf32, #tpu.memory_space<vmem_shared>>) offsets(%dma_start3A_125 : memref<128xi32, #tpu.memory_space<vmem>>) semaphore(%run_scoped3A_122 : memref<!tpu.dma_semaphore, #tpu.memory_space<semaphore_mem>>) {add = true}
          %dma_wait3A_129 = arith.constant 0 : i32
          %dma_wait3A_130 = tpu.memref_slice %arg7[%run_scoped3A, %dma_wait3A_129] : memref<2x128xi32, #tpu.memory_space<vmem>> -> memref<1x128xi32, #tpu.memory_space<vmem>>
          %dma_wait3A_131 = tpu.memref_squeeze %dma_wait3A_130 : memref<1x128xi32, #tpu.memory_space<vmem>> -> memref<128xi32, #tpu.memory_space<vmem>>
          %dma_wait3A_132 = arith.constant 0 : i32
          %dma_wait3A_133 = arith.constant 0 : i32
          %dma_wait3A_134 = tpu.memref_slice %arg11[%dma_wait3A_132, %dma_wait3A_133] : memref<10240x128xf32, #tpu.memory_space<vmem_shared>> -> memref<10240x128xf32, #tpu.memory_space<vmem_shared>>
          tpu.wait_indirect_dma semaphore(%run_scoped3A_122 : memref<!tpu.dma_semaphore, #tpu.memory_space<semaphore_mem>>) src(%arg9 : memref<128x128xf32, #tpu.memory_space<vmem>>) dst(%dma_wait3A_134 : memref<10240x128xf32, #tpu.memory_space<vmem_shared>>)
          tpu.yield
        }) : () -> ()
      } else {
      }
    } else {
    }
    %barrier3A_17 = arith.constant 0 : index
    tpu.barrier barrier_id(%barrier3A_17)
    %eq3A_18 = arith.constant 0 : i32
    %eq3A_19 = arith.cmpi eq, %arg0, %eq3A_18 : i32
    %convert_element_type3A_20 = arith.extui %eq3A_19 : i1 to i32
    %cond3A_21 = arith.constant 0 : i32
    %cond3A_22 = arith.cmpi ne, %convert_element_type3A_20, %cond3A_21 : i32
    scf.if %cond3A_22 {
      %mul3A = arith.constant 640 : i32
      %mul3A_28 = arith.muli %arg1, %mul3A : i32
      "tpu.region"() ({
        %run_scoped3A = tpu.sem_alloc : memref<!tpu.dma_semaphore, #tpu.memory_space<semaphore_mem>>
        %dma_start3A = arith.constant 0 : i32
        %dma_start3A_29 = tpu.memref_slice %arg5[%mul3A_28, %dma_start3A] : memref<10240x128xf32, #tpu.memory_space<hbm>> -> memref<640x128xf32, #tpu.memory_space<hbm>>
        %dma_start3A_30 = arith.constant 0 : i32
        %dma_start3A_31 = tpu.memref_slice %arg11[%mul3A_28, %dma_start3A_30] : memref<10240x128xf32, #tpu.memory_space<vmem_shared>> -> memref<640x128xf32, #tpu.memory_space<vmem_shared>>
        tpu.enqueue_dma source(%dma_start3A_31 : memref<640x128xf32, #tpu.memory_space<vmem_shared>>) target(%dma_start3A_29 : memref<640x128xf32, #tpu.memory_space<hbm>>) target_semaphore(%run_scoped3A : memref<!tpu.dma_semaphore, #tpu.memory_space<semaphore_mem>>)
        %dma_wait3A = arith.constant 0 : i32
        %dma_wait3A_32 = tpu.memref_slice %arg5[%mul3A_28, %dma_wait3A] : memref<10240x128xf32, #tpu.memory_space<hbm>> -> memref<640x128xf32, #tpu.memory_space<hbm>>
        %dma_wait3A_33 = arith.constant 0 : i32
        %dma_wait3A_34 = tpu.memref_slice %arg11[%mul3A_28, %dma_wait3A_33] : memref<10240x128xf32, #tpu.memory_space<vmem_shared>> -> memref<640x128xf32, #tpu.memory_space<vmem_shared>>
        tpu.wait_dma2 semaphore(%run_scoped3A : memref<!tpu.dma_semaphore, #tpu.memory_space<semaphore_mem>>) src(%dma_wait3A_34 : memref<640x128xf32, #tpu.memory_space<vmem_shared>>) dst(%dma_wait3A_32 : memref<640x128xf32, #tpu.memory_space<hbm>>)
        tpu.yield
      }) : () -> ()
    } else {
    }
    %eq3A_23 = arith.constant 1 : i32
    %eq3A_24 = arith.cmpi eq, %arg0, %eq3A_23 : i32
    %convert_element_type3A_25 = arith.extui %eq3A_24 : i1 to i32
    %cond3A_26 = arith.constant 0 : i32
    %cond3A_27 = arith.cmpi ne, %convert_element_type3A_25, %cond3A_26 : i32
    scf.if %cond3A_27 {
      %mul3A = arith.constant 640 : i32
      %mul3A_28 = arith.muli %arg1, %mul3A : i32
      "tpu.region"() ({
        %run_scoped3A = tpu.sem_alloc : memref<!tpu.dma_semaphore, #tpu.memory_space<semaphore_mem>>
        %dma_start3A = arith.constant 0 : i32
        %dma_start3A_29 = tpu.memref_slice %arg6[%mul3A_28, %dma_start3A] : memref<10240x128xf32, #tpu.memory_space<hbm>> -> memref<640x128xf32, #tpu.memory_space<hbm>>
        %dma_start3A_30 = arith.constant 0 : i32
        %dma_start3A_31 = tpu.memref_slice %arg11[%mul3A_28, %dma_start3A_30] : memref<10240x128xf32, #tpu.memory_space<vmem_shared>> -> memref<640x128xf32, #tpu.memory_space<vmem_shared>>
        tpu.enqueue_dma source(%dma_start3A_31 : memref<640x128xf32, #tpu.memory_space<vmem_shared>>) target(%dma_start3A_29 : memref<640x128xf32, #tpu.memory_space<hbm>>) target_semaphore(%run_scoped3A : memref<!tpu.dma_semaphore, #tpu.memory_space<semaphore_mem>>)
        %dma_wait3A = arith.constant 0 : i32
        %dma_wait3A_32 = tpu.memref_slice %arg6[%mul3A_28, %dma_wait3A] : memref<10240x128xf32, #tpu.memory_space<hbm>> -> memref<640x128xf32, #tpu.memory_space<hbm>>
        %dma_wait3A_33 = arith.constant 0 : i32
        %dma_wait3A_34 = tpu.memref_slice %arg11[%mul3A_28, %dma_wait3A_33] : memref<10240x128xf32, #tpu.memory_space<vmem_shared>> -> memref<640x128xf32, #tpu.memory_space<vmem_shared>>
        tpu.wait_dma2 semaphore(%run_scoped3A : memref<!tpu.dma_semaphore, #tpu.memory_space<semaphore_mem>>) src(%dma_wait3A_34 : memref<640x128xf32, #tpu.memory_space<vmem_shared>>) dst(%dma_wait3A_32 : memref<640x128xf32, #tpu.memory_space<hbm>>)
        tpu.yield
      }) : () -> ()
    } else {
    }
    return
  }
}

#map = affine_map<(d0, d1) -> (0)>
#map1 = affine_map<(d0, d1) -> (0, 0)>
module attributes {stable_mosaic.version = 14 : i64} {
  func.func @_deg_kernel(%arg0: i32, %arg1: i32, %arg2: memref<160000xi32, #tpu.memory_space<hbm>>, %arg3: memref<32x10240xf32, #tpu.memory_space<hbm>>, %arg4: memref<5016xi32, #tpu.memory_space<vmem>>, %arg5: memref<10240xf32, #tpu.memory_space<vmem>>) attributes {dimension_semantics = [#tpu.dimension_semantics<core_parallel>, #tpu.dimension_semantics<subcore_parallel>], iteration_bounds = array<i64: 2, 16>, scalar_prefetch = 0 : i64, scratch_operands = 2 : i64, tpu.core_type = #tpu.core_type<sc_vector_subcore>, window_params = [{transform_indices = #map}, {transform_indices = #map1}]} {
    %mul3A = arith.constant 2 : i32
    %mul3A_0 = arith.muli %arg1, %mul3A : i32
    %add3A = arith.addi %mul3A_0, %arg0 : i32
    %scan3A = arith.constant 0 : i32
    %scan3A_1 = arith.constant 0 : i32
    %scan3A_2 = arith.constant 640 : i32
    %scan3A_3 = arith.addi %scan3A_1, %scan3A_2 : i32
    %scan3A_4 = arith.constant 1 : i32
    %scan3A_5 = scf.for %scan3A_27 = %scan3A_1 to %scan3A_3 step %scan3A_4 iter_args(%scan3A_28 = %scan3A) -> (i32)  : i32 {
      %broadcast_in_dim3A_29 = arith.constant 0.000000e+00 : f32
      %broadcast_in_dim3A_30 = vector.broadcast %broadcast_in_dim3A_29 : f32 to vector<16xf32>
      %mul3A_31 = arith.constant 16 : i32
      %mul3A_32 = arith.muli %scan3A_27, %mul3A_31 : i32
      %swap3A_33 = arith.index_cast %mul3A_32 : i32 to index
      %swap3A_34 = tpu.vector_load %arg5[%swap3A_33] {strides = array<i32>} : memref<10240xf32, #tpu.memory_space<vmem>>, vector<16xf32>,
      tpu.vector_store %arg5[%swap3A_33], %broadcast_in_dim3A_30 {strides = array<i32>} : memref<10240xf32, #tpu.memory_space<vmem>>, vector<16xf32>,
      %scan3A_35 = arith.constant 0 : i32
      scf.yield %scan3A_35 : i32
    }
    %scan3A_6 = arith.constant 640 : i32
    %broadcast_in_dim3A = arith.constant 0 : i32
    %broadcast_in_dim3A_7 = vector.broadcast %broadcast_in_dim3A : i32 to vector<16xi32>
    %swap3A = arith.constant 4984 : index
    %swap3A_8 = tpu.vector_load %arg4[%swap3A] {strides = array<i32>} : memref<5016xi32, #tpu.memory_space<vmem>>, vector<16xi32>,
    tpu.vector_store %arg4[%swap3A], %broadcast_in_dim3A_7 {strides = array<i32>} : memref<5016xi32, #tpu.memory_space<vmem>>, vector<16xi32>,
    %broadcast_in_dim3A_9 = arith.constant 0 : i32
    %broadcast_in_dim3A_10 = vector.broadcast %broadcast_in_dim3A_9 : i32 to vector<16xi32>
    %swap3A_11 = arith.constant 5000 : index
    %swap3A_12 = tpu.vector_load %arg4[%swap3A_11] {strides = array<i32>} : memref<5016xi32, #tpu.memory_space<vmem>>, vector<16xi32>,
    tpu.vector_store %arg4[%swap3A_11], %broadcast_in_dim3A_10 {strides = array<i32>} : memref<5016xi32, #tpu.memory_space<vmem>>, vector<16xi32>,
    %mul3A_13 = arith.constant 5000 : i32
    %mul3A_14 = arith.muli %add3A, %mul3A_13 : i32
    "tpu.region"() ({
      %run_scoped3A = tpu.sem_alloc : memref<!tpu.dma_semaphore, #tpu.memory_space<semaphore_mem>>
      %dma_start3A = arith.constant 0 : i32
      %dma_start3A_27 = tpu.memref_slice %arg4[%dma_start3A] : memref<5016xi32, #tpu.memory_space<vmem>> -> memref<5000xi32, #tpu.memory_space<vmem>>
      %dma_start3A_28 = tpu.memref_slice %arg2[%mul3A_14] : memref<160000xi32, #tpu.memory_space<hbm>> -> memref<5000xi32, #tpu.memory_space<hbm>>
      %dma_start3A_29 = arith.constant 0 : i32
      %dma_start3A_30 = tpu.memref_slice %arg4[%dma_start3A_29] : memref<5016xi32, #tpu.memory_space<vmem>> -> memref<5000xi32, #tpu.memory_space<vmem>>
      %dma_start3A_31 = tpu.memref_slice %arg2[%mul3A_14] : memref<160000xi32, #tpu.memory_space<hbm>> -> memref<5000xi32, #tpu.memory_space<hbm>>
      tpu.enqueue_dma source(%dma_start3A_31 : memref<5000xi32, #tpu.memory_space<hbm>>) target(%dma_start3A_30 : memref<5000xi32, #tpu.memory_space<vmem>>) target_semaphore(%run_scoped3A : memref<!tpu.dma_semaphore, #tpu.memory_space<semaphore_mem>>)
      %dma_wait3A = arith.constant 0 : i32
      %dma_wait3A_32 = tpu.memref_slice %arg4[%dma_wait3A] : memref<5016xi32, #tpu.memory_space<vmem>> -> memref<5000xi32, #tpu.memory_space<vmem>>
      %dma_wait3A_33 = tpu.memref_slice %arg2[%mul3A_14] : memref<160000xi32, #tpu.memory_space<hbm>> -> memref<5000xi32, #tpu.memory_space<hbm>>
      %dma_wait3A_34 = arith.constant 0 : i32
      %dma_wait3A_35 = tpu.memref_slice %arg4[%dma_wait3A_34] : memref<5016xi32, #tpu.memory_space<vmem>> -> memref<5000xi32, #tpu.memory_space<vmem>>
      %dma_wait3A_36 = tpu.memref_slice %arg2[%mul3A_14] : memref<160000xi32, #tpu.memory_space<hbm>> -> memref<5000xi32, #tpu.memory_space<hbm>>
      tpu.wait_dma2 semaphore(%run_scoped3A : memref<!tpu.dma_semaphore, #tpu.memory_space<semaphore_mem>>) src(%dma_wait3A_36 : memref<5000xi32, #tpu.memory_space<hbm>>) dst(%dma_wait3A_35 : memref<5000xi32, #tpu.memory_space<vmem>>)
      tpu.yield
    }) : () -> ()
    %broadcast_in_dim3A_15 = arith.constant 1.000000e+00 : f32
    %broadcast_in_dim3A_16 = vector.broadcast %broadcast_in_dim3A_15 : f32 to vector<16xf32>
    %scan3A_17 = arith.constant 0 : i32
    %scan3A_18 = arith.constant 0 : i32
    %scan3A_19 = arith.constant 312 : i32
    %scan3A_20 = arith.addi %scan3A_18, %scan3A_19 : i32
    %scan3A_21 = arith.constant 1 : i32
    %scan3A_22 = scf.for %scan3A_27 = %scan3A_18 to %scan3A_20 step %scan3A_21 iter_args(%scan3A_28 = %scan3A_17) -> (i32)  : i32 {
      %mul3A_29 = arith.constant 16 : i32
      %mul3A_30 = arith.muli %scan3A_27, %mul3A_29 : i32
      %get3A_31 = arith.index_cast %mul3A_30 : i32 to index
      %get3A_32 = tpu.vector_load %arg4[%get3A_31] {strides = array<i32>} : memref<5016xi32, #tpu.memory_space<vmem>>, vector<16xi32>,
      tpu.vector_store_idx %arg5[%get3A_32], %broadcast_in_dim3A_16 {add = true} : memref<10240xf32, #tpu.memory_space<vmem>>[vector<16xi32>], vector<16xf32>,
      %scan3A_33 = arith.constant 0 : i32
      scf.yield %scan3A_33 : i32
    }
    %scan3A_23 = arith.constant 312 : i32
    %get3A = arith.constant 4992 : index
    %get3A_24 = tpu.vector_load %arg4[%get3A] {strides = array<i32>} : memref<5016xi32, #tpu.memory_space<vmem>>, vector<16xi32>,
    %iota3A = tpu.iota {dimensions = array<i32: 0>} : vector<16xi32>
    %lt3A = arith.constant 8 : i32
    %lt3A_25 = vector.broadcast %lt3A : i32 to vector<16xi32>
    %lt3A_26 = arith.cmpi slt, %iota3A, %lt3A_25 : vector<16xi32>
    tpu.vector_store_idx %arg5[%get3A_24], %broadcast_in_dim3A_16 masked %lt3A_26 {add = true} : memref<10240xf32, #tpu.memory_space<vmem>>[vector<16xi32>], vector<16xf32>, vector<16xi1>
    "tpu.region"() ({
      %run_scoped3A = tpu.sem_alloc : memref<!tpu.dma_semaphore, #tpu.memory_space<semaphore_mem>>
      %dma_start3A = arith.constant 0 : i32
      %dma_start3A_27 = tpu.memref_slice %arg3[%add3A, %dma_start3A] : memref<32x10240xf32, #tpu.memory_space<hbm>> -> memref<1x10240xf32, #tpu.memory_space<hbm>>
      %dma_start3A_28 = tpu.memref_squeeze %dma_start3A_27 : memref<1x10240xf32, #tpu.memory_space<hbm>> -> memref<10240xf32, #tpu.memory_space<hbm>>
      %dma_start3A_29 = arith.constant 0 : i32
      %dma_start3A_30 = tpu.memref_slice %arg3[%add3A, %dma_start3A_29] : memref<32x10240xf32, #tpu.memory_space<hbm>> -> memref<1x10240xf32, #tpu.memory_space<hbm>>
      %dma_start3A_31 = tpu.memref_squeeze %dma_start3A_30 : memref<1x10240xf32, #tpu.memory_space<hbm>> -> memref<10240xf32, #tpu.memory_space<hbm>>
      tpu.enqueue_dma source(%arg5 : memref<10240xf32, #tpu.memory_space<vmem>>) target(%dma_start3A_31 : memref<10240xf32, #tpu.memory_space<hbm>>) target_semaphore(%run_scoped3A : memref<!tpu.dma_semaphore, #tpu.memory_space<semaphore_mem>>)
      %dma_wait3A = arith.constant 0 : i32
      %dma_wait3A_32 = tpu.memref_slice %arg3[%add3A, %dma_wait3A] : memref<32x10240xf32, #tpu.memory_space<hbm>> -> memref<1x10240xf32, #tpu.memory_space<hbm>>
      %dma_wait3A_33 = tpu.memref_squeeze %dma_wait3A_32 : memref<1x10240xf32, #tpu.memory_space<hbm>> -> memref<10240xf32, #tpu.memory_space<hbm>>
      %dma_wait3A_34 = arith.constant 0 : i32
      %dma_wait3A_35 = tpu.memref_slice %arg3[%add3A, %dma_wait3A_34] : memref<32x10240xf32, #tpu.memory_space<hbm>> -> memref<1x10240xf32, #tpu.memory_space<hbm>>
      %dma_wait3A_36 = tpu.memref_squeeze %dma_wait3A_35 : memref<1x10240xf32, #tpu.memory_space<hbm>> -> memref<10240xf32, #tpu.memory_space<hbm>>
      tpu.wait_dma2 semaphore(%run_scoped3A : memref<!tpu.dma_semaphore, #tpu.memory_space<semaphore_mem>>) src(%arg5 : memref<10240xf32, #tpu.memory_space<vmem>>) dst(%dma_wait3A_36 : memref<10240xf32, #tpu.memory_space<hbm>>)
      tpu.yield
    }) : () -> ()
    return
  }
}

module attributes {stable_mosaic.version = 14 : i64} {
  func.func @_tc1_body(%arg0: i32, %arg1: memref<512x256xf32, #tpu.memory_space<vmem>>, %arg2: memref<256x256xf32, #tpu.memory_space<vmem>>, %arg3: memref<32x512xf32, #tpu.memory_space<vmem>>, %arg4: memref<512x128xf32, #tpu.memory_space<vmem>>, %arg5: memref<512x128xf32, #tpu.memory_space<vmem>>, %arg6: memref<512x1xf32, #tpu.memory_space<vmem>>) attributes {dimension_semantics = [#tpu.dimension_semantics<arbitrary>], iteration_bounds = array<i64: 20>, scalar_prefetch = 0 : i64, scratch_operands = 0 : i64, tpu.core_type = #tpu.core_type<tc>, window_params = [{transform_indices = @transform_0, window_bounds = array<i64: 512, 256>}, {pipeline_mode = #tpu.pipeline_mode<synchronous>, transform_indices = @transform_1, window_bounds = array<i64: 256, 256>}, {transform_indices = @transform_2, window_bounds = array<i64: 32, 512>}, {transform_indices = @transform_3, window_bounds = array<i64: 512, 128>}, {transform_indices = @transform_4, window_bounds = array<i64: 512, 128>}, {transform_indices = @transform_5, window_bounds = array<i64: 512, 1>}]} {
    %get3A = arith.constant 0 : index
    %get3A_0 = arith.constant 0 : index
    %get3A_1 = vector.load %arg3[%get3A, %get3A_0] : memref<32x512xf32, #tpu.memory_space<vmem>>, vector<32x512xf32>
    %reduce_sum3A = arith.constant dense<0.000000e+00> : vector<512xf32>
    %reduce_sum3A_2 = vector.multi_reduction <add>, %get3A_1, %reduce_sum3A [0] : vector<32x512xf32> to vector<512xf32>
    %add3A = arith.constant 1.000000e+00 : f32
    %add3A_3 = vector.broadcast %add3A : f32 to vector<512xf32>
    %add3A_4 = arith.addf %reduce_sum3A_2, %add3A_3 : vector<512xf32>
    %rsqrt3A = math.rsqrt %add3A_4 : vector<512xf32>
    %get3A_5 = arith.constant 0 : index
    %get3A_6 = arith.constant 0 : index
    %get3A_7 = vector.load %arg1[%get3A_5, %get3A_6] : memref<512x256xf32, #tpu.memory_space<vmem>>, vector<512x256xf32>
    %get3A_8 = arith.constant 0 : index
    %get3A_9 = arith.constant 0 : index
    %get3A_10 = vector.load %arg2[%get3A_8, %get3A_9] : memref<256x256xf32, #tpu.memory_space<vmem>>, vector<256x256xf32>
    %dot_general3A = arith.constant dense<0.000000e+00> : vector<512x256xf32>
    %dot_general3A_11 = tpu.matmul %get3A_7, %get3A_10, %dot_general3A {dimension_numbers = #tpu.dot_dimension_numbers<[1], [0], [0], [1], [0, 0, 1, 1], [], []>, transpose_lhs_hint = false} : vector<512x256xf32>, vector<256x256xf32>, vector<512x256xf32> -> vector<512x256xf32>
    %mul3A = arith.constant 512 : i32
    %mul3A_12 = arith.muli %arg0, %mul3A : i32
    %iota3A = tpu.iota {dimensions = array<i32: 0>} : vector<512x1xi32>
    %add3A_13 = vector.broadcast %mul3A_12 : i32 to vector<512x1xi32>
    %add3A_14 = arith.addi %add3A_13, %iota3A : vector<512x1xi32>
    %lt3A = arith.constant 10000 : i32
    %lt3A_15 = vector.broadcast %lt3A : i32 to vector<512x1xi32>
    %lt3A_16 = arith.cmpi slt, %add3A_14, %lt3A_15 : vector<512x1xi32>
    %broadcast_in_dim3A = vector.shape_cast %rsqrt3A : vector<512xf32> to vector<512x1xf32>
    %mul3A_17 = vector.broadcast %broadcast_in_dim3A : vector<512x1xf32> to vector<512x256xf32>
    %mul3A_18 = arith.mulf %dot_general3A_11, %mul3A_17 : vector<512x256xf32>
    %jit3A = arith.constant 0.000000e+00 : f32
    %broadcast_in_dim3A_19 = vector.shape_cast %lt3A_16 : vector<512x1xi1> to vector<512x1xi1>
    %broadcast_in_dim3A_20 = vector.broadcast %broadcast_in_dim3A_19 : vector<512x1xi1> to vector<512x256xi1>
    %broadcast_in_dim3A_21 = vector.broadcast %jit3A : f32 to vector<512x256xf32>
    %select_n3A = arith.select %broadcast_in_dim3A_20, %mul3A_18, %broadcast_in_dim3A_21 : vector<512x256xi1>, vector<512x256xf32>
    %slice3A = vector.extract_strided_slice %select_n3A {offsets = [0, 0], sizes = [512, 128], strides = [1, 1]} : vector<512x256xf32> to vector<512x128xf32>
    %swap3A = arith.constant 0 : index
    %swap3A_22 = arith.constant 0 : index
    %swap3A_23 = vector.load %arg4[%swap3A, %swap3A_22] : memref<512x128xf32, #tpu.memory_space<vmem>>, vector<512x128xf32>
    tpu.vector_store %arg4[%swap3A, %swap3A_22], %slice3A {strides = array<i32>} : memref<512x128xf32, #tpu.memory_space<vmem>>, vector<512x128xf32>,
    %slice3A_24 = vector.extract_strided_slice %select_n3A {offsets = [0, 128], sizes = [512, 128], strides = [1, 1]} : vector<512x256xf32> to vector<512x128xf32>
    %swap3A_25 = arith.constant 0 : index
    %swap3A_26 = arith.constant 0 : index
    %swap3A_27 = vector.load %arg5[%swap3A_25, %swap3A_26] : memref<512x128xf32, #tpu.memory_space<vmem>>, vector<512x128xf32>
    tpu.vector_store %arg5[%swap3A_25, %swap3A_26], %slice3A_24 {strides = array<i32>} : memref<512x128xf32, #tpu.memory_space<vmem>>, vector<512x128xf32>,
    %broadcast_in_dim3A_28 = vector.shape_cast %rsqrt3A : vector<512xf32> to vector<512x1xf32>
    %swap3A_29 = arith.constant 0 : index
    %swap3A_30 = arith.constant 0 : index
    %swap3A_31 = vector.load %arg6[%swap3A_29, %swap3A_30] : memref<512x1xf32, #tpu.memory_space<vmem>>, vector<512x1xf32>
    tpu.vector_store %arg6[%swap3A_29, %swap3A_30], %broadcast_in_dim3A_28 {strides = array<i32>} : memref<512x1xf32, #tpu.memory_space<vmem>>, vector<512x1xf32>,
    return
  }
  func.func @transform_0(%arg0: i32) -> (i32, i32) {
    %c0_i32 = arith.constant 0 : i32
    %c0_i32_0 = arith.constant 0 : i32
    return %arg0, %c0_i32 : i32, i32
  }
  func.func @transform_1(%arg0: i32) -> (i32, i32) {
    %c0_i32 = arith.constant 0 : i32
    %c0_i32_0 = arith.constant 0 : i32
    %c0_i32_1 = arith.constant 0 : i32
    return %c0_i32, %c0_i32_0 : i32, i32
  }
  func.func @transform_2(%arg0: i32) -> (i32, i32) {
    %c0_i32 = arith.constant 0 : i32
    %c0_i32_0 = arith.constant 0 : i32
    return %c0_i32, %arg0 : i32, i32
  }
  func.func @transform_3(%arg0: i32) -> (i32, i32) {
    %c0_i32 = arith.constant 0 : i32
    %c0_i32_0 = arith.constant 0 : i32
    return %arg0, %c0_i32 : i32, i32
  }
  func.func @transform_4(%arg0: i32) -> (i32, i32) {
    %c0_i32 = arith.constant 0 : i32
    %c0_i32_0 = arith.constant 0 : i32
    return %arg0, %c0_i32 : i32, i32
  }
  func.func @transform_5(%arg0: i32) -> (i32, i32) {
    %c0_i32 = arith.constant 0 : i32
    %c0_i32_0 = arith.constant 0 : i32
    return %arg0, %c0_i32 : i32, i32
  }
}

module attributes {stable_mosaic.version = 14 : i64} {
  func.func @_tcmid_body(%arg0: i32, %arg1: memref<512x128xf32, #tpu.memory_space<vmem>>, %arg2: memref<512x128xf32, #tpu.memory_space<vmem>>, %arg3: memref<512x1xf32, #tpu.memory_space<vmem>>, %arg4: memref<1x256xf32, #tpu.memory_space<vmem>>, %arg5: memref<1x256xf32, #tpu.memory_space<vmem>>, %arg6: memref<256x256xf32, #tpu.memory_space<vmem>>, %arg7: memref<512x128xf32, #tpu.memory_space<vmem>>, %arg8: memref<512x128xf32, #tpu.memory_space<vmem>>, %arg9: memref<2x256xf32, #tpu.memory_space<vmem>>) attributes {dimension_semantics = [#tpu.dimension_semantics<arbitrary>], iteration_bounds = array<i64: 40>, scalar_prefetch = 0 : i64, scratch_operands = 1 : i64, tpu.core_type = #tpu.core_type<tc>, window_params = [{transform_indices = @transform_0, window_bounds = array<i64: 512, 128>}, {transform_indices = @transform_1, window_bounds = array<i64: 512, 128>}, {transform_indices = @transform_2, window_bounds = array<i64: 512, 1>}, {pipeline_mode = #tpu.pipeline_mode<synchronous>, transform_indices = @transform_3, window_bounds = array<i64: 1, 256>}, {pipeline_mode = #tpu.pipeline_mode<synchronous>, transform_indices = @transform_4, window_bounds = array<i64: 1, 256>}, {pipeline_mode = #tpu.pipeline_mode<synchronous>, transform_indices = @transform_5, window_bounds = array<i64: 256, 256>}, {transform_indices = @transform_6, window_bounds = array<i64: 512, 128>}, {transform_indices = @transform_7, window_bounds = array<i64: 512, 128>}]} {
    %get3A = arith.constant 0 : index
    %get3A_0 = arith.constant 0 : index
    %get3A_1 = vector.load %arg3[%get3A, %get3A_0] : memref<512x1xf32, #tpu.memory_space<vmem>>, vector<512x1xf32>
    %get3A_2 = arith.constant 0 : index
    %get3A_3 = arith.constant 0 : index
    %get3A_4 = vector.load %arg1[%get3A_2, %get3A_3] : memref<512x128xf32, #tpu.memory_space<vmem>>, vector<512x128xf32>
    %mul3A = vector.broadcast %get3A_1 : vector<512x1xf32> to vector<512x128xf32>
    %mul3A_5 = arith.mulf %get3A_4, %mul3A : vector<512x128xf32>
    %get3A_6 = arith.constant 0 : index
    %get3A_7 = arith.constant 0 : index
    %get3A_8 = vector.load %arg2[%get3A_6, %get3A_7] : memref<512x128xf32, #tpu.memory_space<vmem>>, vector<512x128xf32>
    %mul3A_9 = vector.broadcast %get3A_1 : vector<512x1xf32> to vector<512x128xf32>
    %mul3A_10 = arith.mulf %get3A_8, %mul3A_9 : vector<512x128xf32>
    %concatenate3A = tpu.concatenate %mul3A_5, %mul3A_10 in 1 : vector<512x128xf32>, vector<512x128xf32> -> vector<512x256xf32>
    %eq3A = arith.constant 0 : i32
    %eq3A_11 = arith.cmpi eq, %arg0, %eq3A : i32
    %convert_element_type3A = arith.extui %eq3A_11 : i1 to i32
    %cond3A = arith.constant 0 : i32
    %cond3A_12 = arith.cmpi ne, %convert_element_type3A, %cond3A : i32
    scf.if %cond3A_12 {
      %broadcast_in_dim3A = arith.constant 0.000000e+00 : f32
      %broadcast_in_dim3A_21 = vector.broadcast %broadcast_in_dim3A : f32 to vector<2x256xf32>
      %swap3A = arith.constant 0 : index
      %swap3A_22 = arith.constant 0 : index
      %swap3A_23 = vector.load %arg9[%swap3A, %swap3A_22] : memref<2x256xf32, #tpu.memory_space<vmem>>, vector<2x256xf32>
      tpu.vector_store %arg9[%swap3A, %swap3A_22], %broadcast_in_dim3A_21 {strides = array<i32>} : memref<2x256xf32, #tpu.memory_space<vmem>>, vector<2x256xf32>,
    } else {
    }
    %lt3A = arith.constant 20 : i32
    %lt3A_13 = arith.cmpi slt, %arg0, %lt3A : i32
    %convert_element_type3A_14 = arith.extui %lt3A_13 : i1 to i32
    %cond3A_15 = arith.constant 0 : i32
    %cond3A_16 = arith.cmpi ne, %convert_element_type3A_14, %cond3A_15 : i32
    scf.if %cond3A_16 {
      %get3A_21 = arith.constant 0 : index
      %get3A_22 = arith.constant 0 : index
      %get3A_23 = vector.load %arg9[%get3A_21, %get3A_22] : memref<2x256xf32, #tpu.memory_space<vmem>>, vector<2x256xf32>
      %reduce_sum3A = arith.constant dense<0.000000e+00> : vector<256xf32>
      %reduce_sum3A_24 = vector.multi_reduction <add>, %concatenate3A, %reduce_sum3A [0] : vector<512x256xf32> to vector<256xf32>
      %mul3A_25 = arith.mulf %concatenate3A, %concatenate3A : vector<512x256xf32>
      %reduce_sum3A_26 = arith.constant dense<0.000000e+00> : vector<256xf32>
      %reduce_sum3A_27 = vector.multi_reduction <add>, %mul3A_25, %reduce_sum3A_26 [0] : vector<512x256xf32> to vector<256xf32>
      %stack3A = vector.shape_cast %reduce_sum3A_24 : vector<256xf32> to vector<1x256xf32>
      %stack3A_28 = vector.shape_cast %reduce_sum3A_27 : vector<256xf32> to vector<1x256xf32>
      %stack3A_29 = tpu.concatenate %stack3A, %stack3A_28 in 0 : vector<1x256xf32>, vector<1x256xf32> -> vector<2x256xf32>
      %add3A = arith.addf %get3A_23, %stack3A_29 : vector<2x256xf32>
      %swap3A = arith.constant 0 : index
      %swap3A_30 = arith.constant 0 : index
      %swap3A_31 = vector.load %arg9[%swap3A, %swap3A_30] : memref<2x256xf32, #tpu.memory_space<vmem>>, vector<2x256xf32>
      tpu.vector_store %arg9[%swap3A, %swap3A_30], %add3A {strides = array<i32>} : memref<2x256xf32, #tpu.memory_space<vmem>>, vector<2x256xf32>,
    } else {
    }
    %ge3A = arith.constant 20 : i32
    %ge3A_17 = arith.cmpi sge, %arg0, %ge3A : i32
    %convert_element_type3A_18 = arith.extui %ge3A_17 : i1 to i32
    %cond3A_19 = arith.constant 0 : i32
    %cond3A_20 = arith.cmpi ne, %convert_element_type3A_18, %cond3A_19 : i32
    scf.if %cond3A_20 {
      %get3A_21 = arith.constant 0 : index
      %get3A_22 = arith.constant 0 : index
      %get3A_23 = vector.load %arg9[%get3A_21, %get3A_22] : memref<2x256xf32, #tpu.memory_space<vmem>>, vector<1x256xf32>
      %mul3A_24 = arith.constant 9.99999974E-5 : f32
      %mul3A_25 = vector.broadcast %mul3A_24 : f32 to vector<1x256xf32>
      %mul3A_26 = arith.mulf %get3A_23, %mul3A_25 : vector<1x256xf32>
      %get3A_27 = arith.constant 1 : index
      %get3A_28 = arith.constant 0 : index
      %get3A_29 = vector.load %arg9[%get3A_27, %get3A_28] : memref<2x256xf32, #tpu.memory_space<vmem>>, vector<1x256xf32>
      %mul3A_30 = arith.constant 9.99999974E-5 : f32
      %mul3A_31 = vector.broadcast %mul3A_30 : f32 to vector<1x256xf32>
      %mul3A_32 = arith.mulf %get3A_29, %mul3A_31 : vector<1x256xf32>
      %mul3A_33 = arith.mulf %mul3A_26, %mul3A_26 : vector<1x256xf32>
      %sub3A = arith.subf %mul3A_32, %mul3A_33 : vector<1x256xf32>
      %sub3A_34 = vector.broadcast %mul3A_26 : vector<1x256xf32> to vector<512x256xf32>
      %sub3A_35 = arith.subf %concatenate3A, %sub3A_34 : vector<512x256xf32>
      %add3A = arith.constant 9.99999974E-6 : f32
      %add3A_36 = vector.broadcast %add3A : f32 to vector<1x256xf32>
      %add3A_37 = arith.addf %sub3A, %add3A_36 : vector<1x256xf32>
      %rsqrt3A = math.rsqrt %add3A_37 : vector<1x256xf32>
      %mul3A_38 = vector.broadcast %rsqrt3A : vector<1x256xf32> to vector<512x256xf32>
      %mul3A_39 = arith.mulf %sub3A_35, %mul3A_38 : vector<512x256xf32>
      %get3A_40 = arith.constant 0 : index
      %get3A_41 = arith.constant 0 : index
      %get3A_42 = vector.load %arg4[%get3A_40, %get3A_41] : memref<1x256xf32, #tpu.memory_space<vmem>>, vector<1x256xf32>
      %mul3A_43 = vector.broadcast %get3A_42 : vector<1x256xf32> to vector<512x256xf32>
      %mul3A_44 = arith.mulf %mul3A_39, %mul3A_43 : vector<512x256xf32>
      %get3A_45 = arith.constant 0 : index
      %get3A_46 = arith.constant 0 : index
      %get3A_47 = vector.load %arg5[%get3A_45, %get3A_46] : memref<1x256xf32, #tpu.memory_space<vmem>>, vector<1x256xf32>
      %add3A_48 = vector.broadcast %get3A_47 : vector<1x256xf32> to vector<512x256xf32>
      %add3A_49 = arith.addf %mul3A_44, %add3A_48 : vector<512x256xf32>
      %max3A = arith.constant 0.000000e+00 : f32
      %max3A_50 = vector.broadcast %max3A : f32 to vector<512x256xf32>
      %max3A_51 = arith.maximumf %add3A_49, %max3A_50 : vector<512x256xf32>
      %get3A_52 = arith.constant 0 : index
      %get3A_53 = arith.constant 0 : index
      %get3A_54 = vector.load %arg6[%get3A_52, %get3A_53] : memref<256x256xf32, #tpu.memory_space<vmem>>, vector<256x256xf32>
      %dot_general3A = arith.constant dense<0.000000e+00> : vector<512x256xf32>
      %dot_general3A_55 = tpu.matmul %max3A_51, %get3A_54, %dot_general3A {dimension_numbers = #tpu.dot_dimension_numbers<[1], [0], [0], [1], [0, 0, 1, 1], [], []>, transpose_lhs_hint = false} : vector<512x256xf32>, vector<256x256xf32>, vector<512x256xf32> -> vector<512x256xf32>
      %sub3A_56 = arith.constant 20 : i32
      %sub3A_57 = arith.subi %arg0, %sub3A_56 : i32
      %mul3A_58 = arith.constant 512 : i32
      %mul3A_59 = arith.muli %sub3A_57, %mul3A_58 : i32
      %iota3A = tpu.iota {dimensions = array<i32: 0>} : vector<512x1xi32>
      %add3A_60 = vector.broadcast %mul3A_59 : i32 to vector<512x1xi32>
      %add3A_61 = arith.addi %add3A_60, %iota3A : vector<512x1xi32>
      %lt3A_62 = arith.constant 10000 : i32
      %lt3A_63 = vector.broadcast %lt3A_62 : i32 to vector<512x1xi32>
      %lt3A_64 = arith.cmpi slt, %add3A_61, %lt3A_63 : vector<512x1xi32>
      %mul3A_65 = vector.broadcast %get3A_1 : vector<512x1xf32> to vector<512x256xf32>
      %mul3A_66 = arith.mulf %dot_general3A_55, %mul3A_65 : vector<512x256xf32>
      %jit3A = arith.constant 0.000000e+00 : f32
      %broadcast_in_dim3A = vector.shape_cast %lt3A_64 : vector<512x1xi1> to vector<512x1xi1>
      %broadcast_in_dim3A_67 = vector.broadcast %broadcast_in_dim3A : vector<512x1xi1> to vector<512x256xi1>
      %broadcast_in_dim3A_68 = vector.broadcast %jit3A : f32 to vector<512x256xf32>
      %select_n3A = arith.select %broadcast_in_dim3A_67, %mul3A_66, %broadcast_in_dim3A_68 : vector<512x256xi1>, vector<512x256xf32>
      %slice3A = vector.extract_strided_slice %select_n3A {offsets = [0, 0], sizes = [512, 128], strides = [1, 1]} : vector<512x256xf32> to vector<512x128xf32>
      %swap3A = arith.constant 0 : index
      %swap3A_69 = arith.constant 0 : index
      %swap3A_70 = vector.load %arg7[%swap3A, %swap3A_69] : memref<512x128xf32, #tpu.memory_space<vmem>>, vector<512x128xf32>
      tpu.vector_store %arg7[%swap3A, %swap3A_69], %slice3A {strides = array<i32>} : memref<512x128xf32, #tpu.memory_space<vmem>>, vector<512x128xf32>,
      %slice3A_71 = vector.extract_strided_slice %select_n3A {offsets = [0, 128], sizes = [512, 128], strides = [1, 1]} : vector<512x256xf32> to vector<512x128xf32>
      %swap3A_72 = arith.constant 0 : index
      %swap3A_73 = arith.constant 0 : index
      %swap3A_74 = vector.load %arg8[%swap3A_72, %swap3A_73] : memref<512x128xf32, #tpu.memory_space<vmem>>, vector<512x128xf32>
      tpu.vector_store %arg8[%swap3A_72, %swap3A_73], %slice3A_71 {strides = array<i32>} : memref<512x128xf32, #tpu.memory_space<vmem>>, vector<512x128xf32>,
    } else {
    }
    return
  }
  func.func @transform_0(%arg0: i32) -> (i32, i32) {
    %rem3A = arith.constant 20 : i32
    %rem3A_0 = arith.remsi %arg0, %rem3A : i32
    %c0_i32 = arith.constant 0 : i32
    %c0_i32_1 = arith.constant 0 : i32
    return %rem3A_0, %c0_i32 : i32, i32
  }
  func.func @transform_1(%arg0: i32) -> (i32, i32) {
    %rem3A = arith.constant 20 : i32
    %rem3A_0 = arith.remsi %arg0, %rem3A : i32
    %c0_i32 = arith.constant 0 : i32
    %c0_i32_1 = arith.constant 0 : i32
    return %rem3A_0, %c0_i32 : i32, i32
  }
  func.func @transform_2(%arg0: i32) -> (i32, i32) {
    %rem3A = arith.constant 20 : i32
    %rem3A_0 = arith.remsi %arg0, %rem3A : i32
    %c0_i32 = arith.constant 0 : i32
    %c0_i32_1 = arith.constant 0 : i32
    return %rem3A_0, %c0_i32 : i32, i32
  }
  func.func @transform_3(%arg0: i32) -> (i32, i32) {
    %c0_i32 = arith.constant 0 : i32
    %c0_i32_0 = arith.constant 0 : i32
    %c0_i32_1 = arith.constant 0 : i32
    return %c0_i32, %c0_i32_0 : i32, i32
  }
  func.func @transform_4(%arg0: i32) -> (i32, i32) {
    %c0_i32 = arith.constant 0 : i32
    %c0_i32_0 = arith.constant 0 : i32
    %c0_i32_1 = arith.constant 0 : i32
    return %c0_i32, %c0_i32_0 : i32, i32
  }
  func.func @transform_5(%arg0: i32) -> (i32, i32) {
    %c0_i32 = arith.constant 0 : i32
    %c0_i32_0 = arith.constant 0 : i32
    %c0_i32_1 = arith.constant 0 : i32
    return %c0_i32, %c0_i32_0 : i32, i32
  }
  func.func @transform_6(%arg0: i32) -> (i32, i32) {
    %sub3A = arith.constant 20 : i32
    %sub3A_0 = arith.subi %arg0, %sub3A : i32
    %max3A = arith.constant 0 : i32
    %max3A_1 = arith.maxsi %sub3A_0, %max3A : i32
    %c0_i32 = arith.constant 0 : i32
    %c0_i32_2 = arith.constant 0 : i32
    return %max3A_1, %c0_i32 : i32, i32
  }
  func.func @transform_7(%arg0: i32) -> (i32, i32) {
    %sub3A = arith.constant 20 : i32
    %sub3A_0 = arith.subi %arg0, %sub3A : i32
    %max3A = arith.constant 0 : i32
    %max3A_1 = arith.maxsi %sub3A_0, %max3A : i32
    %c0_i32 = arith.constant 0 : i32
    %c0_i32_2 = arith.constant 0 : i32
    return %max3A_1, %c0_i32 : i32, i32
  }
}

module attributes {stable_mosaic.version = 14 : i64} {
  func.func @_tcfin_body(%arg0: i32, %arg1: memref<512x128xf32, #tpu.memory_space<vmem>>, %arg2: memref<512x128xf32, #tpu.memory_space<vmem>>, %arg3: memref<512x1xf32, #tpu.memory_space<vmem>>, %arg4: memref<1x256xf32, #tpu.memory_space<vmem>>, %arg5: memref<1x256xf32, #tpu.memory_space<vmem>>, %arg6: memref<512x256xf32, #tpu.memory_space<vmem>>, %arg7: memref<2x256xf32, #tpu.memory_space<vmem>>) attributes {dimension_semantics = [#tpu.dimension_semantics<arbitrary>], iteration_bounds = array<i64: 40>, scalar_prefetch = 0 : i64, scratch_operands = 1 : i64, tpu.core_type = #tpu.core_type<tc>, window_params = [{transform_indices = @transform_0, window_bounds = array<i64: 512, 128>}, {transform_indices = @transform_1, window_bounds = array<i64: 512, 128>}, {transform_indices = @transform_2, window_bounds = array<i64: 512, 1>}, {pipeline_mode = #tpu.pipeline_mode<synchronous>, transform_indices = @transform_3, window_bounds = array<i64: 1, 256>}, {pipeline_mode = #tpu.pipeline_mode<synchronous>, transform_indices = @transform_4, window_bounds = array<i64: 1, 256>}, {transform_indices = @transform_5, window_bounds = array<i64: 512, 256>}]} {
    %get3A = arith.constant 0 : index
    %get3A_0 = arith.constant 0 : index
    %get3A_1 = vector.load %arg3[%get3A, %get3A_0] : memref<512x1xf32, #tpu.memory_space<vmem>>, vector<512x1xf32>
    %get3A_2 = arith.constant 0 : index
    %get3A_3 = arith.constant 0 : index
    %get3A_4 = vector.load %arg1[%get3A_2, %get3A_3] : memref<512x128xf32, #tpu.memory_space<vmem>>, vector<512x128xf32>
    %mul3A = vector.broadcast %get3A_1 : vector<512x1xf32> to vector<512x128xf32>
    %mul3A_5 = arith.mulf %get3A_4, %mul3A : vector<512x128xf32>
    %get3A_6 = arith.constant 0 : index
    %get3A_7 = arith.constant 0 : index
    %get3A_8 = vector.load %arg2[%get3A_6, %get3A_7] : memref<512x128xf32, #tpu.memory_space<vmem>>, vector<512x128xf32>
    %mul3A_9 = vector.broadcast %get3A_1 : vector<512x1xf32> to vector<512x128xf32>
    %mul3A_10 = arith.mulf %get3A_8, %mul3A_9 : vector<512x128xf32>
    %concatenate3A = tpu.concatenate %mul3A_5, %mul3A_10 in 1 : vector<512x128xf32>, vector<512x128xf32> -> vector<512x256xf32>
    %eq3A = arith.constant 0 : i32
    %eq3A_11 = arith.cmpi eq, %arg0, %eq3A : i32
    %convert_element_type3A = arith.extui %eq3A_11 : i1 to i32
    %cond3A = arith.constant 0 : i32
    %cond3A_12 = arith.cmpi ne, %convert_element_type3A, %cond3A : i32
    scf.if %cond3A_12 {
      %broadcast_in_dim3A = arith.constant 0.000000e+00 : f32
      %broadcast_in_dim3A_21 = vector.broadcast %broadcast_in_dim3A : f32 to vector<2x256xf32>
      %swap3A = arith.constant 0 : index
      %swap3A_22 = arith.constant 0 : index
      %swap3A_23 = vector.load %arg7[%swap3A, %swap3A_22] : memref<2x256xf32, #tpu.memory_space<vmem>>, vector<2x256xf32>
      tpu.vector_store %arg7[%swap3A, %swap3A_22], %broadcast_in_dim3A_21 {strides = array<i32>} : memref<2x256xf32, #tpu.memory_space<vmem>>, vector<2x256xf32>,
    } else {
    }
    %lt3A = arith.constant 20 : i32
    %lt3A_13 = arith.cmpi slt, %arg0, %lt3A : i32
    %convert_element_type3A_14 = arith.extui %lt3A_13 : i1 to i32
    %cond3A_15 = arith.constant 0 : i32
    %cond3A_16 = arith.cmpi ne, %convert_element_type3A_14, %cond3A_15 : i32
    scf.if %cond3A_16 {
      %get3A_21 = arith.constant 0 : index
      %get3A_22 = arith.constant 0 : index
      %get3A_23 = vector.load %arg7[%get3A_21, %get3A_22] : memref<2x256xf32, #tpu.memory_space<vmem>>, vector<2x256xf32>
      %reduce_sum3A = arith.constant dense<0.000000e+00> : vector<256xf32>
      %reduce_sum3A_24 = vector.multi_reduction <add>, %concatenate3A, %reduce_sum3A [0] : vector<512x256xf32> to vector<256xf32>
      %mul3A_25 = arith.mulf %concatenate3A, %concatenate3A : vector<512x256xf32>
      %reduce_sum3A_26 = arith.constant dense<0.000000e+00> : vector<256xf32>
      %reduce_sum3A_27 = vector.multi_reduction <add>, %mul3A_25, %reduce_sum3A_26 [0] : vector<512x256xf32> to vector<256xf32>
      %stack3A = vector.shape_cast %reduce_sum3A_24 : vector<256xf32> to vector<1x256xf32>
      %stack3A_28 = vector.shape_cast %reduce_sum3A_27 : vector<256xf32> to vector<1x256xf32>
      %stack3A_29 = tpu.concatenate %stack3A, %stack3A_28 in 0 : vector<1x256xf32>, vector<1x256xf32> -> vector<2x256xf32>
      %add3A = arith.addf %get3A_23, %stack3A_29 : vector<2x256xf32>
      %swap3A = arith.constant 0 : index
      %swap3A_30 = arith.constant 0 : index
      %swap3A_31 = vector.load %arg7[%swap3A, %swap3A_30] : memref<2x256xf32, #tpu.memory_space<vmem>>, vector<2x256xf32>
      tpu.vector_store %arg7[%swap3A, %swap3A_30], %add3A {strides = array<i32>} : memref<2x256xf32, #tpu.memory_space<vmem>>, vector<2x256xf32>,
    } else {
    }
    %ge3A = arith.constant 20 : i32
    %ge3A_17 = arith.cmpi sge, %arg0, %ge3A : i32
    %convert_element_type3A_18 = arith.extui %ge3A_17 : i1 to i32
    %cond3A_19 = arith.constant 0 : i32
    %cond3A_20 = arith.cmpi ne, %convert_element_type3A_18, %cond3A_19 : i32
    scf.if %cond3A_20 {
      %get3A_21 = arith.constant 0 : index
      %get3A_22 = arith.constant 0 : index
      %get3A_23 = vector.load %arg7[%get3A_21, %get3A_22] : memref<2x256xf32, #tpu.memory_space<vmem>>, vector<1x256xf32>
      %mul3A_24 = arith.constant 9.99999974E-5 : f32
      %mul3A_25 = vector.broadcast %mul3A_24 : f32 to vector<1x256xf32>
      %mul3A_26 = arith.mulf %get3A_23, %mul3A_25 : vector<1x256xf32>
      %get3A_27 = arith.constant 1 : index
      %get3A_28 = arith.constant 0 : index
      %get3A_29 = vector.load %arg7[%get3A_27, %get3A_28] : memref<2x256xf32, #tpu.memory_space<vmem>>, vector<1x256xf32>
      %mul3A_30 = arith.constant 9.99999974E-5 : f32
      %mul3A_31 = vector.broadcast %mul3A_30 : f32 to vector<1x256xf32>
      %mul3A_32 = arith.mulf %get3A_29, %mul3A_31 : vector<1x256xf32>
      %mul3A_33 = arith.mulf %mul3A_26, %mul3A_26 : vector<1x256xf32>
      %sub3A = arith.subf %mul3A_32, %mul3A_33 : vector<1x256xf32>
      %sub3A_34 = vector.broadcast %mul3A_26 : vector<1x256xf32> to vector<512x256xf32>
      %sub3A_35 = arith.subf %concatenate3A, %sub3A_34 : vector<512x256xf32>
      %add3A = arith.constant 9.99999974E-6 : f32
      %add3A_36 = vector.broadcast %add3A : f32 to vector<1x256xf32>
      %add3A_37 = arith.addf %sub3A, %add3A_36 : vector<1x256xf32>
      %rsqrt3A = math.rsqrt %add3A_37 : vector<1x256xf32>
      %mul3A_38 = vector.broadcast %rsqrt3A : vector<1x256xf32> to vector<512x256xf32>
      %mul3A_39 = arith.mulf %sub3A_35, %mul3A_38 : vector<512x256xf32>
      %get3A_40 = arith.constant 0 : index
      %get3A_41 = arith.constant 0 : index
      %get3A_42 = vector.load %arg4[%get3A_40, %get3A_41] : memref<1x256xf32, #tpu.memory_space<vmem>>, vector<1x256xf32>
      %mul3A_43 = vector.broadcast %get3A_42 : vector<1x256xf32> to vector<512x256xf32>
      %mul3A_44 = arith.mulf %mul3A_39, %mul3A_43 : vector<512x256xf32>
      %get3A_45 = arith.constant 0 : index
      %get3A_46 = arith.constant 0 : index
      %get3A_47 = vector.load %arg5[%get3A_45, %get3A_46] : memref<1x256xf32, #tpu.memory_space<vmem>>, vector<1x256xf32>
      %add3A_48 = vector.broadcast %get3A_47 : vector<1x256xf32> to vector<512x256xf32>
      %add3A_49 = arith.addf %mul3A_44, %add3A_48 : vector<512x256xf32>
      %max3A = arith.constant 0.000000e+00 : f32
      %max3A_50 = vector.broadcast %max3A : f32 to vector<512x256xf32>
      %max3A_51 = arith.maximumf %add3A_49, %max3A_50 : vector<512x256xf32>
      %swap3A = arith.constant 0 : index
      %swap3A_52 = arith.constant 0 : index
      %swap3A_53 = vector.load %arg6[%swap3A, %swap3A_52] : memref<512x256xf32, #tpu.memory_space<vmem>>, vector<512x256xf32>
      tpu.vector_store %arg6[%swap3A, %swap3A_52], %max3A_51 {strides = array<i32>} : memref<512x256xf32, #tpu.memory_space<vmem>>, vector<512x256xf32>,
    } else {
    }
    return
  }
  func.func @transform_0(%arg0: i32) -> (i32, i32) {
    %rem3A = arith.constant 20 : i32
    %rem3A_0 = arith.remsi %arg0, %rem3A : i32
    %c0_i32 = arith.constant 0 : i32
    %c0_i32_1 = arith.constant 0 : i32
    return %rem3A_0, %c0_i32 : i32, i32
  }
  func.func @transform_1(%arg0: i32) -> (i32, i32) {
    %rem3A = arith.constant 20 : i32
    %rem3A_0 = arith.remsi %arg0, %rem3A : i32
    %c0_i32 = arith.constant 0 : i32
    %c0_i32_1 = arith.constant 0 : i32
    return %rem3A_0, %c0_i32 : i32, i32
  }
  func.func @transform_2(%arg0: i32) -> (i32, i32) {
    %rem3A = arith.constant 20 : i32
    %rem3A_0 = arith.remsi %arg0, %rem3A : i32
    %c0_i32 = arith.constant 0 : i32
    %c0_i32_1 = arith.constant 0 : i32
    return %rem3A_0, %c0_i32 : i32, i32
  }
  func.func @transform_3(%arg0: i32) -> (i32, i32) {
    %c0_i32 = arith.constant 0 : i32
    %c0_i32_0 = arith.constant 0 : i32
    %c0_i32_1 = arith.constant 0 : i32
    return %c0_i32, %c0_i32_0 : i32, i32
  }
  func.func @transform_4(%arg0: i32) -> (i32, i32) {
    %c0_i32 = arith.constant 0 : i32
    %c0_i32_0 = arith.constant 0 : i32
    %c0_i32_1 = arith.constant 0 : i32
    return %c0_i32, %c0_i32_0 : i32, i32
  }
  func.func @transform_5(%arg0: i32) -> (i32, i32) {
    %sub3A = arith.constant 20 : i32
    %sub3A_0 = arith.subi %arg0, %sub3A : i32
    %max3A = arith.constant 0 : i32
    %max3A_1 = arith.maxsi %sub3A_0, %max3A : i32
    %c0_i32 = arith.constant 0 : i32
    %c0_i32_2 = arith.constant 0 : i32
    return %max3A_1, %c0_i32 : i32, i32
  }
}

</mosaic_0001>

<sc_bundles>
// kernel: kernel.11.cloned.1.call-start
scs
__scs_entry_jumppad:
0x0: {  	(pc) =	sbr.rel $0x88, $3  }
0x1: {  	(tag) =	ssettag $0x0;
	lr =	simm.s32 $0x1  }
0x2: {  	[smem:$0x3F99] =	sst lr;
	_ =	strace $0xD0000000  }
0x3: {  	_ = 	snop  }
0x4: {  	_ = 	snop  }
0x5: {  	_ = 	snop  }
0x6: {  	_ = 	snop  }
0x7: {  	_ = 	snop  }
__scs_overlays_trampoline_lowered:
0x8: {  	[smem:$0x3FA8] =	sst s0  }
0x9: {  	[smem:$0x3FA9] =	sst s1  }
0xa: {  	[smem:$0x3FAA] =	sst s2  }
0xb: {  	[smem:$0x3FAB] =	sst s3  }
0xc: {  	[smem:$0x3FAC] =	sst s4  }
0xd: {  	[smem:$0x3FAD] =	sst s5  }
0xe: {  	[smem:$0x3FAE] =	sst s6  }
0xf: {  	[smem:$0x3FAF] =	sst s7  }
0x10: {  	[smem:$0x3FB0] =	sst s8  }
0x11: {  	[smem:$0x3FB1] =	sst s9;
	s0 =	simm.s32 @!p0 $0x0  }
0x12: {  	s1 =	sld [smem:$0x3F97];
	s0 =	simm.s32 @p0 $0x1  }
0x13: {  	[smem:$0x3FB2] =	sst s0;
	s0 =	simm.s32 @!p1 $0x0  }
0x14: {  	s2 =	sld [smem:$0x3F96];
	s0 =	simm.s32 @p1 $0x1  }
0x15: {  	[smem:$0x3FB3] =	sst s0;
	s0 =	simm.s32 @!p2 $0x0  }
0x16: {  	s3 =	sld [smem:$0x3FDB];
	s0 =	simm.s32 @p2 $0x1  }
0x17: {  	s4 =	simm.s32 $0x1BF5;
	[smem:$0x3FB5] =	sst s0  }
0x18: {  	s0 =	sld [smem:$0x3F98];
	_ =	swait.ge [sflag:s4], $0x0  }
0x19: {  	s7 =	sld [smem:$0x3F99]  }
0x1a: {  	s8 =	sadd.s32 $0xFFFFE003, lr  }
0x1b: {  	s9 =	sadd.s32 $0xFFFFFEF7, lr;
	s5 =	simm.s32 $0xFFFFFFFF;
	p2 =	slt.u32 s8, $0xFFFFF086  }
0x1c: {  	p1 =	slt.u32 s9, $0xF7A;
	s5 =	simm.s32 @!p2 $0x0  }
0x1d: {  	s5 =	simm.s32 @p1 $0x1;
	p0 =	seq.s32 s7, s2  }
0x1e: {  	s7 =	smul.u32 @!p0 $0xF7A, s2;
	p2 =	seq.s32 @!p0 s5, $0x0  }
0x1f: {  	s9 =	smul.u32 $0xF7A, s1;
	s8 =	simm.s32 @!p0 $0x1BF5;
	p2 =	por !p2, p0  }
0x20: {  	[sflag:s8] =	ssyncset.s32 @!p0 $0xFFFFF086;
	s6 =	sadd.s32 @!p0 s3, s7;
	s7 =	simm.s32 @!p0 $0x108  }
0x21: {  	s3 =	sadd.s32 s3, s9;
	s6 =	sadd.s32 @!p0 $0x88, s6;
	s7 =	simm.s32 @p2 $0x1082  }
0x22: {  	[simem:s7], [sflag:s8] =	dma.local @!p0 [hbm:s6], $0xF7A  }
0x23: {  	s9 =	sor.u32 $0xD0000000, s2;
	s6 =	simm.s32 $0x108;
	_ =	swait.ge @!p0 [sflag:s8], $0x0  }
0x24: {  	s3 =	sadd.s32 $0x88, s3;
	s6 =	simm.s32 @!p1 $0x1082;
	[sflag:s4] =	ssyncset.s32 $0xFFFFF086  }
0x25: {  	[simem:s6], [sflag:s4] =	dma.local [hbm:s3], $0xF7A  }
0x26: {  	[smem:$0x3F99] =	sst s1;
	(tag) =	ssettag s2;
	_ =	strace s9  }
0x27: {  	s1 =	sld [smem:$0x3FA9]  }
0x28: {  	s2 =	sld [smem:$0x3FAA]  }
0x29: {  	s4 =	sld [smem:$0x3FAC]  }
0x2a: {  	p0 =	seq.s32 s5, $0x0;
	s5 =	sld [smem:$0x3FAD]  }
0x2b: {  	s6 =	sld [smem:$0x3FAE]  }
0x2c: {  	s7 =	sld [smem:$0x3FAF]  }
0x2d: {  	s3 =	simm.s32 $0x108;
	s8 =	sld [smem:$0x3FB0]  }
0x2e: {  	s3 =	simm.s32 @!p0 $0x1082;
	s9 =	sld [smem:$0x3FB1]  }
0x2f: {  	lr =	sadd.s32 s0, s3;
	s0 =	sld [smem:$0x3FA8]  }
0x30: {  	s3 =	sld [smem:$0x3FAB]  }
0x31: {  	[smem:$0x3FB4] =	sst s10  }
0x32: {  	s10 =	sld [smem:$0x3FB2];
	_ =	sdelay $0x3  }
0x33: {  	p0 =	seq.s32 s10, $0x1;
	s10 =	sld [smem:$0x3FB4];
	_ =	sdelay $0x3  }
0x34: {  	[smem:$0x3FB4] =	sst s10  }
0x35: {  	s10 =	sld [smem:$0x3FB3];
	_ =	sdelay $0x3  }
0x36: {  	p1 =	seq.s32 s10, $0x1;
	s10 =	sld [smem:$0x3FB4];
	_ =	sdelay $0x3  }
0x37: {  	[smem:$0x3FB4] =	sst s10  }
0x38: {  	s10 =	sld [smem:$0x3FB5]  }
0x39: {  	_ = 	snop;
	(pc) =	sbr.ind lr, $3  }
0x3a: {  	_ = 	snop  }
0x3b: {  	_ = 	snop  }
0x3c: {  	p2 =	seq.s32 s10, $0x1;
	s10 =	sld [smem:$0x3FB4]  }
0x3d: {  	_ =	shalt  }
0x3e: {  	_ =	shalt  }
0x3f: {  	_ =	shalt  }
0x40: {  	_ =	shalt  }
0x41: {  	_ =	shalt  }
0x42: {  	_ =	shalt  }
0x43: {  	_ =	shalt  }
0x44: {  	_ =	shalt  }
0x45: {  	_ =	shalt  }
0x46: {  	_ =	shalt  }
0x47: {  	_ =	shalt  }
0x48: {  	_ =	shalt  }
0x49: {  	_ =	shalt  }
0x4a: {  	_ =	shalt  }
0x4b: {  	_ =	shalt  }
0x4c: {  	_ =	shalt  }
0x4d: {  	_ =	shalt  }
0x4e: {  	_ =	shalt  }
0x4f: {  	_ =	shalt  }
0x50: {  	_ =	shalt  }
0x51: {  	_ =	shalt  }
0x52: {  	_ =	shalt  }
0x53: {  	_ =	shalt  }
0x54: {  	_ =	shalt  }
0x55: {  	_ =	shalt  }
0x56: {  	_ =	shalt  }
0x57: {  	_ =	shalt  }
0x58: {  	_ =	shalt  }
0x59: {  	_ =	shalt  }
0x5a: {  	_ =	shalt  }
0x5b: {  	_ =	shalt  }
0x5c: {  	_ =	shalt  }
0x5d: {  	_ =	shalt  }
0x5e: {  	_ =	shalt  }
0x5f: {  	_ =	shalt  }
0x60: {  	_ =	shalt  }
0x61: {  	_ =	shalt  }
0x62: {  	_ =	shalt  }
0x63: {  	_ =	shalt  }
0x64: {  	_ =	shalt  }
0x65: {  	_ =	shalt  }
0x66: {  	_ =	shalt  }
0x67: {  	_ =	shalt  }
0x68: {  	_ =	shalt  }
0x69: {  	_ =	shalt  }
0x6a: {  	_ =	shalt  }
0x6b: {  	_ =	shalt  }
0x6c: {  	_ =	shalt  }
0x6d: {  	_ =	shalt  }
0x6e: {  	_ =	shalt  }
0x6f: {  	_ =	shalt  }
0x70: {  	_ =	shalt  }
0x71: {  	_ =	shalt  }
0x72: {  	_ =	shalt  }
0x73: {  	_ =	shalt  }
0x74: {  	_ =	shalt  }
0x75: {  	_ =	shalt  }
0x76: {  	_ =	shalt  }
0x77: {  	_ =	shalt  }
0x78: {  	_ =	shalt  }
0x79: {  	_ =	shalt  }
0x7a: {  	_ =	shalt  }
0x7b: {  	_ =	shalt  }
0x7c: {  	_ =	shalt  }
0x7d: {  	_ =	shalt  }
0x7e: {  	_ =	shalt  }
0x7f: {  	_ =	shalt  }
0x80: {  	_ =	shalt  }
0x81: {  	_ =	shalt  }
0x82: {  	_ =	shalt  }
0x83: {  	_ =	shalt  }
0x84: {  	_ =	shalt  }
0x85: {  	_ =	shalt  }
0x86: {  	_ =	shalt  }
0x87: {  	_ =	shalt  }
.Lfunc_end0:
.L_simem_size_0:
called_computation.1_lowered:
.L_overlay_start_0:
0x88: {  	s2 =	sld [smem:$0x3FD9]  }
0x89: {  	s3 =	sld [smem:$0x3FFE];
	_ =	sdelay $0x1  }
0x8a: {  	s1 =	srdreg.scid  }
0x8b: {  	s0 =	sand.u32 $0x1, s1  }
0x8c: {  	s17 =	sshll.u32 s0, $0xA;
	s2 =	sadd.s32 s3, s2  }
0x8d: {  	s2 =	sadd.s32 s2, s17  }
0x8e: {  	[smem:$0x3FC0] =	sst s2  }
0x8f: {  	_ = 	snop  }
0x90: {  	s2 =	sld [smem:$0x3FD0];
	(tm) =	ssettm $0x1  }
0x91: {  	s18 =	sld [smem:$0x3FFB];
	_ =	sdelay $0x3  }
0x92: {  	_ =	strace s18  }
0x93: {  	s3 =	sld [smem:$0x3FFC];
	_ =	sdelay $0x3  }
0x94: {  	_ =	strace s3  }
0x95: {  	s3 =	sld [smem:$0x3FFD];
	_ =	sdelay $0x3  }
0x96: {  	_ =	strace s3  }
0x97: {  	_ =	strace $0x8FFFFFFF  }
0x98: {  	s19 =	sld [smem:$0x3FDB];
	_ =	sdelay $0x1  }
0x99: {  	s4 =	simm.s32 $_scs_section_size  }
0x9a: {  	s5 =	simm.s32 $_size__tile_overlayer_lowered;
	s6 =	simm.s32 $_tile_overlayer_lowered  }
0x9b: {  	s22 =	simm.s32 $0x1BFF;
	s21 =	sshll.u32 s6, $0x1;
	s3 =	sadd.s32 s4, s19  }
0x9c: {  	s7 =	simm.s32 $0x0;
	s20 =	sshll.u32 s5, $0x1;
	s5 =	sadd.s32 s21, s3  }
0x9d: {  	[timem:s7], [sflag:s22] =	dma.local [hbm:s5], s20  }
0x9e: {  	_ =	swait.ge [sflag:s22], s20  }
0x9f: {  	s4 =	ssub.s32 $0x0, s20;
	[sflag:s22] =	ssyncset.done $0x0  }
0xa0: {  	[sflag:s22] =	ssyncadd.s32 s4;
	_ =	sdelay $0x1  }
0xa1: {  	s23 =	simm.s32 $0x1B8B  }
0xa2: {  	_ =	swait.ge [sflag:s23], $0x1  }
0xa3: {  	[sflag:s23] =	ssyncset.done $0x0  }
0xa4: {  	s25 =	simm.s32 $0x1B8E;
	s24 =	sld [smem:$0x3FFE];
	[sflag:s23] =	ssyncadd.s32 $0xFFFFFFFF  }
0xa5: {  	s26 =	simm.s32 $execute0_lowered;
	[smem:$0x3FD2] =	sst s25  }
0xa6: {  	s5 =	sshll.u32 s26, $0x1;
	_ =	strace $0x80000049;
	[dreg:$0x1] =	wrdreg $0xFFFFFFFF  }
0xa7: {  	s28 =	simm.s32 $_size_execute0_lowered;
	s3 =	sadd.s32 s3, s5;
	[dreg:$0x0] =	wrdreg $0x0  }
0xa8: {  	s5 =	sshll.u32 s28, $0x1;
	[dreg:$0x2] =	wrdreg s3  }
0xa9: {  	[dreg:$0x3] =	wrdreg s5  }
0xaa: {  	[dreg:$0x4] =	wrdreg $0xC0  }
0xab: {  	_ =	task [dreg:s7], $0x5FFFF  }
0xac: {  	[dreg:$0x1] =	wrdreg $0xFFFFFFFF  }
0xad: {  	[dreg:$0x0] =	wrdreg $0x60  }
0xae: {  	[dreg:$0x2] =	wrdreg s2  }
0xaf: {  	[dreg:$0x3] =	wrdreg s24  }
0xb0: {  	[dreg:$0x4] =	wrdreg $0x82000  }
0xb1: {  	[dreg:$0x5] =	wrdreg $0x9  }
0xb2: {  	_ =	task.clear_ibuf [dreg:s7], $0x6FFFF;
	_ =	strace $0x90000049  }
0xb3: {  	s29 =	simm.s32 $0x9;
	_ =	strace $0x8000004B  }
0xb4: {  	_ =	swait.ge [sflag:s29], $0x1  }
0xb5: {  	[sflag:s29] =	ssyncadd.s32 $0xFFFFFFFF  }
0xb6: {  	_ =	strace $0x9000004B  }
0xb7: {  	_ =	sfence  }
0xb8: {  	s30 =	sld [smem:$0x0];
	_ =	sdelay $0x2  }
0xb9: {  	s31 =	sshll.u32 s1, $0xD;
	s1 =	sshrl.u32 s1, $0x2  }
0xba: {  	s3 =	sand.u32 $0x4000, s31;
	s1 =	sadd.s32 s1, s30  }
0xbb: {  	s0 =	sor.u32 s3, s0;
	s1 =	sshll.u32 s1, $0x11  }
0xbc: {  	s0 =	sor.u32 s1, s0  }
0xbd: {  	s0 =	sadd.s32 $0x8F2B, s0  }
0xbe: {  	[sflag:s0] =	ssyncadd.remote.s32 $0x1  }
0xbf: {  	_ =	sfence.sel $0xFFFF  }
0xc0: {  	[dreg:$0x0] =	wrdreg $0xFFFFFFFF;
	(pc) =	sbr.abs _section_cstart, $3  }
0xc1: {  	[dreg:$0x1] =	wrdreg $0xFFFFFFFF  }
0xc2: {  	_ =	task.clear_ibuf [dreg:s7], $0x2FFFF;
	_ =	strace $0x9FFFFFFF  }
0xc3: {  	(tm) =	ssettm $0x7FFFFFFF  }
tec
execute0_lowered:
.L_overlay_start_1:
0x0: {  	(tag) =	ssettag $0x1  }
0x1: {  	s1 =	rddreg [dreg:$0x0]  }
0x2: {  	s6 =	rddreg [dreg:$0x1]  }
0x3: {  	s3 =	rddreg [dreg:$0x2];
	s4 =	simm.s32 $0x0  }
0x4: {  	s2 =	stileid.u32;
	s5 =	srdreg.scid;
	s17 =	simm.s32 $0x5  }
0x5: {  	s18 =	simm.s32 $0x100;
	s19 =	simm.s32 $0x1;
	s20 =	simm.s32 $0x80  }
0x6: {  	s21 =	simm.s32 $0x200;
	s22 =	simm.s32 $0x3;
	s23 =	simm.s32 $0x2  }
0x7: {  	s24 =	simm.s32 $0x4200;
	s25 =	simm.s32 $0x4;
	s26 =	simm.s32 $0x180  }
0x8: {  	s28 =	simm.s32 $0x0;
	[smem:$0x7FF] =	sst s4;
	s10 =	smul.u32 $0x2800, s2  }
0x9: {  	s7 =	sshll.u32 s2, $0x5;
	s14 =	sand.u32 $0x1, s5;
	s8 =	smul.u32 $0x50000, s2  }
0xa: {  	s5 =	sadd.s32 $0x12C00, s6;
	p1 =	slt.u32 s2, $0x2;
	p2 =	sgt.u32 s2, $0x1  }
0xb: {  	_ =	strace $0x8000004A;
	s13 =	sadd.s32 s7, s6;
	s30 =	ssub.s32 $0x2, s14  }
0xc: {  	p0 =	seq.s32 s14, $0x0;
	s14 =	sshll.u32 s2, $0x6;
	s11 =	sadd.s32 s10, s6  }
.Ltmp0:
0xd: {  	s31 =	sshrl.u32 s30, $0x1;
	s8 =	sshrl.u32 s8, $0x2;
	(pc) =	sbr.rel .LBB2_1-.Ltmp0, $4  }
0xe: {  	s6 =	sadd.s32 s5, s10;
	s7 =	sadd.s32 $0x8E00, s13;
	s10 =	sadd.s32 s1, s10  }
0xf: {  	s15 =	sor.u32 $0x1C05, s14;
	s12 =	ssub.s32 s30, s31;
	s16 =	sadd.s32 s8, s3  }
0x10: {  	s8 =	sadd.s32 $0x9000, s13;
	s9 =	sadd.s32 $0x8AC00, s11;
	s11 =	sadd.s32 $0x62C00, s11  }
0x11: {  	s13 =	sadd.s32 $0x12A00, s13;
	s12 =	smax.u32 s12, $0x1;
	s16 =	sshrl.u32 s16, $0x3  }
.LBB2_8:
0x12: {  	_ =	swait.ge [sflag:s22], $0x4000  }
0x13: {  	[sflag:s22] =	ssyncset.done $0x0  }
0x14: {  	[sflag:s22] =	ssyncadd.s32 $0xFFFFC000  }
0x15: {  	[spmem:s3] =	stream.indirect.scatter.add.f32 [tilespmem:s21], [sflag:$0x5], $0x80, s20, s20, $0xb8;
	[tilespmem:$0x1C200] =	vst v63  }
0x16: {  	_ =	swait.ge [sflag:s17], $0x4000  }
0x17: {  	[sflag:s17] =	ssyncset.done $0x0  }
0x18: {  	[sflag:s17] =	ssyncadd.s32 $0xFFFFC000  }
.LBB2_9:
0x19: {  	s28 =	sadd.s32 $0x1, s28  }
0x1a: {  	p3 =	sne.s32 s28, s12  }
.Ltmp1:
0x1b: {  	[bflag:$0x0] =	sbarrier.arrive $0xFFFF;
	(pc) =	sbr.rel @!p3 .LBB2_10-.Ltmp1, $4  }
0x1c: {  	[hbm:s30], [sflag:s29] =	dma.local [spmem:s16], $0x2800  }
0x1d: {  	_ =	swait.ge [sflag:s17], $0x2800  }
0x1e: {  	[sflag:s17] =	ssyncset.done $0x0  }
0x1f: {  	[sflag:s17] =	ssyncadd.s32 $0xFFFFD800  }
.LBB2_1:
.Ltmp2:
0x20: {  	(pc) =	sbr.rel @!p0 .LBB2_2-.Ltmp2, $1  }
0x21: {  	_ =	sdelay $0x3  }
0x22: {  	[spmem:s16], [sflag:s15] =	dma.local [hbm:s10], $0x2800  }
0x23: {  	_ =	swait.ge [sflag:s17], $0x2800  }
0x24: {  	[sflag:s17] =	ssyncset.done $0x0  }
0x25: {  	[sflag:s17] =	ssyncadd.s32 $0xFFFFD800  }
0x26: {  	[bflag:$0x0] =	sbarrier.arrive $0xFFFF  }
0x27: {  	[tilespmem:s4], [sflag:$0x1] =	stream.linear.gather [hbm4b:s7+s4], $0x100, $0x38;
	[tilespmem:$0x1C200] =	vst v63  }
0x28: {  	_ = 	snop  }
0x29: {  	[tilespmem:s18], [sflag:$0x2] =	stream.linear.gather [hbm4b:s8+s4], $0x100, $0x38;
	[tilespmem:$0x1C200] =	vst v63  }
0x2a: {  	_ =	swait.ge [sflag:s19], $0x100  }
0x2b: {  	[sflag:s19] =	ssyncset.done $0x0  }
0x2c: {  	[sflag:s19] =	ssyncadd.s32 $0xFFFFFF00  }
0x2d: {  	[tilespmem:s21], [sflag:$0x3] =	stream.indirect.gather [hbm4b:s1+s20], $0x80, s4, s20, $0xb8;
	[tilespmem:$0x1C200] =	vst v63  }
0x2e: {  	_ =	swait.ge [sflag:s22], $0x4000  }
0x2f: {  	[sflag:s22] =	ssyncset.done $0x0  }
0x30: {  	[sflag:s22] =	ssyncadd.s32 $0xFFFFC000  }
0x31: {  	_ =	swait.ge [sflag:s23], $0x100  }
0x32: {  	[sflag:s23] =	ssyncset.done $0x0  }
0x33: {  	[sflag:s23] =	ssyncadd.s32 $0xFFFFFF00  }
0x34: {  	[tilespmem:s24], [sflag:$0x4] =	stream.indirect.gather [hbm4b:s1+s20], $0x80, s18, s20, $0xb8;
	[tilespmem:$0x1C200] =	vst v63  }
0x35: {  	_ = 	snop  }
0x36: {  	[spmem:s3] =	stream.indirect.scatter.add.f32 [tilespmem:s21], [sflag:$0x5], $0x80, s20, s20, $0xb8;
	[tilespmem:$0x1C200] =	vst v63  }
0x37: {  	_ =	swait.ge [sflag:s17], $0x4000  }
0x38: {  	s30 =	sadd.s32 $0xFFFF6800, s7;
	[sflag:s17] =	ssyncset.done $0x0  }
0x39: {  	s29 =	sadd.s32 $0x9C00, s30;
	[sflag:s17] =	ssyncadd.s32 $0xFFFFC000  }
0x3a: {  	[tilespmem:s4], [sflag:$0x1] =	stream.linear.gather [hbm4b:s29+s4], $0x100, $0x38;
	[tilespmem:$0x1C200] =	vst v63  }
0x3b: {  	_ =	swait.ge [sflag:s25], $0x4000  }
0x3c: {  	[sflag:s25] =	ssyncset.done $0x0  }
0x3d: {  	[sflag:s25] =	ssyncadd.s32 $0xFFFFC000  }
0x3e: {  	_ =	swait.ge [sflag:s19], $0x100  }
0x3f: {  	[sflag:s19] =	ssyncset.done $0x0  }
0x40: {  	[sflag:s19] =	ssyncadd.s32 $0xFFFFFF00  }
0x41: {  	[tilespmem:s21], [sflag:$0x3] =	stream.indirect.gather [hbm4b:s1+s20], $0x80, s4, s20, $0xb8;
	[tilespmem:$0x1C200] =	vst v63  }
0x42: {  	_ = 	snop  }
0x43: {  	[spmem:s3] =	stream.indirect.scatter.add.f32 [tilespmem:s24], [sflag:$0x5], $0x80, s26, s20, $0xb8;
	[tilespmem:$0x1C200] =	vst v63  }
0x44: {  	_ =	swait.ge [sflag:s17], $0x4000  }
0x45: {  	[sflag:s17] =	ssyncset.done $0x0  }
0x46: {  	s30 =	sadd.s32 $0x9E00, s30;
	s29 =	simm.s32 $0xFFFF6C00;
	[sflag:s17] =	ssyncadd.s32 $0xFFFFC000  }
.LBB2_6:
0x47: {  	[tilespmem:s18], [sflag:$0x2] =	stream.linear.gather [hbm4b:s30+s4], $0x100, $0x38;
	[tilespmem:$0x1C200] =	vst v63  }
0x48: {  	s30 =	smov.u32 s29  }
0x49: {  	p3 =	sne.s32 s29, $0xFFFFFC00;
	s29 =	sadd.s32 $0x400, s29;
	_ =	swait.ge [sflag:s22], $0x4000  }
0x4a: {  	[sflag:s22] =	ssyncset.done $0x0  }
0x4b: {  	[sflag:s22] =	ssyncadd.s32 $0xFFFFC000  }
0x4c: {  	_ =	swait.ge [sflag:s23], $0x100  }
0x4d: {  	[sflag:s23] =	ssyncset.done $0x0  }
0x4e: {  	[sflag:s23] =	ssyncadd.s32 $0xFFFFFF00  }
0x4f: {  	[tilespmem:s24], [sflag:$0x4] =	stream.indirect.gather [hbm4b:s1+s20], $0x80, s18, s20, $0xb8;
	[tilespmem:$0x1C200] =	vst v63  }
0x50: {  	_ = 	snop  }
0x51: {  	[spmem:s3] =	stream.indirect.scatter.add.f32 [tilespmem:s21], [sflag:$0x5], $0x80, s20, s20, $0xb8;
	[tilespmem:$0x1C200] =	vst v63  }
0x52: {  	_ =	swait.ge [sflag:s17], $0x4000  }
0x53: {  	s30 =	sadd.s32 s30, s7;
	[sflag:s17] =	ssyncset.done $0x0  }
0x54: {  	s31 =	sadd.s32 $0x9C00, s30;
	[sflag:s17] =	ssyncadd.s32 $0xFFFFC000  }
0x55: {  	[tilespmem:s4], [sflag:$0x1] =	stream.linear.gather [hbm4b:s31+s4], $0x100, $0x38;
	[tilespmem:$0x1C200] =	vst v63  }
0x56: {  	_ =	swait.ge [sflag:s25], $0x4000  }
0x57: {  	[sflag:s25] =	ssyncset.done $0x0  }
0x58: {  	[sflag:s25] =	ssyncadd.s32 $0xFFFFC000  }
0x59: {  	_ =	swait.ge [sflag:s19], $0x100  }
0x5a: {  	[sflag:s19] =	ssyncset.done $0x0  }
0x5b: {  	[sflag:s19] =	ssyncadd.s32 $0xFFFFFF00  }
0x5c: {  	[tilespmem:s21], [sflag:$0x3] =	stream.indirect.gather [hbm4b:s1+s20], $0x80, s4, s20, $0xb8;
	[tilespmem:$0x1C200] =	vst v63  }
.Ltmp3:
0x5d: {  	(pc) =	sbr.rel @p3 .LBB2_6-.Ltmp3, $4  }
0x5e: {  	[spmem:s3] =	stream.indirect.scatter.add.f32 [tilespmem:s24], [sflag:$0x5], $0x80, s26, s20, $0xb8;
	[tilespmem:$0x1C200] =	vst v63  }
0x5f: {  	_ =	swait.ge [sflag:s17], $0x4000  }
0x60: {  	[sflag:s17] =	ssyncset.done $0x0  }
0x61: {  	s30 =	sadd.s32 $0x9E00, s30;
	[sflag:s17] =	ssyncadd.s32 $0xFFFFC000  }
0x62: {  	[tilespmem:s18], [sflag:$0x2] =	stream.linear.gather [hbm4b:s30+s4], $0x100, $0x38;
	[tilespmem:$0x1C200] =	vst v63  }
0x63: {  	_ =	swait.ge [sflag:s22], $0x4000  }
0x64: {  	[sflag:s22] =	ssyncset.done $0x0  }
0x65: {  	[sflag:s22] =	ssyncadd.s32 $0xFFFFC000  }
0x66: {  	_ =	swait.ge [sflag:s23], $0x100  }
0x67: {  	[sflag:s23] =	ssyncset.done $0x0  }
0x68: {  	[sflag:s23] =	ssyncadd.s32 $0xFFFFFF00  }
0x69: {  	[tilespmem:s24], [sflag:$0x4] =	stream.indirect.gather [hbm4b:s1+s20], $0x80, s18, s20, $0xb8;
	[tilespmem:$0x1C200] =	vst v63  }
0x6a: {  	_ = 	snop  }
0x6b: {  	[spmem:s3] =	stream.indirect.scatter.add.f32 [tilespmem:s21], [sflag:$0x5], $0x80, s20, s20, $0xb8;
	[tilespmem:$0x1C200] =	vst v63  }
0x6c: {  	_ =	swait.ge [sflag:s17], $0x4000  }
0x6d: {  	[sflag:s17] =	ssyncset.done $0x0  }
0x6e: {  	s29 =	simm.s32 @p1 $0x0;
	s30 =	simm.s32 @p1 $0x4;
	[sflag:s17] =	ssyncadd.s32 $0xFFFFC000  }
0x6f: {  	[tilespmem:s29], [sflag:$0x1] =	stream.linear.gather @p1 [hbm4b:s13+s29], $0x100, $0x38;
	[tilespmem:$0x1C200] =	vst v63  }
0x70: {  	_ =	swait.ge @p1 [sflag:s30], $0x4000  }
0x71: {  	[sflag:s30] =	ssyncset.done @p1 $0x0  }
0x72: {  	[sflag:s30] =	ssyncadd.s32 @p1 $0xFFFFC000;
	s30 =	simm.s32 @p1 $0x1  }
0x73: {  	_ =	swait.ge @p1 [sflag:s30], $0x100  }
0x74: {  	[sflag:s30] =	ssyncset.done @p1 $0x0  }
0x75: {  	s31 =	simm.s32 @p1 $0x200;
	[sflag:s30] =	ssyncadd.s32 @p1 $0xFFFFFF00;
	s30 =	simm.s32 @p1 $0x80  }
0x76: {  	[tilespmem:s31], [sflag:$0x3] =	stream.indirect.gather @p1 [hbm4b:s1+s30], $0x80, s29, s30, $0xb8;
	[tilespmem:$0x1C200] =	vst v63  }
0x77: {  	s29 =	simm.s32 @!p1 $0x4  }
0x78: {  	_ =	swait.ge @!p1 [sflag:s29], $0x4000  }
0x79: {  	[sflag:s29] =	ssyncset.done @!p1 $0x0  }
0x7a: {  	[sflag:s29] =	ssyncadd.s32 @!p1 $0xFFFFC000  }
0x7b: {  	[spmem:s3] =	stream.indirect.scatter.add.f32 [tilespmem:s24], [sflag:$0x5], $0x80, s26, s20, $0xb8;
	[tilespmem:$0x1C200] =	vst v63  }
.Ltmp4:
0x7c: {  	_ = 	snop;
	(pc) =	sbr.rel @p2 .LBB2_9-.Ltmp4, $4  }
.Ltmp5:
0x7d: {  	_ = 	snop;
	(pc) =	sbr.rel @!p2 .LBB2_8-.Ltmp5, $4  }
0x7e: {  	_ =	swait.ge [sflag:s17], $0x4000  }
0x7f: {  	[sflag:s17] =	ssyncset.done $0x0  }
0x80: {  	s30 =	smov.u32 s11;
	s29 =	smov.u32 s15;
	[sflag:s17] =	ssyncadd.s32 $0xFFFFC000  }
0x81: {  	_ = 	snop  }
.LBB2_2:
0x82: {  	s29 =	sor.u32 $0x1C05, s14  }
0x83: {  	[spmem:s16], [sflag:s29] =	dma.local [hbm:s6], $0x2800  }
0x84: {  	_ =	swait.ge [sflag:s17], $0x2800  }
0x85: {  	[sflag:s17] =	ssyncset.done $0x0  }
0x86: {  	[sflag:s17] =	ssyncadd.s32 $0xFFFFD800  }
0x87: {  	[bflag:$0x0] =	sbarrier.arrive $0xFFFF  }
0x88: {  	[tilespmem:s4], [sflag:$0x1] =	stream.linear.gather [hbm4b:s7+s4], $0x100, $0x38;
	[tilespmem:$0x1C200] =	vst v63  }
0x89: {  	_ = 	snop  }
0x8a: {  	[tilespmem:s18], [sflag:$0x2] =	stream.linear.gather [hbm4b:s8+s4], $0x100, $0x38;
	[tilespmem:$0x1C200] =	vst v63  }
0x8b: {  	_ =	swait.ge [sflag:s19], $0x100  }
0x8c: {  	[sflag:s19] =	ssyncset.done $0x0  }
0x8d: {  	[sflag:s19] =	ssyncadd.s32 $0xFFFFFF00  }
0x8e: {  	[tilespmem:s21], [sflag:$0x3] =	stream.indirect.gather [hbm4b:s5+s20], $0x80, s4, s20, $0xb8;
	[tilespmem:$0x1C200] =	vst v63  }
0x8f: {  	_ =	swait.ge [sflag:s22], $0x4000  }
0x90: {  	[sflag:s22] =	ssyncset.done $0x0  }
0x91: {  	[sflag:s22] =	ssyncadd.s32 $0xFFFFC000  }
0x92: {  	_ =	swait.ge [sflag:s23], $0x100  }
0x93: {  	[sflag:s23] =	ssyncset.done $0x0  }
0x94: {  	[sflag:s23] =	ssyncadd.s32 $0xFFFFFF00  }
0x95: {  	[tilespmem:s24], [sflag:$0x4] =	stream.indirect.gather [hbm4b:s5+s20], $0x80, s18, s20, $0xb8;
	[tilespmem:$0x1C200] =	vst v63  }
0x96: {  	_ = 	snop  }
0x97: {  	[spmem:s3] =	stream.indirect.scatter.add.f32 [tilespmem:s21], [sflag:$0x5], $0x80, s20, s20, $0xb8;
	[tilespmem:$0x1C200] =	vst v63  }
0x98: {  	_ =	swait.ge [sflag:s17], $0x4000  }
0x99: {  	s31 =	sadd.s32 $0xFFFF6800, s7;
	[sflag:s17] =	ssyncset.done $0x0  }
0x9a: {  	s30 =	sadd.s32 $0x9C00, s31;
	[sflag:s17] =	ssyncadd.s32 $0xFFFFC000  }
0x9b: {  	[tilespmem:s4], [sflag:$0x1] =	stream.linear.gather [hbm4b:s30+s4], $0x100, $0x38;
	[tilespmem:$0x1C200] =	vst v63  }
0x9c: {  	_ =	swait.ge [sflag:s25], $0x4000  }
0x9d: {  	[sflag:s25] =	ssyncset.done $0x0  }
0x9e: {  	[sflag:s25] =	ssyncadd.s32 $0xFFFFC000  }
0x9f: {  	_ =	swait.ge [sflag:s19], $0x100  }
0xa0: {  	[sflag:s19] =	ssyncset.done $0x0  }
0xa1: {  	[sflag:s19] =	ssyncadd.s32 $0xFFFFFF00  }
0xa2: {  	[tilespmem:s21], [sflag:$0x3] =	stream.indirect.gather [hbm4b:s5+s20], $0x80, s4, s20, $0xb8;
	[tilespmem:$0x1C200] =	vst v63  }
0xa3: {  	_ = 	snop  }
0xa4: {  	[spmem:s3] =	stream.indirect.scatter.add.f32 [tilespmem:s24], [sflag:$0x5], $0x80, s26, s20, $0xb8;
	[tilespmem:$0x1C200] =	vst v63  }
0xa5: {  	_ =	swait.ge [sflag:s17], $0x4000  }
0xa6: {  	[sflag:s17] =	ssyncset.done $0x0  }
0xa7: {  	s31 =	sadd.s32 $0x9E00, s31;
	s30 =	simm.s32 $0xFFFF6C00;
	[sflag:s17] =	ssyncadd.s32 $0xFFFFC000  }
.LBB2_3:
0xa8: {  	[tilespmem:s18], [sflag:$0x2] =	stream.linear.gather [hbm4b:s31+s4], $0x100, $0x38;
	[tilespmem:$0x1C200] =	vst v63  }
0xa9: {  	s31 =	smov.u32 s30  }
0xaa: {  	p3 =	sne.s32 s30, $0xFFFFFC00;
	s30 =	sadd.s32 $0x400, s30;
	_ =	swait.ge [sflag:s22], $0x4000  }
0xab: {  	[sflag:s22] =	ssyncset.done $0x0  }
0xac: {  	[sflag:s22] =	ssyncadd.s32 $0xFFFFC000  }
0xad: {  	_ =	swait.ge [sflag:s23], $0x100  }
0xae: {  	[sflag:s23] =	ssyncset.done $0x0  }
0xaf: {  	[sflag:s23] =	ssyncadd.s32 $0xFFFFFF00  }
0xb0: {  	[tilespmem:s24], [sflag:$0x4] =	stream.indirect.gather [hbm4b:s5+s20], $0x80, s18, s20, $0xb8;
	[tilespmem:$0x1C200] =	vst v63  }
0xb1: {  	_ = 	snop  }
0xb2: {  	[spmem:s3] =	stream.indirect.scatter.add.f32 [tilespmem:s21], [sflag:$0x5], $0x80, s20, s20, $0xb8;
	[tilespmem:$0x1C200] =	vst v63  }
0xb3: {  	_ =	swait.ge [sflag:s17], $0x4000  }
0xb4: {  	s31 =	sadd.s32 s31, s7;
	[sflag:s17] =	ssyncset.done $0x0  }
0xb5: {  	s0 =	sadd.s32 $0x9C00, s31;
	[sflag:s17] =	ssyncadd.s32 $0xFFFFC000  }
0xb6: {  	[tilespmem:s4], [sflag:$0x1] =	stream.linear.gather [hbm4b:s0+s4], $0x100, $0x38;
	[tilespmem:$0x1C200] =	vst v63  }
0xb7: {  	_ =	swait.ge [sflag:s25], $0x4000  }
0xb8: {  	[sflag:s25] =	ssyncset.done $0x0  }
0xb9: {  	[sflag:s25] =	ssyncadd.s32 $0xFFFFC000  }
0xba: {  	_ =	swait.ge [sflag:s19], $0x100  }
0xbb: {  	[sflag:s19] =	ssyncset.done $0x0  }
0xbc: {  	[sflag:s19] =	ssyncadd.s32 $0xFFFFFF00  }
0xbd: {  	[tilespmem:s21], [sflag:$0x3] =	stream.indirect.gather [hbm4b:s5+s20], $0x80, s4, s20, $0xb8;
	[tilespmem:$0x1C200] =	vst v63  }
.Ltmp6:
0xbe: {  	(pc) =	sbr.rel @p3 .LBB2_3-.Ltmp6, $4  }
0xbf: {  	[spmem:s3] =	stream.indirect.scatter.add.f32 [tilespmem:s24], [sflag:$0x5], $0x80, s26, s20, $0xb8;
	[tilespmem:$0x1C200] =	vst v63  }
0xc0: {  	_ =	swait.ge [sflag:s17], $0x4000  }
0xc1: {  	[sflag:s17] =	ssyncset.done $0x0  }
0xc2: {  	s31 =	sadd.s32 $0x9E00, s31;
	[sflag:s17] =	ssyncadd.s32 $0xFFFFC000  }
0xc3: {  	[tilespmem:s18], [sflag:$0x2] =	stream.linear.gather [hbm4b:s31+s4], $0x100, $0x38;
	[tilespmem:$0x1C200] =	vst v63  }
0xc4: {  	_ =	swait.ge [sflag:s22], $0x4000  }
0xc5: {  	[sflag:s22] =	ssyncset.done $0x0  }
0xc6: {  	[sflag:s22] =	ssyncadd.s32 $0xFFFFC000  }
0xc7: {  	_ =	swait.ge [sflag:s23], $0x100  }
0xc8: {  	[sflag:s23] =	ssyncset.done $0x0  }
0xc9: {  	[sflag:s23] =	ssyncadd.s32 $0xFFFFFF00  }
0xca: {  	[tilespmem:s24], [sflag:$0x4] =	stream.indirect.gather [hbm4b:s5+s20], $0x80, s18, s20, $0xb8;
	[tilespmem:$0x1C200] =	vst v63  }
0xcb: {  	_ = 	snop  }
0xcc: {  	[spmem:s3] =	stream.indirect.scatter.add.f32 [tilespmem:s21], [sflag:$0x5], $0x80, s20, s20, $0xb8;
	[tilespmem:$0x1C200] =	vst v63  }
0xcd: {  	_ =	swait.ge [sflag:s17], $0x4000  }
0xce: {  	[sflag:s17] =	ssyncset.done $0x0  }
0xcf: {  	s0 =	simm.s32 @p1 $0x0;
	s30 =	simm.s32 @p1 $0x4;
	[sflag:s17] =	ssyncadd.s32 $0xFFFFC000  }
0xd0: {  	[tilespmem:s0], [sflag:$0x1] =	stream.linear.gather @p1 [hbm4b:s13+s0], $0x100, $0x38;
	[tilespmem:$0x1C200] =	vst v63  }
0xd1: {  	_ =	swait.ge @p1 [sflag:s30], $0x4000  }
0xd2: {  	[sflag:s30] =	ssyncset.done @p1 $0x0  }
0xd3: {  	[sflag:s30] =	ssyncadd.s32 @p1 $0xFFFFC000;
	s30 =	simm.s32 @p1 $0x1  }
0xd4: {  	_ =	swait.ge @p1 [sflag:s30], $0x100  }
0xd5: {  	[sflag:s30] =	ssyncset.done @p1 $0x0  }
0xd6: {  	s31 =	simm.s32 @p1 $0x200;
	[sflag:s30] =	ssyncadd.s32 @p1 $0xFFFFFF00;
	s30 =	simm.s32 @p1 $0x80  }
0xd7: {  	[tilespmem:s31], [sflag:$0x3] =	stream.indirect.gather @p1 [hbm4b:s5+s30], $0x80, s0, s30, $0xb8;
	[tilespmem:$0x1C200] =	vst v63  }
0xd8: {  	s0 =	simm.s32 @!p1 $0x4  }
0xd9: {  	_ =	swait.ge @!p1 [sflag:s0], $0x4000  }
0xda: {  	[sflag:s0] =	ssyncset.done @!p1 $0x0  }
0xdb: {  	[sflag:s0] =	ssyncadd.s32 @!p1 $0xFFFFC000  }
0xdc: {  	[spmem:s3] =	stream.indirect.scatter.add.f32 [tilespmem:s24], [sflag:$0x5], $0x80, s26, s20, $0xb8;
	[tilespmem:$0x1C200] =	vst v63  }
.Ltmp7:
0xdd: {  	_ = 	snop;
	(pc) =	sbr.rel @p2 .LBB2_9-.Ltmp7, $4  }
.Ltmp8:
0xde: {  	_ = 	snop;
	(pc) =	sbr.rel @!p2 .LBB2_8-.Ltmp8, $4  }
0xdf: {  	_ =	swait.ge [sflag:s17], $0x4000  }
0xe0: {  	[sflag:s17] =	ssyncset.done $0x0  }
0xe1: {  	s30 =	smov.u32 s9;
	[sflag:s17] =	ssyncadd.s32 $0xFFFFC000  }
0xe2: {  	_ = 	snop  }
.LBB2_10:
0xe3: {  	_ =	sfence.sel $0x180000  }
0xe4: {  	[bflag:$0x0] =	sbarrier.arrive $0xFFFF  }
0xe5: {  	_ =	strace $0x9000004A  }
0xe6: {  	[bflag:$0x2] =	sbarrier.arrive $0xFFFF  }
0xe7: {  	p0 =	sne.s32 s2, $0x0;
	s0 =	rddreg [dreg:$0x3]  }
0xe8: {  	s0 =	sadd.s32 @!p0 $0x100000, s0  }
0xe9: {  	[sflag:s0] =	ssyncadd.tile.s32 @!p0 $0x1;
	_ =	shalt  }
.Lfunc_end2:
_tile_overlayer_lowered:
.L_overlay_start_2:
0xea: {  	(tag) =	ssettag $0x2  }
0xeb: {  	s0 =	rddreg [dreg:$0x0];
	s2 =	stileid.u32  }
0xec: {  	s1 =	rddreg [dreg:$0x1];
	p0 =	sne.s32 s2, $0x0  }
0xed: {  	s3 =	rddreg [dreg:$0x2];
	[bflag:$0x3] =	sbarrier.arrive $0xFFFF;
	s2 =	simm.s32 @!p0 $0x1C05  }
0xee: {  	[timem:s3], [sflag:s2] =	dma.local @!p0 [hbm:s0], s1  }
0xef: {  	s0 =	simm.s32 @!p0 $0x5  }
0xf0: {  	_ =	swait.ge @!p0 [sflag:s0], s1  }
0xf1: {  	s1 =	ssub.s32 @!p0 $0x0, s1;
	[sflag:s0] =	ssyncset.done @!p0 $0x0  }
0xf2: {  	[sflag:s0] =	ssyncadd.s32 @!p0 s1  }
0xf3: {  	[bflag:$0x3] =	sbarrier.arrive $0xFFFF  }
0xf4: {  	_ =	shalt  }

// kernel: kernel.14.cloned.1.call-start
scs
__scs_entry_jumppad:
0x0: {  	(pc) =	sbr.rel $0x88, $3  }
0x1: {  	(tag) =	ssettag $0x0;
	lr =	simm.s32 $0x1  }
0x2: {  	[smem:$0x3F99] =	sst lr;
	_ =	strace $0xD0000000  }
0x3: {  	_ = 	snop  }
0x4: {  	_ = 	snop  }
0x5: {  	_ = 	snop  }
0x6: {  	_ = 	snop  }
0x7: {  	_ = 	snop  }
__scs_overlays_trampoline_lowered:
0x8: {  	[smem:$0x3FA8] =	sst s0  }
0x9: {  	[smem:$0x3FA9] =	sst s1  }
0xa: {  	[smem:$0x3FAA] =	sst s2  }
0xb: {  	[smem:$0x3FAB] =	sst s3  }
0xc: {  	[smem:$0x3FAC] =	sst s4  }
0xd: {  	[smem:$0x3FAD] =	sst s5  }
0xe: {  	[smem:$0x3FAE] =	sst s6  }
0xf: {  	[smem:$0x3FAF] =	sst s7  }
0x10: {  	[smem:$0x3FB0] =	sst s8  }
0x11: {  	[smem:$0x3FB1] =	sst s9;
	s0 =	simm.s32 @!p0 $0x0  }
0x12: {  	s1 =	sld [smem:$0x3F97];
	s0 =	simm.s32 @p0 $0x1  }
0x13: {  	[smem:$0x3FB2] =	sst s0;
	s0 =	simm.s32 @!p1 $0x0  }
0x14: {  	s2 =	sld [smem:$0x3F96];
	s0 =	simm.s32 @p1 $0x1  }
0x15: {  	[smem:$0x3FB3] =	sst s0;
	s0 =	simm.s32 @!p2 $0x0  }
0x16: {  	s3 =	sld [smem:$0x3FDB];
	s0 =	simm.s32 @p2 $0x1  }
0x17: {  	s4 =	simm.s32 $0x1BF5;
	[smem:$0x3FB5] =	sst s0  }
0x18: {  	s0 =	sld [smem:$0x3F98];
	_ =	swait.ge [sflag:s4], $0x0  }
0x19: {  	s7 =	sld [smem:$0x3F99]  }
0x1a: {  	s8 =	sadd.s32 $0xFFFFE003, lr  }
0x1b: {  	s9 =	sadd.s32 $0xFFFFFEF7, lr;
	s5 =	simm.s32 $0xFFFFFFFF;
	p2 =	slt.u32 s8, $0xFFFFF086  }
0x1c: {  	p1 =	slt.u32 s9, $0xF7A;
	s5 =	simm.s32 @!p2 $0x0  }
0x1d: {  	s5 =	simm.s32 @p1 $0x1;
	p0 =	seq.s32 s7, s2  }
0x1e: {  	s7 =	smul.u32 @!p0 $0xF7A, s2;
	p2 =	seq.s32 @!p0 s5, $0x0  }
0x1f: {  	s9 =	smul.u32 $0xF7A, s1;
	s8 =	simm.s32 @!p0 $0x1BF5;
	p2 =	por !p2, p0  }
0x20: {  	[sflag:s8] =	ssyncset.s32 @!p0 $0xFFFFF086;
	s6 =	sadd.s32 @!p0 s3, s7;
	s7 =	simm.s32 @!p0 $0x108  }
0x21: {  	s3 =	sadd.s32 s3, s9;
	s6 =	sadd.s32 @!p0 $0x88, s6;
	s7 =	simm.s32 @p2 $0x1082  }
0x22: {  	[simem:s7], [sflag:s8] =	dma.local @!p0 [hbm:s6], $0xF7A  }
0x23: {  	s9 =	sor.u32 $0xD0000000, s2;
	s6 =	simm.s32 $0x108;
	_ =	swait.ge @!p0 [sflag:s8], $0x0  }
0x24: {  	s3 =	sadd.s32 $0x88, s3;
	s6 =	simm.s32 @!p1 $0x1082;
	[sflag:s4] =	ssyncset.s32 $0xFFFFF086  }
0x25: {  	[simem:s6], [sflag:s4] =	dma.local [hbm:s3], $0xF7A  }
0x26: {  	[smem:$0x3F99] =	sst s1;
	(tag) =	ssettag s2;
	_ =	strace s9  }
0x27: {  	s1 =	sld [smem:$0x3FA9]  }
0x28: {  	s2 =	sld [smem:$0x3FAA]  }
0x29: {  	s4 =	sld [smem:$0x3FAC]  }
0x2a: {  	p0 =	seq.s32 s5, $0x0;
	s5 =	sld [smem:$0x3FAD]  }
0x2b: {  	s6 =	sld [smem:$0x3FAE]  }
0x2c: {  	s7 =	sld [smem:$0x3FAF]  }
0x2d: {  	s3 =	simm.s32 $0x108;
	s8 =	sld [smem:$0x3FB0]  }
0x2e: {  	s3 =	simm.s32 @!p0 $0x1082;
	s9 =	sld [smem:$0x3FB1]  }
0x2f: {  	lr =	sadd.s32 s0, s3;
	s0 =	sld [smem:$0x3FA8]  }
0x30: {  	s3 =	sld [smem:$0x3FAB]  }
0x31: {  	[smem:$0x3FB4] =	sst s10  }
0x32: {  	s10 =	sld [smem:$0x3FB2];
	_ =	sdelay $0x3  }
0x33: {  	p0 =	seq.s32 s10, $0x1;
	s10 =	sld [smem:$0x3FB4];
	_ =	sdelay $0x3  }
0x34: {  	[smem:$0x3FB4] =	sst s10  }
0x35: {  	s10 =	sld [smem:$0x3FB3];
	_ =	sdelay $0x3  }
0x36: {  	p1 =	seq.s32 s10, $0x1;
	s10 =	sld [smem:$0x3FB4];
	_ =	sdelay $0x3  }
0x37: {  	[smem:$0x3FB4] =	sst s10  }
0x38: {  	s10 =	sld [smem:$0x3FB5]  }
0x39: {  	_ = 	snop;
	(pc) =	sbr.ind lr, $3  }
0x3a: {  	_ = 	snop  }
0x3b: {  	_ = 	snop  }
0x3c: {  	p2 =	seq.s32 s10, $0x1;
	s10 =	sld [smem:$0x3FB4]  }
0x3d: {  	_ =	shalt  }
0x3e: {  	_ =	shalt  }
0x3f: {  	_ =	shalt  }
0x40: {  	_ =	shalt  }
0x41: {  	_ =	shalt  }
0x42: {  	_ =	shalt  }
0x43: {  	_ =	shalt  }
0x44: {  	_ =	shalt  }
0x45: {  	_ =	shalt  }
0x46: {  	_ =	shalt  }
0x47: {  	_ =	shalt  }
0x48: {  	_ =	shalt  }
0x49: {  	_ =	shalt  }
0x4a: {  	_ =	shalt  }
0x4b: {  	_ =	shalt  }
0x4c: {  	_ =	shalt  }
0x4d: {  	_ =	shalt  }
0x4e: {  	_ =	shalt  }
0x4f: {  	_ =	shalt  }
0x50: {  	_ =	shalt  }
0x51: {  	_ =	shalt  }
0x52: {  	_ =	shalt  }
0x53: {  	_ =	shalt  }
0x54: {  	_ =	shalt  }
0x55: {  	_ =	shalt  }
0x56: {  	_ =	shalt  }
0x57: {  	_ =	shalt  }
0x58: {  	_ =	shalt  }
0x59: {  	_ =	shalt  }
0x5a: {  	_ =	shalt  }
0x5b: {  	_ =	shalt  }
0x5c: {  	_ =	shalt  }
0x5d: {  	_ =	shalt  }
0x5e: {  	_ =	shalt  }
0x5f: {  	_ =	shalt  }
0x60: {  	_ =	shalt  }
0x61: {  	_ =	shalt  }
0x62: {  	_ =	shalt  }
0x63: {  	_ =	shalt  }
0x64: {  	_ =	shalt  }
0x65: {  	_ =	shalt  }
0x66: {  	_ =	shalt  }
0x67: {  	_ =	shalt  }
0x68: {  	_ =	shalt  }
0x69: {  	_ =	shalt  }
0x6a: {  	_ =	shalt  }
0x6b: {  	_ =	shalt  }
0x6c: {  	_ =	shalt  }
0x6d: {  	_ =	shalt  }
0x6e: {  	_ =	shalt  }
0x6f: {  	_ =	shalt  }
0x70: {  	_ =	shalt  }
0x71: {  	_ =	shalt  }
0x72: {  	_ =	shalt  }
0x73: {  	_ =	shalt  }
0x74: {  	_ =	shalt  }
0x75: {  	_ =	shalt  }
0x76: {  	_ =	shalt  }
0x77: {  	_ =	shalt  }
0x78: {  	_ =	shalt  }
0x79: {  	_ =	shalt  }
0x7a: {  	_ =	shalt  }
0x7b: {  	_ =	shalt  }
0x7c: {  	_ =	shalt  }
0x7d: {  	_ =	shalt  }
0x7e: {  	_ =	shalt  }
0x7f: {  	_ =	shalt  }
0x80: {  	_ =	shalt  }
0x81: {  	_ =	shalt  }
0x82: {  	_ =	shalt  }
0x83: {  	_ =	shalt  }
0x84: {  	_ =	shalt  }
0x85: {  	_ =	shalt  }
0x86: {  	_ =	shalt  }
0x87: {  	_ =	shalt  }
.Lfunc_end0:
.L_simem_size_0:
called_computation.2_lowered:
.L_overlay_start_0:
0x88: {  	s2 =	sld [smem:$0x3FD9]  }
0x89: {  	s3 =	sld [smem:$0x3FFE];
	_ =	sdelay $0x1  }
0x8a: {  	s1 =	srdreg.scid  }
0x8b: {  	s0 =	sand.u32 $0x1, s1  }
0x8c: {  	s17 =	sshll.u32 s0, $0xA;
	s2 =	sadd.s32 s3, s2  }
0x8d: {  	s2 =	sadd.s32 s2, s17  }
0x8e: {  	[smem:$0x3FC0] =	sst s2  }
0x8f: {  	_ = 	snop  }
0x90: {  	s2 =	sld [smem:$0x3FD0];
	(tm) =	ssettm $0x1  }
0x91: {  	s18 =	sld [smem:$0x3FFB];
	_ =	sdelay $0x3  }
0x92: {  	_ =	strace s18  }
0x93: {  	s3 =	sld [smem:$0x3FFC];
	_ =	sdelay $0x3  }
0x94: {  	_ =	strace s3  }
0x95: {  	s3 =	sld [smem:$0x3FFD];
	_ =	sdelay $0x3  }
0x96: {  	_ =	strace s3  }
0x97: {  	_ =	strace $0x8FFFFFFF  }
0x98: {  	s19 =	sld [smem:$0x3FDB];
	_ =	sdelay $0x1  }
0x99: {  	s4 =	simm.s32 $_scs_section_size  }
0x9a: {  	s5 =	simm.s32 $_size__tile_overlayer_lowered;
	s6 =	simm.s32 $_tile_overlayer_lowered  }
0x9b: {  	s22 =	simm.s32 $0x1BFF;
	s21 =	sshll.u32 s6, $0x1;
	s3 =	sadd.s32 s4, s19  }
0x9c: {  	s7 =	simm.s32 $0x0;
	s20 =	sshll.u32 s5, $0x1;
	s5 =	sadd.s32 s21, s3  }
0x9d: {  	[timem:s7], [sflag:s22] =	dma.local [hbm:s5], s20  }
0x9e: {  	_ =	swait.ge [sflag:s22], s20  }
0x9f: {  	s4 =	ssub.s32 $0x0, s20;
	[sflag:s22] =	ssyncset.done $0x0  }
0xa0: {  	[sflag:s22] =	ssyncadd.s32 s4;
	_ =	sdelay $0x1  }
0xa1: {  	s23 =	simm.s32 $0x1B8B  }
0xa2: {  	_ =	swait.ge [sflag:s23], $0x1  }
0xa3: {  	[sflag:s23] =	ssyncset.done $0x0  }
0xa4: {  	s25 =	simm.s32 $0x1B8E;
	s24 =	sld [smem:$0x3FFE];
	[sflag:s23] =	ssyncadd.s32 $0xFFFFFFFF  }
0xa5: {  	s26 =	simm.s32 $execute0_lowered;
	[smem:$0x3FD2] =	sst s25  }
0xa6: {  	s5 =	sshll.u32 s26, $0x1;
	_ =	strace $0x8000004C;
	[dreg:$0x1] =	wrdreg $0xFFFFFFFF  }
0xa7: {  	s28 =	simm.s32 $_size_execute0_lowered;
	s3 =	sadd.s32 s3, s5;
	[dreg:$0x0] =	wrdreg $0x0  }
0xa8: {  	s5 =	sshll.u32 s28, $0x1;
	[dreg:$0x2] =	wrdreg s3  }
0xa9: {  	[dreg:$0x3] =	wrdreg s5  }
0xaa: {  	[dreg:$0x4] =	wrdreg $0xC0  }
0xab: {  	_ =	task [dreg:s7], $0x5FFFF  }
0xac: {  	[dreg:$0x1] =	wrdreg $0xFFFFFFFF  }
0xad: {  	[dreg:$0x0] =	wrdreg $0x60  }
0xae: {  	[dreg:$0x2] =	wrdreg s2  }
0xaf: {  	[dreg:$0x3] =	wrdreg s24  }
0xb0: {  	[dreg:$0x4] =	wrdreg $0x82000  }
0xb1: {  	[dreg:$0x5] =	wrdreg $0x9  }
0xb2: {  	_ =	task.clear_ibuf [dreg:s7], $0x6FFFF;
	_ =	strace $0x9000004C  }
0xb3: {  	s29 =	simm.s32 $0x9;
	_ =	strace $0x8000004E  }
0xb4: {  	_ =	swait.ge [sflag:s29], $0x1  }
0xb5: {  	[sflag:s29] =	ssyncadd.s32 $0xFFFFFFFF  }
0xb6: {  	_ =	strace $0x9000004E  }
0xb7: {  	_ =	sfence  }
0xb8: {  	s30 =	sld [smem:$0x0];
	_ =	sdelay $0x2  }
0xb9: {  	s31 =	sshll.u32 s1, $0xD;
	s1 =	sshrl.u32 s1, $0x2  }
0xba: {  	s3 =	sand.u32 $0x4000, s31;
	s1 =	sadd.s32 s1, s30  }
0xbb: {  	s0 =	sor.u32 s3, s0;
	s1 =	sshll.u32 s1, $0x11  }
0xbc: {  	s0 =	sor.u32 s1, s0  }
0xbd: {  	s0 =	sadd.s32 $0x8F2B, s0  }
0xbe: {  	[sflag:s0] =	ssyncadd.remote.s32 $0x1  }
0xbf: {  	_ =	sfence.sel $0xFFFF  }
0xc0: {  	[dreg:$0x0] =	wrdreg $0xFFFFFFFF;
	(pc) =	sbr.abs _section_cstart, $3  }
0xc1: {  	[dreg:$0x1] =	wrdreg $0xFFFFFFFF  }
0xc2: {  	_ =	task.clear_ibuf [dreg:s7], $0x2FFFF;
	_ =	strace $0x9FFFFFFF  }
0xc3: {  	(tm) =	ssettm $0x7FFFFFFF  }
tec
execute0_lowered:
.L_overlay_start_1:
0x0: {  	(tag) =	ssettag $0x1  }
0x1: {  	s1 =	rddreg [dreg:$0x0]  }
0x2: {  	s6 =	rddreg [dreg:$0x1]  }
0x3: {  	s3 =	rddreg [dreg:$0x2];
	s4 =	simm.s32 $0x0  }
0x4: {  	s2 =	stileid.u32;
	s5 =	srdreg.scid;
	s17 =	simm.s32 $0x5  }
0x5: {  	s18 =	simm.s32 $0x100;
	s19 =	simm.s32 $0x1;
	s20 =	simm.s32 $0x80  }
0x6: {  	s21 =	simm.s32 $0x200;
	s22 =	simm.s32 $0x3;
	s23 =	simm.s32 $0x2  }
0x7: {  	s24 =	simm.s32 $0x4200;
	s25 =	simm.s32 $0x4;
	s26 =	simm.s32 $0x180  }
0x8: {  	s28 =	simm.s32 $0x0;
	[smem:$0x7FF] =	sst s4;
	s10 =	smul.u32 $0x2800, s2  }
0x9: {  	s7 =	sshll.u32 s2, $0x5;
	s14 =	sand.u32 $0x1, s5;
	s8 =	smul.u32 $0x50000, s2  }
0xa: {  	s5 =	sadd.s32 $0x12C00, s6;
	p1 =	slt.u32 s2, $0x2;
	p2 =	sgt.u32 s2, $0x1  }
0xb: {  	_ =	strace $0x8000004D;
	s13 =	sadd.s32 s7, s6;
	s30 =	ssub.s32 $0x2, s14  }
0xc: {  	p0 =	seq.s32 s14, $0x0;
	s14 =	sshll.u32 s2, $0x6;
	s11 =	sadd.s32 s10, s6  }
.Ltmp0:
0xd: {  	s31 =	sshrl.u32 s30, $0x1;
	s8 =	sshrl.u32 s8, $0x2;
	(pc) =	sbr.rel .LBB2_1-.Ltmp0, $4  }
0xe: {  	s6 =	sadd.s32 s5, s10;
	s7 =	sadd.s32 $0x8E00, s13;
	s10 =	sadd.s32 s1, s10  }
0xf: {  	s15 =	sor.u32 $0x1C05, s14;
	s12 =	ssub.s32 s30, s31;
	s16 =	sadd.s32 s8, s3  }
0x10: {  	s8 =	sadd.s32 $0x9000, s13;
	s9 =	sadd.s32 $0x8AC00, s11;
	s11 =	sadd.s32 $0x62C00, s11  }
0x11: {  	s13 =	sadd.s32 $0x12A00, s13;
	s12 =	smax.u32 s12, $0x1;
	s16 =	sshrl.u32 s16, $0x3  }
.LBB2_8:
0x12: {  	_ =	swait.ge [sflag:s22], $0x4000  }
0x13: {  	[sflag:s22] =	ssyncset.done $0x0  }
0x14: {  	[sflag:s22] =	ssyncadd.s32 $0xFFFFC000  }
0x15: {  	[spmem:s3] =	stream.indirect.scatter.add.f32 [tilespmem:s21], [sflag:$0x5], $0x80, s20, s20, $0xb8;
	[tilespmem:$0x1C200] =	vst v63  }
0x16: {  	_ =	swait.ge [sflag:s17], $0x4000  }
0x17: {  	[sflag:s17] =	ssyncset.done $0x0  }
0x18: {  	[sflag:s17] =	ssyncadd.s32 $0xFFFFC000  }
.LBB2_9:
0x19: {  	s28 =	sadd.s32 $0x1, s28  }
0x1a: {  	p3 =	sne.s32 s28, s12  }
.Ltmp1:
0x1b: {  	[bflag:$0x0] =	sbarrier.arrive $0xFFFF;
	(pc) =	sbr.rel @!p3 .LBB2_10-.Ltmp1, $4  }
0x1c: {  	[hbm:s30], [sflag:s29] =	dma.local [spmem:s16], $0x2800  }
0x1d: {  	_ =	swait.ge [sflag:s17], $0x2800  }
0x1e: {  	[sflag:s17] =	ssyncset.done $0x0  }
0x1f: {  	[sflag:s17] =	ssyncadd.s32 $0xFFFFD800  }
.LBB2_1:
.Ltmp2:
0x20: {  	(pc) =	sbr.rel @!p0 .LBB2_2-.Ltmp2, $1  }
0x21: {  	_ =	sdelay $0x3  }
0x22: {  	[spmem:s16], [sflag:s15] =	dma.local [hbm:s10], $0x2800  }
0x23: {  	_ =	swait.ge [sflag:s17], $0x2800  }
0x24: {  	[sflag:s17] =	ssyncset.done $0x0  }
0x25: {  	[sflag:s17] =	ssyncadd.s32 $0xFFFFD800  }
0x26: {  	[bflag:$0x0] =	sbarrier.arrive $0xFFFF  }
0x27: {  	[tilespmem:s4], [sflag:$0x1] =	stream.linear.gather [hbm4b:s7+s4], $0x100, $0x38;
	[tilespmem:$0x1C200] =	vst v63  }
0x28: {  	_ = 	snop  }
0x29: {  	[tilespmem:s18], [sflag:$0x2] =	stream.linear.gather [hbm4b:s8+s4], $0x100, $0x38;
	[tilespmem:$0x1C200] =	vst v63  }
0x2a: {  	_ =	swait.ge [sflag:s19], $0x100  }
0x2b: {  	[sflag:s19] =	ssyncset.done $0x0  }
0x2c: {  	[sflag:s19] =	ssyncadd.s32 $0xFFFFFF00  }
0x2d: {  	[tilespmem:s21], [sflag:$0x3] =	stream.indirect.gather [hbm4b:s1+s20], $0x80, s4, s20, $0xb8;
	[tilespmem:$0x1C200] =	vst v63  }
0x2e: {  	_ =	swait.ge [sflag:s22], $0x4000  }
0x2f: {  	[sflag:s22] =	ssyncset.done $0x0  }
0x30: {  	[sflag:s22] =	ssyncadd.s32 $0xFFFFC000  }
0x31: {  	_ =	swait.ge [sflag:s23], $0x100  }
0x32: {  	[sflag:s23] =	ssyncset.done $0x0  }
0x33: {  	[sflag:s23] =	ssyncadd.s32 $0xFFFFFF00  }
0x34: {  	[tilespmem:s24], [sflag:$0x4] =	stream.indirect.gather [hbm4b:s1+s20], $0x80, s18, s20, $0xb8;
	[tilespmem:$0x1C200] =	vst v63  }
0x35: {  	_ = 	snop  }
0x36: {  	[spmem:s3] =	stream.indirect.scatter.add.f32 [tilespmem:s21], [sflag:$0x5], $0x80, s20, s20, $0xb8;
	[tilespmem:$0x1C200] =	vst v63  }
0x37: {  	_ =	swait.ge [sflag:s17], $0x4000  }
0x38: {  	s30 =	sadd.s32 $0xFFFF6800, s7;
	[sflag:s17] =	ssyncset.done $0x0  }
0x39: {  	s29 =	sadd.s32 $0x9C00, s30;
	[sflag:s17] =	ssyncadd.s32 $0xFFFFC000  }
0x3a: {  	[tilespmem:s4], [sflag:$0x1] =	stream.linear.gather [hbm4b:s29+s4], $0x100, $0x38;
	[tilespmem:$0x1C200] =	vst v63  }
0x3b: {  	_ =	swait.ge [sflag:s25], $0x4000  }
0x3c: {  	[sflag:s25] =	ssyncset.done $0x0  }
0x3d: {  	[sflag:s25] =	ssyncadd.s32 $0xFFFFC000  }
0x3e: {  	_ =	swait.ge [sflag:s19], $0x100  }
0x3f: {  	[sflag:s19] =	ssyncset.done $0x0  }
0x40: {  	[sflag:s19] =	ssyncadd.s32 $0xFFFFFF00  }
0x41: {  	[tilespmem:s21], [sflag:$0x3] =	stream.indirect.gather [hbm4b:s1+s20], $0x80, s4, s20, $0xb8;
	[tilespmem:$0x1C200] =	vst v63  }
0x42: {  	_ = 	snop  }
0x43: {  	[spmem:s3] =	stream.indirect.scatter.add.f32 [tilespmem:s24], [sflag:$0x5], $0x80, s26, s20, $0xb8;
	[tilespmem:$0x1C200] =	vst v63  }
0x44: {  	_ =	swait.ge [sflag:s17], $0x4000  }
0x45: {  	[sflag:s17] =	ssyncset.done $0x0  }
0x46: {  	s30 =	sadd.s32 $0x9E00, s30;
	s29 =	simm.s32 $0xFFFF6C00;
	[sflag:s17] =	ssyncadd.s32 $0xFFFFC000  }
.LBB2_6:
0x47: {  	[tilespmem:s18], [sflag:$0x2] =	stream.linear.gather [hbm4b:s30+s4], $0x100, $0x38;
	[tilespmem:$0x1C200] =	vst v63  }
0x48: {  	s30 =	smov.u32 s29  }
0x49: {  	p3 =	sne.s32 s29, $0xFFFFFC00;
	s29 =	sadd.s32 $0x400, s29;
	_ =	swait.ge [sflag:s22], $0x4000  }
0x4a: {  	[sflag:s22] =	ssyncset.done $0x0  }
0x4b: {  	[sflag:s22] =	ssyncadd.s32 $0xFFFFC000  }
0x4c: {  	_ =	swait.ge [sflag:s23], $0x100  }
0x4d: {  	[sflag:s23] =	ssyncset.done $0x0  }
0x4e: {  	[sflag:s23] =	ssyncadd.s32 $0xFFFFFF00  }
0x4f: {  	[tilespmem:s24], [sflag:$0x4] =	stream.indirect.gather [hbm4b:s1+s20], $0x80, s18, s20, $0xb8;
	[tilespmem:$0x1C200] =	vst v63  }
0x50: {  	_ = 	snop  }
0x51: {  	[spmem:s3] =	stream.indirect.scatter.add.f32 [tilespmem:s21], [sflag:$0x5], $0x80, s20, s20, $0xb8;
	[tilespmem:$0x1C200] =	vst v63  }
0x52: {  	_ =	swait.ge [sflag:s17], $0x4000  }
0x53: {  	s30 =	sadd.s32 s30, s7;
	[sflag:s17] =	ssyncset.done $0x0  }
0x54: {  	s31 =	sadd.s32 $0x9C00, s30;
	[sflag:s17] =	ssyncadd.s32 $0xFFFFC000  }
0x55: {  	[tilespmem:s4], [sflag:$0x1] =	stream.linear.gather [hbm4b:s31+s4], $0x100, $0x38;
	[tilespmem:$0x1C200] =	vst v63  }
0x56: {  	_ =	swait.ge [sflag:s25], $0x4000  }
0x57: {  	[sflag:s25] =	ssyncset.done $0x0  }
0x58: {  	[sflag:s25] =	ssyncadd.s32 $0xFFFFC000  }
0x59: {  	_ =	swait.ge [sflag:s19], $0x100  }
0x5a: {  	[sflag:s19] =	ssyncset.done $0x0  }
0x5b: {  	[sflag:s19] =	ssyncadd.s32 $0xFFFFFF00  }
0x5c: {  	[tilespmem:s21], [sflag:$0x3] =	stream.indirect.gather [hbm4b:s1+s20], $0x80, s4, s20, $0xb8;
	[tilespmem:$0x1C200] =	vst v63  }
.Ltmp3:
0x5d: {  	(pc) =	sbr.rel @p3 .LBB2_6-.Ltmp3, $4  }
0x5e: {  	[spmem:s3] =	stream.indirect.scatter.add.f32 [tilespmem:s24], [sflag:$0x5], $0x80, s26, s20, $0xb8;
	[tilespmem:$0x1C200] =	vst v63  }
0x5f: {  	_ =	swait.ge [sflag:s17], $0x4000  }
0x60: {  	[sflag:s17] =	ssyncset.done $0x0  }
0x61: {  	s30 =	sadd.s32 $0x9E00, s30;
	[sflag:s17] =	ssyncadd.s32 $0xFFFFC000  }
0x62: {  	[tilespmem:s18], [sflag:$0x2] =	stream.linear.gather [hbm4b:s30+s4], $0x100, $0x38;
	[tilespmem:$0x1C200] =	vst v63  }
0x63: {  	_ =	swait.ge [sflag:s22], $0x4000  }
0x64: {  	[sflag:s22] =	ssyncset.done $0x0  }
0x65: {  	[sflag:s22] =	ssyncadd.s32 $0xFFFFC000  }
0x66: {  	_ =	swait.ge [sflag:s23], $0x100  }
0x67: {  	[sflag:s23] =	ssyncset.done $0x0  }
0x68: {  	[sflag:s23] =	ssyncadd.s32 $0xFFFFFF00  }
0x69: {  	[tilespmem:s24], [sflag:$0x4] =	stream.indirect.gather [hbm4b:s1+s20], $0x80, s18, s20, $0xb8;
	[tilespmem:$0x1C200] =	vst v63  }
0x6a: {  	_ = 	snop  }
0x6b: {  	[spmem:s3] =	stream.indirect.scatter.add.f32 [tilespmem:s21], [sflag:$0x5], $0x80, s20, s20, $0xb8;
	[tilespmem:$0x1C200] =	vst v63  }
0x6c: {  	_ =	swait.ge [sflag:s17], $0x4000  }
0x6d: {  	[sflag:s17] =	ssyncset.done $0x0  }
0x6e: {  	s29 =	simm.s32 @p1 $0x0;
	s30 =	simm.s32 @p1 $0x4;
	[sflag:s17] =	ssyncadd.s32 $0xFFFFC000  }
0x6f: {  	[tilespmem:s29], [sflag:$0x1] =	stream.linear.gather @p1 [hbm4b:s13+s29], $0x100, $0x38;
	[tilespmem:$0x1C200] =	vst v63  }
0x70: {  	_ =	swait.ge @p1 [sflag:s30], $0x4000  }
0x71: {  	[sflag:s30] =	ssyncset.done @p1 $0x0  }
0x72: {  	[sflag:s30] =	ssyncadd.s32 @p1 $0xFFFFC000;
	s30 =	simm.s32 @p1 $0x1  }
0x73: {  	_ =	swait.ge @p1 [sflag:s30], $0x100  }
0x74: {  	[sflag:s30] =	ssyncset.done @p1 $0x0  }
0x75: {  	s31 =	simm.s32 @p1 $0x200;
	[sflag:s30] =	ssyncadd.s32 @p1 $0xFFFFFF00;
	s30 =	simm.s32 @p1 $0x80  }
0x76: {  	[tilespmem:s31], [sflag:$0x3] =	stream.indirect.gather @p1 [hbm4b:s1+s30], $0x80, s29, s30, $0xb8;
	[tilespmem:$0x1C200] =	vst v63  }
0x77: {  	s29 =	simm.s32 @!p1 $0x4  }
0x78: {  	_ =	swait.ge @!p1 [sflag:s29], $0x4000  }
0x79: {  	[sflag:s29] =	ssyncset.done @!p1 $0x0  }
0x7a: {  	[sflag:s29] =	ssyncadd.s32 @!p1 $0xFFFFC000  }
0x7b: {  	[spmem:s3] =	stream.indirect.scatter.add.f32 [tilespmem:s24], [sflag:$0x5], $0x80, s26, s20, $0xb8;
	[tilespmem:$0x1C200] =	vst v63  }
.Ltmp4:
0x7c: {  	_ = 	snop;
	(pc) =	sbr.rel @p2 .LBB2_9-.Ltmp4, $4  }
.Ltmp5:
0x7d: {  	_ = 	snop;
	(pc) =	sbr.rel @!p2 .LBB2_8-.Ltmp5, $4  }
0x7e: {  	_ =	swait.ge [sflag:s17], $0x4000  }
0x7f: {  	[sflag:s17] =	ssyncset.done $0x0  }
0x80: {  	s30 =	smov.u32 s11;
	s29 =	smov.u32 s15;
	[sflag:s17] =	ssyncadd.s32 $0xFFFFC000  }
0x81: {  	_ = 	snop  }
.LBB2_2:
0x82: {  	s29 =	sor.u32 $0x1C05, s14  }
0x83: {  	[spmem:s16], [sflag:s29] =	dma.local [hbm:s6], $0x2800  }
0x84: {  	_ =	swait.ge [sflag:s17], $0x2800  }
0x85: {  	[sflag:s17] =	ssyncset.done $0x0  }
0x86: {  	[sflag:s17] =	ssyncadd.s32 $0xFFFFD800  }
0x87: {  	[bflag:$0x0] =	sbarrier.arrive $0xFFFF  }
0x88: {  	[tilespmem:s4], [sflag:$0x1] =	stream.linear.gather [hbm4b:s7+s4], $0x100, $0x38;
	[tilespmem:$0x1C200] =	vst v63  }
0x89: {  	_ = 	snop  }
0x8a: {  	[tilespmem:s18], [sflag:$0x2] =	stream.linear.gather [hbm4b:s8+s4], $0x100, $0x38;
	[tilespmem:$0x1C200] =	vst v63  }
0x8b: {  	_ =	swait.ge [sflag:s19], $0x100  }
0x8c: {  	[sflag:s19] =	ssyncset.done $0x0  }
0x8d: {  	[sflag:s19] =	ssyncadd.s32 $0xFFFFFF00  }
0x8e: {  	[tilespmem:s21], [sflag:$0x3] =	stream.indirect.gather [hbm4b:s5+s20], $0x80, s4, s20, $0xb8;
	[tilespmem:$0x1C200] =	vst v63  }
0x8f: {  	_ =	swait.ge [sflag:s22], $0x4000  }
0x90: {  	[sflag:s22] =	ssyncset.done $0x0  }
0x91: {  	[sflag:s22] =	ssyncadd.s32 $0xFFFFC000  }
0x92: {  	_ =	swait.ge [sflag:s23], $0x100  }
0x93: {  	[sflag:s23] =	ssyncset.done $0x0  }
0x94: {  	[sflag:s23] =	ssyncadd.s32 $0xFFFFFF00  }
0x95: {  	[tilespmem:s24], [sflag:$0x4] =	stream.indirect.gather [hbm4b:s5+s20], $0x80, s18, s20, $0xb8;
	[tilespmem:$0x1C200] =	vst v63  }
0x96: {  	_ = 	snop  }
0x97: {  	[spmem:s3] =	stream.indirect.scatter.add.f32 [tilespmem:s21], [sflag:$0x5], $0x80, s20, s20, $0xb8;
	[tilespmem:$0x1C200] =	vst v63  }
0x98: {  	_ =	swait.ge [sflag:s17], $0x4000  }
0x99: {  	s31 =	sadd.s32 $0xFFFF6800, s7;
	[sflag:s17] =	ssyncset.done $0x0  }
0x9a: {  	s30 =	sadd.s32 $0x9C00, s31;
	[sflag:s17] =	ssyncadd.s32 $0xFFFFC000  }
0x9b: {  	[tilespmem:s4], [sflag:$0x1] =	stream.linear.gather [hbm4b:s30+s4], $0x100, $0x38;
	[tilespmem:$0x1C200] =	vst v63  }
0x9c: {  	_ =	swait.ge [sflag:s25], $0x4000  }
0x9d: {  	[sflag:s25] =	ssyncset.done $0x0  }
0x9e: {  	[sflag:s25] =	ssyncadd.s32 $0xFFFFC000  }
0x9f: {  	_ =	swait.ge [sflag:s19], $0x100  }
0xa0: {  	[sflag:s19] =	ssyncset.done $0x0  }
0xa1: {  	[sflag:s19] =	ssyncadd.s32 $0xFFFFFF00  }
0xa2: {  	[tilespmem:s21], [sflag:$0x3] =	stream.indirect.gather [hbm4b:s5+s20], $0x80, s4, s20, $0xb8;
	[tilespmem:$0x1C200] =	vst v63  }
0xa3: {  	_ = 	snop  }
0xa4: {  	[spmem:s3] =	stream.indirect.scatter.add.f32 [tilespmem:s24], [sflag:$0x5], $0x80, s26, s20, $0xb8;
	[tilespmem:$0x1C200] =	vst v63  }
0xa5: {  	_ =	swait.ge [sflag:s17], $0x4000  }
0xa6: {  	[sflag:s17] =	ssyncset.done $0x0  }
0xa7: {  	s31 =	sadd.s32 $0x9E00, s31;
	s30 =	simm.s32 $0xFFFF6C00;
	[sflag:s17] =	ssyncadd.s32 $0xFFFFC000  }
.LBB2_3:
0xa8: {  	[tilespmem:s18], [sflag:$0x2] =	stream.linear.gather [hbm4b:s31+s4], $0x100, $0x38;
	[tilespmem:$0x1C200] =	vst v63  }
0xa9: {  	s31 =	smov.u32 s30  }
0xaa: {  	p3 =	sne.s32 s30, $0xFFFFFC00;
	s30 =	sadd.s32 $0x400, s30;
	_ =	swait.ge [sflag:s22], $0x4000  }
0xab: {  	[sflag:s22] =	ssyncset.done $0x0  }
0xac: {  	[sflag:s22] =	ssyncadd.s32 $0xFFFFC000  }
0xad: {  	_ =	swait.ge [sflag:s23], $0x100  }
0xae: {  	[sflag:s23] =	ssyncset.done $0x0  }
0xaf: {  	[sflag:s23] =	ssyncadd.s32 $0xFFFFFF00  }
0xb0: {  	[tilespmem:s24], [sflag:$0x4] =	stream.indirect.gather [hbm4b:s5+s20], $0x80, s18, s20, $0xb8;
	[tilespmem:$0x1C200] =	vst v63  }
0xb1: {  	_ = 	snop  }
0xb2: {  	[spmem:s3] =	stream.indirect.scatter.add.f32 [tilespmem:s21], [sflag:$0x5], $0x80, s20, s20, $0xb8;
	[tilespmem:$0x1C200] =	vst v63  }
0xb3: {  	_ =	swait.ge [sflag:s17], $0x4000  }
0xb4: {  	s31 =	sadd.s32 s31, s7;
	[sflag:s17] =	ssyncset.done $0x0  }
0xb5: {  	s0 =	sadd.s32 $0x9C00, s31;
	[sflag:s17] =	ssyncadd.s32 $0xFFFFC000  }
0xb6: {  	[tilespmem:s4], [sflag:$0x1] =	stream.linear.gather [hbm4b:s0+s4], $0x100, $0x38;
	[tilespmem:$0x1C200] =	vst v63  }
0xb7: {  	_ =	swait.ge [sflag:s25], $0x4000  }
0xb8: {  	[sflag:s25] =	ssyncset.done $0x0  }
0xb9: {  	[sflag:s25] =	ssyncadd.s32 $0xFFFFC000  }
0xba: {  	_ =	swait.ge [sflag:s19], $0x100  }
0xbb: {  	[sflag:s19] =	ssyncset.done $0x0  }
0xbc: {  	[sflag:s19] =	ssyncadd.s32 $0xFFFFFF00  }
0xbd: {  	[tilespmem:s21], [sflag:$0x3] =	stream.indirect.gather [hbm4b:s5+s20], $0x80, s4, s20, $0xb8;
	[tilespmem:$0x1C200] =	vst v63  }
.Ltmp6:
0xbe: {  	(pc) =	sbr.rel @p3 .LBB2_3-.Ltmp6, $4  }
0xbf: {  	[spmem:s3] =	stream.indirect.scatter.add.f32 [tilespmem:s24], [sflag:$0x5], $0x80, s26, s20, $0xb8;
	[tilespmem:$0x1C200] =	vst v63  }
0xc0: {  	_ =	swait.ge [sflag:s17], $0x4000  }
0xc1: {  	[sflag:s17] =	ssyncset.done $0x0  }
0xc2: {  	s31 =	sadd.s32 $0x9E00, s31;
	[sflag:s17] =	ssyncadd.s32 $0xFFFFC000  }
0xc3: {  	[tilespmem:s18], [sflag:$0x2] =	stream.linear.gather [hbm4b:s31+s4], $0x100, $0x38;
	[tilespmem:$0x1C200] =	vst v63  }
0xc4: {  	_ =	swait.ge [sflag:s22], $0x4000  }
0xc5: {  	[sflag:s22] =	ssyncset.done $0x0  }
0xc6: {  	[sflag:s22] =	ssyncadd.s32 $0xFFFFC000  }
0xc7: {  	_ =	swait.ge [sflag:s23], $0x100  }
0xc8: {  	[sflag:s23] =	ssyncset.done $0x0  }
0xc9: {  	[sflag:s23] =	ssyncadd.s32 $0xFFFFFF00  }
0xca: {  	[tilespmem:s24], [sflag:$0x4] =	stream.indirect.gather [hbm4b:s5+s20], $0x80, s18, s20, $0xb8;
	[tilespmem:$0x1C200] =	vst v63  }
0xcb: {  	_ = 	snop  }
0xcc: {  	[spmem:s3] =	stream.indirect.scatter.add.f32 [tilespmem:s21], [sflag:$0x5], $0x80, s20, s20, $0xb8;
	[tilespmem:$0x1C200] =	vst v63  }
0xcd: {  	_ =	swait.ge [sflag:s17], $0x4000  }
0xce: {  	[sflag:s17] =	ssyncset.done $0x0  }
0xcf: {  	s0 =	simm.s32 @p1 $0x0;
	s30 =	simm.s32 @p1 $0x4;
	[sflag:s17] =	ssyncadd.s32 $0xFFFFC000  }
0xd0: {  	[tilespmem:s0], [sflag:$0x1] =	stream.linear.gather @p1 [hbm4b:s13+s0], $0x100, $0x38;
	[tilespmem:$0x1C200] =	vst v63  }
0xd1: {  	_ =	swait.ge @p1 [sflag:s30], $0x4000  }
0xd2: {  	[sflag:s30] =	ssyncset.done @p1 $0x0  }
0xd3: {  	[sflag:s30] =	ssyncadd.s32 @p1 $0xFFFFC000;
	s30 =	simm.s32 @p1 $0x1  }
0xd4: {  	_ =	swait.ge @p1 [sflag:s30], $0x100  }
0xd5: {  	[sflag:s30] =	ssyncset.done @p1 $0x0  }
0xd6: {  	s31 =	simm.s32 @p1 $0x200;
	[sflag:s30] =	ssyncadd.s32 @p1 $0xFFFFFF00;
	s30 =	simm.s32 @p1 $0x80  }
0xd7: {  	[tilespmem:s31], [sflag:$0x3] =	stream.indirect.gather @p1 [hbm4b:s5+s30], $0x80, s0, s30, $0xb8;
	[tilespmem:$0x1C200] =	vst v63  }
0xd8: {  	s0 =	simm.s32 @!p1 $0x4  }
0xd9: {  	_ =	swait.ge @!p1 [sflag:s0], $0x4000  }
0xda: {  	[sflag:s0] =	ssyncset.done @!p1 $0x0  }
0xdb: {  	[sflag:s0] =	ssyncadd.s32 @!p1 $0xFFFFC000  }
0xdc: {  	[spmem:s3] =	stream.indirect.scatter.add.f32 [tilespmem:s24], [sflag:$0x5], $0x80, s26, s20, $0xb8;
	[tilespmem:$0x1C200] =	vst v63  }
.Ltmp7:
0xdd: {  	_ = 	snop;
	(pc) =	sbr.rel @p2 .LBB2_9-.Ltmp7, $4  }
.Ltmp8:
0xde: {  	_ = 	snop;
	(pc) =	sbr.rel @!p2 .LBB2_8-.Ltmp8, $4  }
0xdf: {  	_ =	swait.ge [sflag:s17], $0x4000  }
0xe0: {  	[sflag:s17] =	ssyncset.done $0x0  }
0xe1: {  	s30 =	smov.u32 s9;
	[sflag:s17] =	ssyncadd.s32 $0xFFFFC000  }
0xe2: {  	_ = 	snop  }
.LBB2_10:
0xe3: {  	_ =	sfence.sel $0x180000  }
0xe4: {  	[bflag:$0x0] =	sbarrier.arrive $0xFFFF  }
0xe5: {  	_ =	strace $0x9000004D  }
0xe6: {  	[bflag:$0x2] =	sbarrier.arrive $0xFFFF  }
0xe7: {  	p0 =	sne.s32 s2, $0x0;
	s0 =	rddreg [dreg:$0x3]  }
0xe8: {  	s0 =	sadd.s32 @!p0 $0x100000, s0  }
0xe9: {  	[sflag:s0] =	ssyncadd.tile.s32 @!p0 $0x1;
	_ =	shalt  }
.Lfunc_end2:
_tile_overlayer_lowered:
.L_overlay_start_2:
0xea: {  	(tag) =	ssettag $0x2  }
0xeb: {  	s0 =	rddreg [dreg:$0x0];
	s2 =	stileid.u32  }
0xec: {  	s1 =	rddreg [dreg:$0x1];
	p0 =	sne.s32 s2, $0x0  }
0xed: {  	s3 =	rddreg [dreg:$0x2];
	[bflag:$0x3] =	sbarrier.arrive $0xFFFF;
	s2 =	simm.s32 @!p0 $0x1C05  }
0xee: {  	[timem:s3], [sflag:s2] =	dma.local @!p0 [hbm:s0], s1  }
0xef: {  	s0 =	simm.s32 @!p0 $0x5  }
0xf0: {  	_ =	swait.ge @!p0 [sflag:s0], s1  }
0xf1: {  	s1 =	ssub.s32 @!p0 $0x0, s1;
	[sflag:s0] =	ssyncset.done @!p0 $0x0  }
0xf2: {  	[sflag:s0] =	ssyncadd.s32 @!p0 s1  }
0xf3: {  	[bflag:$0x3] =	sbarrier.arrive $0xFFFF  }
0xf4: {  	_ =	shalt  }

// kernel: kernel.8.cloned.1.call-start
scs
__scs_entry_jumppad:
0x0: {  	(pc) =	sbr.rel $0x88, $3  }
0x1: {  	(tag) =	ssettag $0x0;
	lr =	simm.s32 $0x1  }
0x2: {  	[smem:$0x3F99] =	sst lr;
	_ =	strace $0xD0000000  }
0x3: {  	_ = 	snop  }
0x4: {  	_ = 	snop  }
0x5: {  	_ = 	snop  }
0x6: {  	_ = 	snop  }
0x7: {  	_ = 	snop  }
__scs_overlays_trampoline_lowered:
0x8: {  	[smem:$0x3FA8] =	sst s0  }
0x9: {  	[smem:$0x3FA9] =	sst s1  }
0xa: {  	[smem:$0x3FAA] =	sst s2  }
0xb: {  	[smem:$0x3FAB] =	sst s3  }
0xc: {  	[smem:$0x3FAC] =	sst s4  }
0xd: {  	[smem:$0x3FAD] =	sst s5  }
0xe: {  	[smem:$0x3FAE] =	sst s6  }
0xf: {  	[smem:$0x3FAF] =	sst s7  }
0x10: {  	[smem:$0x3FB0] =	sst s8  }
0x11: {  	[smem:$0x3FB1] =	sst s9;
	s0 =	simm.s32 @!p0 $0x0  }
0x12: {  	s1 =	sld [smem:$0x3F97];
	s0 =	simm.s32 @p0 $0x1  }
0x13: {  	[smem:$0x3FB2] =	sst s0;
	s0 =	simm.s32 @!p1 $0x0  }
0x14: {  	s2 =	sld [smem:$0x3F96];
	s0 =	simm.s32 @p1 $0x1  }
0x15: {  	[smem:$0x3FB3] =	sst s0;
	s0 =	simm.s32 @!p2 $0x0  }
0x16: {  	s3 =	sld [smem:$0x3FDB];
	s0 =	simm.s32 @p2 $0x1  }
0x17: {  	s4 =	simm.s32 $0x1BF5;
	[smem:$0x3FB5] =	sst s0  }
0x18: {  	s0 =	sld [smem:$0x3F98];
	_ =	swait.ge [sflag:s4], $0x0  }
0x19: {  	s7 =	sld [smem:$0x3F99]  }
0x1a: {  	s8 =	sadd.s32 $0xFFFFE003, lr  }
0x1b: {  	s9 =	sadd.s32 $0xFFFFFEF7, lr;
	s5 =	simm.s32 $0xFFFFFFFF;
	p2 =	slt.u32 s8, $0xFFFFF086  }
0x1c: {  	p1 =	slt.u32 s9, $0xF7A;
	s5 =	simm.s32 @!p2 $0x0  }
0x1d: {  	s5 =	simm.s32 @p1 $0x1;
	p0 =	seq.s32 s7, s2  }
0x1e: {  	s7 =	smul.u32 @!p0 $0xF7A, s2;
	p2 =	seq.s32 @!p0 s5, $0x0  }
0x1f: {  	s9 =	smul.u32 $0xF7A, s1;
	s8 =	simm.s32 @!p0 $0x1BF5;
	p2 =	por !p2, p0  }
0x20: {  	[sflag:s8] =	ssyncset.s32 @!p0 $0xFFFFF086;
	s6 =	sadd.s32 @!p0 s3, s7;
	s7 =	simm.s32 @!p0 $0x108  }
0x21: {  	s3 =	sadd.s32 s3, s9;
	s6 =	sadd.s32 @!p0 $0x88, s6;
	s7 =	simm.s32 @p2 $0x1082  }
0x22: {  	[simem:s7], [sflag:s8] =	dma.local @!p0 [hbm:s6], $0xF7A  }
0x23: {  	s9 =	sor.u32 $0xD0000000, s2;
	s6 =	simm.s32 $0x108;
	_ =	swait.ge @!p0 [sflag:s8], $0x0  }
0x24: {  	s3 =	sadd.s32 $0x88, s3;
	s6 =	simm.s32 @!p1 $0x1082;
	[sflag:s4] =	ssyncset.s32 $0xFFFFF086  }
0x25: {  	[simem:s6], [sflag:s4] =	dma.local [hbm:s3], $0xF7A  }
0x26: {  	[smem:$0x3F99] =	sst s1;
	(tag) =	ssettag s2;
	_ =	strace s9  }
0x27: {  	s1 =	sld [smem:$0x3FA9]  }
0x28: {  	s2 =	sld [smem:$0x3FAA]  }
0x29: {  	s4 =	sld [smem:$0x3FAC]  }
0x2a: {  	p0 =	seq.s32 s5, $0x0;
	s5 =	sld [smem:$0x3FAD]  }
0x2b: {  	s6 =	sld [smem:$0x3FAE]  }
0x2c: {  	s7 =	sld [smem:$0x3FAF]  }
0x2d: {  	s3 =	simm.s32 $0x108;
	s8 =	sld [smem:$0x3FB0]  }
0x2e: {  	s3 =	simm.s32 @!p0 $0x1082;
	s9 =	sld [smem:$0x3FB1]  }
0x2f: {  	lr =	sadd.s32 s0, s3;
	s0 =	sld [smem:$0x3FA8]  }
0x30: {  	s3 =	sld [smem:$0x3FAB]  }
0x31: {  	[smem:$0x3FB4] =	sst s10  }
0x32: {  	s10 =	sld [smem:$0x3FB2];
	_ =	sdelay $0x3  }
0x33: {  	p0 =	seq.s32 s10, $0x1;
	s10 =	sld [smem:$0x3FB4];
	_ =	sdelay $0x3  }
0x34: {  	[smem:$0x3FB4] =	sst s10  }
0x35: {  	s10 =	sld [smem:$0x3FB3];
	_ =	sdelay $0x3  }
0x36: {  	p1 =	seq.s32 s10, $0x1;
	s10 =	sld [smem:$0x3FB4];
	_ =	sdelay $0x3  }
0x37: {  	[smem:$0x3FB4] =	sst s10  }
0x38: {  	s10 =	sld [smem:$0x3FB5]  }
0x39: {  	_ = 	snop;
	(pc) =	sbr.ind lr, $3  }
0x3a: {  	_ = 	snop  }
0x3b: {  	_ = 	snop  }
0x3c: {  	p2 =	seq.s32 s10, $0x1;
	s10 =	sld [smem:$0x3FB4]  }
0x3d: {  	_ =	shalt  }
0x3e: {  	_ =	shalt  }
0x3f: {  	_ =	shalt  }
0x40: {  	_ =	shalt  }
0x41: {  	_ =	shalt  }
0x42: {  	_ =	shalt  }
0x43: {  	_ =	shalt  }
0x44: {  	_ =	shalt  }
0x45: {  	_ =	shalt  }
0x46: {  	_ =	shalt  }
0x47: {  	_ =	shalt  }
0x48: {  	_ =	shalt  }
0x49: {  	_ =	shalt  }
0x4a: {  	_ =	shalt  }
0x4b: {  	_ =	shalt  }
0x4c: {  	_ =	shalt  }
0x4d: {  	_ =	shalt  }
0x4e: {  	_ =	shalt  }
0x4f: {  	_ =	shalt  }
0x50: {  	_ =	shalt  }
0x51: {  	_ =	shalt  }
0x52: {  	_ =	shalt  }
0x53: {  	_ =	shalt  }
0x54: {  	_ =	shalt  }
0x55: {  	_ =	shalt  }
0x56: {  	_ =	shalt  }
0x57: {  	_ =	shalt  }
0x58: {  	_ =	shalt  }
0x59: {  	_ =	shalt  }
0x5a: {  	_ =	shalt  }
0x5b: {  	_ =	shalt  }
0x5c: {  	_ =	shalt  }
0x5d: {  	_ =	shalt  }
0x5e: {  	_ =	shalt  }
0x5f: {  	_ =	shalt  }
0x60: {  	_ =	shalt  }
0x61: {  	_ =	shalt  }
0x62: {  	_ =	shalt  }
0x63: {  	_ =	shalt  }
0x64: {  	_ =	shalt  }
0x65: {  	_ =	shalt  }
0x66: {  	_ =	shalt  }
0x67: {  	_ =	shalt  }
0x68: {  	_ =	shalt  }
0x69: {  	_ =	shalt  }
0x6a: {  	_ =	shalt  }
0x6b: {  	_ =	shalt  }
0x6c: {  	_ =	shalt  }
0x6d: {  	_ =	shalt  }
0x6e: {  	_ =	shalt  }
0x6f: {  	_ =	shalt  }
0x70: {  	_ =	shalt  }
0x71: {  	_ =	shalt  }
0x72: {  	_ =	shalt  }
0x73: {  	_ =	shalt  }
0x74: {  	_ =	shalt  }
0x75: {  	_ =	shalt  }
0x76: {  	_ =	shalt  }
0x77: {  	_ =	shalt  }
0x78: {  	_ =	shalt  }
0x79: {  	_ =	shalt  }
0x7a: {  	_ =	shalt  }
0x7b: {  	_ =	shalt  }
0x7c: {  	_ =	shalt  }
0x7d: {  	_ =	shalt  }
0x7e: {  	_ =	shalt  }
0x7f: {  	_ =	shalt  }
0x80: {  	_ =	shalt  }
0x81: {  	_ =	shalt  }
0x82: {  	_ =	shalt  }
0x83: {  	_ =	shalt  }
0x84: {  	_ =	shalt  }
0x85: {  	_ =	shalt  }
0x86: {  	_ =	shalt  }
0x87: {  	_ =	shalt  }
.Lfunc_end0:
.L_simem_size_0:
called_computation_lowered:
.L_overlay_start_0:
0x88: {  	s2 =	sld [smem:$0x3FD9]  }
0x89: {  	s3 =	sld [smem:$0x3FFE];
	_ =	sdelay $0x1  }
0x8a: {  	s1 =	srdreg.scid  }
0x8b: {  	s0 =	sand.u32 $0x1, s1  }
0x8c: {  	s17 =	sshll.u32 s0, $0xA;
	s2 =	sadd.s32 s3, s2  }
0x8d: {  	s2 =	sadd.s32 s2, s17  }
0x8e: {  	[smem:$0x3FC0] =	sst s2  }
0x8f: {  	_ = 	snop  }
0x90: {  	s2 =	sld [smem:$0x3FD0];
	(tm) =	ssettm $0x1  }
0x91: {  	s18 =	sld [smem:$0x3FFB];
	_ =	sdelay $0x3  }
0x92: {  	_ =	strace s18  }
0x93: {  	s3 =	sld [smem:$0x3FFC];
	_ =	sdelay $0x3  }
0x94: {  	_ =	strace s3  }
0x95: {  	s3 =	sld [smem:$0x3FFD];
	_ =	sdelay $0x3  }
0x96: {  	_ =	strace s3  }
0x97: {  	_ =	strace $0x8FFFFFFF  }
0x98: {  	s19 =	sld [smem:$0x3FDB];
	_ =	sdelay $0x1  }
0x99: {  	s4 =	simm.s32 $_scs_section_size  }
0x9a: {  	s5 =	simm.s32 $_size__tile_overlayer_lowered;
	s6 =	simm.s32 $_tile_overlayer_lowered  }
0x9b: {  	s22 =	simm.s32 $0x1BFF;
	s21 =	sshll.u32 s6, $0x1;
	s3 =	sadd.s32 s4, s19  }
0x9c: {  	s7 =	simm.s32 $0x0;
	s20 =	sshll.u32 s5, $0x1;
	s5 =	sadd.s32 s21, s3  }
0x9d: {  	[timem:s7], [sflag:s22] =	dma.local [hbm:s5], s20  }
0x9e: {  	_ =	swait.ge [sflag:s22], s20  }
0x9f: {  	s4 =	ssub.s32 $0x0, s20;
	[sflag:s22] =	ssyncset.done $0x0  }
0xa0: {  	[sflag:s22] =	ssyncadd.s32 s4;
	_ =	sdelay $0x1  }
0xa1: {  	s23 =	simm.s32 $0x1B8B  }
0xa2: {  	_ =	swait.ge [sflag:s23], $0x1  }
0xa3: {  	[sflag:s23] =	ssyncset.done $0x0  }
0xa4: {  	s25 =	simm.s32 $0x1B8E;
	s24 =	sld [smem:$0x3FFE];
	[sflag:s23] =	ssyncadd.s32 $0xFFFFFFFF  }
0xa5: {  	s26 =	simm.s32 $execute0_lowered;
	[smem:$0x3FD2] =	sst s25  }
0xa6: {  	s5 =	sshll.u32 s26, $0x1;
	_ =	strace $0x80000046;
	[dreg:$0x1] =	wrdreg $0xFFFFFFFF  }
0xa7: {  	s28 =	simm.s32 $_size_execute0_lowered;
	s3 =	sadd.s32 s3, s5;
	[dreg:$0x0] =	wrdreg $0x0  }
0xa8: {  	s5 =	sshll.u32 s28, $0x1;
	[dreg:$0x2] =	wrdreg s3  }
0xa9: {  	[dreg:$0x3] =	wrdreg s5  }
0xaa: {  	[dreg:$0x4] =	wrdreg $0xC0  }
0xab: {  	_ =	task [dreg:s7], $0x5FFFF  }
0xac: {  	[dreg:$0x1] =	wrdreg $0xFFFFFFFF  }
0xad: {  	[dreg:$0x0] =	wrdreg $0x60  }
0xae: {  	[dreg:$0x2] =	wrdreg s24  }
0xaf: {  	[dreg:$0x3] =	wrdreg s2  }
0xb0: {  	[dreg:$0x4] =	wrdreg $0x9  }
0xb1: {  	_ =	task.clear_ibuf [dreg:s7], $0x5FFFF;
	_ =	strace $0x90000046  }
0xb2: {  	s29 =	simm.s32 $0x9;
	_ =	strace $0x80000048  }
0xb3: {  	_ =	swait.ge [sflag:s29], $0x1  }
0xb4: {  	[sflag:s29] =	ssyncadd.s32 $0xFFFFFFFF  }
0xb5: {  	_ =	strace $0x90000048  }
0xb6: {  	_ =	sfence  }
0xb7: {  	s30 =	sld [smem:$0x0];
	_ =	sdelay $0x2  }
0xb8: {  	s31 =	sshll.u32 s1, $0xD;
	s1 =	sshrl.u32 s1, $0x2  }
0xb9: {  	s3 =	sand.u32 $0x4000, s31;
	s1 =	sadd.s32 s1, s30  }
0xba: {  	s0 =	sor.u32 s3, s0;
	s1 =	sshll.u32 s1, $0x11  }
0xbb: {  	s0 =	sor.u32 s1, s0  }
0xbc: {  	s0 =	sadd.s32 $0x8F2B, s0  }
0xbd: {  	[sflag:s0] =	ssyncadd.remote.s32 $0x1  }
0xbe: {  	_ =	sfence.sel $0xFFFF  }
0xbf: {  	[dreg:$0x0] =	wrdreg $0xFFFFFFFF;
	(pc) =	sbr.abs _section_cstart, $3  }
0xc0: {  	[dreg:$0x1] =	wrdreg $0xFFFFFFFF  }
0xc1: {  	_ =	task.clear_ibuf [dreg:s7], $0x2FFFF;
	_ =	strace $0x9FFFFFFF  }
0xc2: {  	(tm) =	ssettm $0x7FFFFFFF  }
0xc3: {  	_ =	shalt  }
tec
execute0_lowered:
.L_overlay_start_1:
0x0: {  	(tag) =	ssettag $0x1  }
0x1: {  	s3 =	rddreg [dreg:$0x0];
	s1 =	srdreg.scid  }
0x2: {  	s0 =	stileid.u32;
	s4 =	rddreg [dreg:$0x1];
	s9 =	simm.s32 $0x400  }
0x3: {  	s5 =	sand.u32 $0x1, s1;
	s2 =	sshll.u32 s0, $0x1;
	s8 =	sshrl.u32 s0, $0x2  }
0x4: {  	s1 =	rddreg [dreg:$0x2];
	s6 =	sor.u32 s5, s2;
	s8 =	smul.u32 $0x14000, s8  }
0x5: {  	s2 =	simm.s32 $0x0;
	s5 =	ssub.s32 $0x2, s5;
	s7 =	smul.u32 $0x271, s6  }
0x6: {  	[smem:$0x7FF] =	sst s2;
	s6 =	sshll.u32 s6, $0x7;
	s31 =	sshrl.u32 s5, $0x1  }
0x7: {  	_ =	strace $0x80000047;
	s6 =	sand.u32 $0x380, s6;
	s5 =	ssub.s32 s5, s31  }
0x8: {  	s3 =	sadd.s32 s7, s3;
	s6 =	sor.u32 s8, s6;
	s5 =	smax.u32 s5, $0x1  }
0x9: {  	s7 =	simm.s32 $0x1400;
	s8 =	simm.s32 $0x80;
	s6 =	sshrl.u32 s6, $0x3  }
0xa: {  	v0 =	vimm.f32 $0.0e+00;
	v1 =	vimm.s32 $0x0;
	v2 =	vimm.f32 $1.000000000e+00;
	s3 =	sadd.s32 $0x3E00, s3;
	s4 =	sadd.s32 s4, s6;
	s6 =	simm.s32 $0x1  }
.LBB2_1:
0xb: {  	s10 =	simm.s32 $0x40;
	s11 =	simm.s32 $0x0  }
.LBB2_2:
0xc: {  	p0 =	sne.s32 s10, $0x9FC0;
	[tilespmem:s11+$0x1400] =	vst v0;
	s11 =	smov.u32 s10;
	s10 =	sadd.s32 $0x40, s10  }
.Ltmp0:
0xd: {  	(pc) =	sbr.rel @p0 .LBB2_2-.Ltmp0, $2  }
0xe: {  	_ =	sdelay $0x2  }
0xf: {  	s11 =	sshra.s32 s11, $0x2  }
0x10: {  	[tilespmem:s11+$0x1400] =	vst v0  }
0x11: {  	[tilespmem:$0x1378] =	vst v1  }
0x12: {  	s10 =	simm.s32 $0x0;
	[tilespmem:$0x1388] =	vst v1  }
0x13: {  	[tilespmem:s10], [sflag:$0x1] =	stream.linear.gather [hbm4b:s3+s10], $0x1388, $0x38;
	[tilespmem:$0x3C00] =	vst v63  }
0x14: {  	_ =	swait.ge [sflag:s6], $0x1388  }
0x15: {  	[sflag:s6] =	ssyncset.done $0x0  }
0x16: {  	s11 =	simm.s32 $0x0;
	s10 =	simm.s32 $0x40;
	[sflag:s6] =	ssyncadd.s32 $0xFFFFEC78  }
.LBB2_4:
0x17: {  	p0 =	sne.s32 s10, $0x4DC0;
	v3 =	vld [tilespmem:s11+$0x0];
	_ =	sdelay $0x3  }
.Ltmp1:
0x18: {  	(pc) =	sbr.rel @p0 .LBB2_4-.Ltmp1, $2  }
0x19: {  	_ =	sdelay $0x2  }
0x1a: {  	s11 =	sshra.s32 s10, $0x2;
	s10 =	sadd.s32 $0x40, s10;
	[tilespmem:v3+s7+$0x0] =	vst.idx.add.f32.msk $0xffff, v2  }
0x1b: {  	v3 =	vld [tilespmem:s11+$0x0];
	_ =	sdelay $0x7  }
0x1c: {  	[tilespmem:v3+s7+$0x0] =	vst.idx.add.f32.msk $0xffff, v2  }
0x1d: {  	v3 =	vld [tilespmem:$0x1380];
	_ =	sdelay $0x5  }
0x1e: {  	s2 =	sadd.s32 $0x1, s2  }
0x1f: {  	p0 =	sne.s32 s2, s5  }
.Ltmp2:
0x20: {  	[tilespmem:v3+s7+$0x0] =	vst.idx.add.f32.msk $0xff, v2;
	(pc) =	sbr.rel @p0 .LBB2_1-.Ltmp2, $4  }
0x21: {  	[hbm4b:s4+s8] =	stream.strided.scatter [tilespmem:s7], [sflag:$0x1], $0x2800, s9, s8, $0x38;
	[tilespmem:$0x3C00] =	vst v63  }
0x22: {  	_ =	swait.ge [sflag:s6], $0x2800  }
0x23: {  	[sflag:s6] =	ssyncset.done $0x0  }
0x24: {  	[sflag:s6] =	ssyncadd.s32 $0xFFFFD800  }
0x25: {  	_ =	sfence.sel $0x180000  }
0x26: {  	[bflag:$0x0] =	sbarrier.arrive $0xFFFF  }
0x27: {  	p0 =	sne.s32 s0, $0x0;
	_ =	strace $0x90000047  }
0x28: {  	s0 =	sadd.s32 @!p0 $0x100000, s1;
	[bflag:$0x2] =	sbarrier.arrive $0xFFFF  }
0x29: {  	[sflag:s0] =	ssyncadd.tile.s32 @!p0 $0x1;
	_ =	shalt  }
.Lfunc_end2:
_tile_overlayer_lowered:
.L_overlay_start_2:
0x2a: {  	(tag) =	ssettag $0x2  }
0x2b: {  	s0 =	rddreg [dreg:$0x0];
	s2 =	stileid.u32  }
0x2c: {  	s1 =	rddreg [dreg:$0x1];
	p0 =	sne.s32 s2, $0x0  }
0x2d: {  	s3 =	rddreg [dreg:$0x2];
	[bflag:$0x3] =	sbarrier.arrive $0xFFFF;
	s2 =	simm.s32 @!p0 $0x1C01  }
0x2e: {  	[timem:s3], [sflag:s2] =	dma.local @!p0 [hbm:s0], s1  }
0x2f: {  	s0 =	simm.s32 @!p0 $0x1  }
0x30: {  	_ =	swait.ge @!p0 [sflag:s0], s1  }
0x31: {  	s1 =	ssub.s32 @!p0 $0x0, s1;
	[sflag:s0] =	ssyncset.done @!p0 $0x0  }
0x32: {  	[sflag:s0] =	ssyncadd.s32 @!p0 s1  }
0x33: {  	[bflag:$0x3] =	sbarrier.arrive $0xFFFF  }
0x34: {  	_ =	shalt  }

</sc_bundles>
